<compile_context>
chip_gen: v7x
topology: tpu7x:2x2x1
jax: 0.10.2.dev20260603
libtpu: 0.0.44.dev20260713+nightly
codegen_flags: <defaults>
</compile_context>

<pallas_src>
import dataclasses
import functools

import jax
import jax.numpy as jnp
from jax import lax
from jax.experimental import pallas as pl
from jax.experimental.pallas import tpu as pltpu
from jax.experimental.pallas import tpu_sc as plsc

GRID = 0.01
NB = 65536
P1, P2, P3 = 73856093, 19349663, 83492791
B, N = 16, 50000
NCORE, NSUB, LANES = 2, 16, 16
NPAD = 51200
PER_SUB = NPAD // NSUB
CHUNKS = PER_SUB // LANES
JROWS = PER_SUB // 128
TW = 16
VJ = 13
VROWS = VJ * 128
ZROWS = 256
ROWS_PER_SUB = NB // NSUB
ENC_OUT = 1024
HID1 = 256
M_TILE = 8192
N_MT = NB // M_TILE


def _sc_body(b0, pts_hbm, zeros_hbm, out_hbm,
             pchunk, idxv, vals, zbuf, table):
    c = lax.axis_index("c")
    s = lax.axis_index("s")
    iota = lax.broadcasted_iota(jnp.int32, (LANES,), 0)
    col0 = jnp.zeros((LANES,), jnp.int32)
    col1 = col0 + 1
    col2 = col0 + 2
    col3 = col0 + 3
    gsz = jnp.float32(GRID)

    def vfloor(q):
        t = q.astype(jnp.int32)
        return jnp.where(t.astype(jnp.float32) > q, t - 1, t)

    pltpu.sync_copy(zeros_hbm, vals)
    pltpu.sync_copy(zeros_hbm.at[pl.ds(0, ZROWS)], zbuf)

    nb = out_hbm.shape[0]

    @pl.loop(0, nb // NCORE)
    def _batch(bi):
        b = c * (nb // NCORE) + bi
        bp = b0 + b

        for k in range(ROWS_PER_SUB // ZROWS):
            pltpu.sync_copy(zbuf, table.at[pl.ds(s * ROWS_PER_SUB + k * ZROWS, ZROWS)])
        plsc.subcore_barrier()

        base = s * PER_SUB
        pltpu.sync_copy(pts_hbm.at[bp, pl.ds(base * 3, PER_SUB * 3)], pchunk)

        for off, nstream in ((0, VJ), (VJ * 128, JROWS - VJ)):
            @pl.loop(0, nstream * (128 // LANES))
            def _chunk(ch):
                r0 = ch * LANES
                g0 = off + r0
                fb = (g0 + iota) * 3
                px = plsc.load_gather(pchunk, [fb])
                py = plsc.load_gather(pchunk, [fb + 1])
                pz = plsc.load_gather(pchunk, [fb + 2])
                cx = vfloor(px / gsz)
                cy = vfloor(py / gsz)
                cz = vfloor(pz / gsz)
                h = ((cx * P1) ^ (cy * P2) ^ (cz * P3)) & (NB - 1)
                gidx = base + g0 + iota
                cnt = jnp.where(gidx < N, jnp.float32(1.0), jnp.float32(0.0))
                rows = r0 + iota
                plsc.store_scatter(vals, [rows, col0], cnt)
                plsc.store_scatter(vals, [rows, col1], px)
                plsc.store_scatter(vals, [rows, col2], py)
                plsc.store_scatter(vals, [rows, col3], pz)
                jrow = jnp.full((LANES,), off // 128, jnp.int32) + (ch // 8)
                jcol = (ch & 7) * LANES + iota
                plsc.store_scatter(idxv, [jrow, jcol], h)

            @pl.loop(0, nstream)
            def _stream(j):
                pltpu.sync_copy(vals.at[pl.ds(j * 128, 128)],
                                table.at[idxv.at[off // 128 + j]], add=True)
        plsc.subcore_barrier()

        r = s * ROWS_PER_SUB
        pltpu.sync_copy(table.at[pl.ds(r, ROWS_PER_SUB)],
                        out_hbm.at[b, pl.ds(r, ROWS_PER_SUB)])
        plsc.subcore_barrier()


@functools.lru_cache(maxsize=2)
def _sc_call(nb, b0):
    mesh = plsc.VectorSubcoreMesh(core_axis_name="c", subcore_axis_name="s")
    cp = pltpu.CompilerParams()
    if "needs_layout_passes" in pltpu.CompilerParams.__dataclass_fields__:
        cp = dataclasses.replace(cp, needs_layout_passes=False)
    if "use_tc_tiling_on_sc" in pltpu.CompilerParams.__dataclass_fields__:
        cp = dataclasses.replace(cp, use_tc_tiling_on_sc=False)
    return pl.kernel(
        functools.partial(_sc_body, b0),
        mesh=mesh,
        compiler_params=cp,
        out_type=jax.ShapeDtypeStruct((nb, NB, TW), jnp.float32),
        scratch_types=[
            pltpu.VMEM((PER_SUB * 3,), jnp.float32),
            pltpu.VMEM((JROWS, 128), jnp.int32),
            pltpu.VMEM((VROWS, TW), jnp.float32),
            pltpu.VMEM((ZROWS, TW), jnp.float32),
            pltpu.VMEM_SHARED((NB, TW), jnp.float32),
        ],
    )


def _enc_body(t_ref, w1_ref, b1_ref, w2_ref, b2_ref, enc_ref, acc_ref):
    m = pl.program_id(1)

    @pl.when(m == 0)
    def _():
        acc_ref[...] = jnp.full((1, ENC_OUT), -jnp.inf, jnp.float32)

    tt = t_ref[0]
    t = jnp.concatenate([tt[:, k * TW:(k + 1) * TW] for k in range(8)], axis=0)
    cnt = t[:, 0:1]
    colid = lax.broadcasted_iota(jnp.int32, (1, TW), 1)
    feat = jnp.where(colid == 0, t, t / jnp.maximum(cnt, 1.0))
    hdn = jnp.dot(feat.astype(jnp.bfloat16), w1_ref[...],
                  preferred_element_type=jnp.float32)
    hdn = jnp.maximum(hdn + b1_ref[...][None, :], 0.0)
    out = jnp.dot(hdn.astype(jnp.bfloat16), w2_ref[...],
                  preferred_element_type=jnp.float32)
    masked = jnp.where(cnt > 0.0, out, -jnp.inf)
    part = jnp.max(masked, axis=0)
    acc_ref[0, :] = jnp.maximum(acc_ref[0, :], part)

    @pl.when(m == N_MT - 1)
    def _():
        enc_ref[0, 0, :] = acc_ref[0, :] + b2_ref[...]


def _enc_call(tables, w1p, b1, w2bf, b2, interpret=False):
    nb = tables.shape[0]
    return pl.pallas_call(
        _enc_body,
        grid=(nb, N_MT),
        in_specs=[
            pl.BlockSpec((1, M_TILE // 8, 128), lambda b, m: (b, m, 0)),
            pl.BlockSpec((TW, HID1), lambda b, m: (0, 0)),
            pl.BlockSpec((HID1,), lambda b, m: (0,)),
            pl.BlockSpec((HID1, ENC_OUT), lambda b, m: (0, 0)),
            pl.BlockSpec((ENC_OUT,), lambda b, m: (0,)),
        ],
        out_specs=pl.BlockSpec((1, 1, ENC_OUT), lambda b, m: (b, 0, 0)),
        out_shape=jax.ShapeDtypeStruct((nb, 1, ENC_OUT), jnp.float32),
        scratch_shapes=[pltpu.VMEM((1, ENC_OUT), jnp.float32)],
        interpret=interpret,
    )(tables, w1p, b1, w2bf, b2).reshape(nb, ENC_OUT)


def _reg_body(enc_ref, wr1_ref, br1_ref, wr2_ref, br2_ref, out_ref):
    h = jnp.dot(enc_ref[...], wr1_ref[...], preferred_element_type=jnp.float32)
    h = jnp.maximum(h + br1_ref[...][None, :], 0.0)
    out = jnp.dot(h, wr2_ref[...], preferred_element_type=jnp.float32)
    out_ref[...] = out + br2_ref[...][None, :]


def _reg_call(enc, wr1, br1, wr2, br2, interpret=False):
    return pl.pallas_call(
        _reg_body,
        out_shape=jax.ShapeDtypeStruct((B, wr2.shape[1]), jnp.float32),
        interpret=interpret,
    )(enc, wr1, br1, wr2, br2)


def kernel(input, W1, b1, W2, b2, Wr1, br1, Wr2, br2):
    pts_flat = input.reshape(B, N * 3)
    pts_pad = jnp.pad(pts_flat, ((0, 0), (0, (NPAD - N) * 3)))
    zeros_hbm = jnp.zeros((VROWS, TW), jnp.float32)
    w1p = jnp.pad(W1, ((0, TW - W1.shape[0]), (0, 0))).astype(jnp.bfloat16)
    w2bf = W2.astype(jnp.bfloat16)
    half = B // 2
    encs = []
    for h in range(2):
        tables = _sc_call(half, h * half)(pts_pad, zeros_hbm)
        tables = tables.reshape(half, NB // 8, 128)
        encs.append(_enc_call(tables, w1p, b1, w2bf, b2))
    enc = jnp.concatenate(encs, axis=0)
    pose = _reg_call(enc, Wr1, br1, Wr2, br2)
    return pose

# --- scband reference (transcript-rebuilt; emitter-appended) ---
"""Pipeline reference for scband-pose-mink-loc-53231824667058 (READ-ONLY COPY).

The authoritative reference and input builder live on the scoring server;
editing this copy changes nothing except your own understanding.
"""

import jax, jax.numpy as jnp
import numpy as np

GRID_SIZE = 0.01
ENC_OUT = 1024
HIDDEN = 512
NUM_BUCKETS = 65536
P1, P2, P3 = 73856093, 19349663, 83492791


def setup_inputs(seed: int = 0) -> dict:
    key = jax.random.key(seed)
    ks = jax.random.split(key, 9)
    B, N = 16, 50000
    # point clouds roughly in a few-meter cube so grid_size=0.01 gives dense voxel occupancy
    points = jax.random.normal(ks[0], (B, N, 3), dtype=jnp.float32) * 2.0
    # encoder MLP on voxel features (count + centroid) -> 1024-d sparse-conv-net surrogate
    W1 = jax.random.normal(ks[1], (4, 256), dtype=jnp.float32) * 0.05
    b1 = jnp.zeros((256,), dtype=jnp.float32)
    W2 = jax.random.normal(ks[2], (256, ENC_OUT), dtype=jnp.float32) * 0.05
    b2 = jnp.zeros((ENC_OUT,), dtype=jnp.float32)
    # MARegressor: 1024 -> hidden_units -> 7 (translation + quaternion pose)
    Wr1 = jax.random.normal(ks[3], (ENC_OUT, HIDDEN), dtype=jnp.float32) * 0.05
    br1 = jnp.zeros((HIDDEN,), dtype=jnp.float32)
    Wr2 = jax.random.normal(ks[4], (HIDDEN, 7), dtype=jnp.float32) * 0.05
    br2 = jnp.zeros((7,), dtype=jnp.float32)
    return {"input": points, "W1": W1, "b1": b1, "W2": W2, "b2": b2,
            "Wr1": Wr1, "br1": br1, "Wr2": Wr2, "br2": br2}


def _encode_one(pts, W1, b1, W2, b2):
    # sparse_quantize: floor-divide by grid, dedup via spatial hash buckets
    c = jnp.floor(pts / GRID_SIZE).astype(jnp.int32)
    h = jnp.mod(c[:, 0] * P1 ^ c[:, 1] * P2 ^ c[:, 2] * P3, NUM_BUCKETS).astype(jnp.int32)
    ones = jnp.ones((pts.shape[0],), dtype=pts.dtype)
    counts = jax.ops.segment_sum(ones, h, num_segments=NUM_BUCKETS)          # scatter-add (feature=1 per voxel)
    sums = jax.ops.segment_sum(pts, h, num_segments=NUM_BUCKETS)             # scatter-add of raw coords
    occ = counts > 0
    centroid = sums / jnp.maximum(counts, 1.0)[:, None]
    feat = jnp.concatenate([counts[:, None], centroid], axis=1)              # [M, 4]
    hdn = jax.nn.relu(feat @ W1 + b1)
    out = hdn @ W2 + b2                                                      # [M, 1024]
    out = jnp.where(occ[:, None], out, -1e9)
    return jnp.max(out, axis=0)                                              # global max pool -> [1024]


def reference(input, W1, b1, W2, b2, Wr1, br1, Wr2, br2):
    # original: if input.shape[-1] != 3: transpose(1,2) -- already [B, N, 3]
    enc = jax.vmap(lambda p: _encode_one(p, W1, b1, W2, b2))(input)          # [B, 1024]
    h = jax.nn.relu(enc @ Wr1 + br1)
    pose = h @ Wr2 + br2                                                     # [B, 7]
    return pose

if __name__ == "__main__":
    import jax
    _d = setup_inputs()
    print(jax.jit(kernel)(*tuple(_d.values())))

</pallas_src>

<mosaic_0001>
#map = affine_map<(d0, d1) -> (0, 0)>
#map1 = affine_map<(d0, d1) -> (0, 0, 0)>
module attributes {stable_mosaic.version = 14 : i64} {
  func.func @_sc_body(%arg0: i32, %arg1: i32, %arg2: memref<16x153600xf32, #tpu.memory_space<hbm>>, %arg3: memref<1664x16xf32, #tpu.memory_space<hbm>>, %arg4: memref<8x65536x16xf32, #tpu.memory_space<hbm>>, %arg5: memref<9600xf32, #tpu.memory_space<vmem>>, %arg6: memref<25x128xi32, #tpu.memory_space<vmem>>, %arg7: memref<1664x16xf32, #tpu.memory_space<vmem>>, %arg8: memref<256x16xf32, #tpu.memory_space<vmem>>, %arg9: memref<65536x16xf32, #tpu.memory_space<vmem_shared>>) attributes {dimension_semantics = [#tpu.dimension_semantics<core_parallel>, #tpu.dimension_semantics<subcore_parallel>], iteration_bounds = array<i64: 2, 16>, scalar_prefetch = 0 : i64, scratch_operands = 5 : i64, tpu.core_type = #tpu.core_type<sc_vector_subcore>, window_params = [{transform_indices = #map}, {transform_indices = #map}, {transform_indices = #map1}]} {
    %iota3A = tpu.iota {dimensions = array<i32: 0>} : vector<16xi32>
    %broadcast_in_dim3A = arith.constant 0 : i32
    %broadcast_in_dim3A_0 = vector.broadcast %broadcast_in_dim3A : i32 to vector<16xi32>
    %add3A = arith.constant 1 : i32
    %add3A_1 = vector.broadcast %add3A : i32 to vector<16xi32>
    %add3A_2 = arith.addi %broadcast_in_dim3A_0, %add3A_1 : vector<16xi32>
    %add3A_3 = arith.constant 2 : i32
    %add3A_4 = vector.broadcast %add3A_3 : i32 to vector<16xi32>
    %add3A_5 = arith.addi %broadcast_in_dim3A_0, %add3A_4 : vector<16xi32>
    %add3A_6 = arith.constant 3 : i32
    %add3A_7 = vector.broadcast %add3A_6 : i32 to vector<16xi32>
    %add3A_8 = arith.addi %broadcast_in_dim3A_0, %add3A_7 : vector<16xi32>
    "tpu.region"() ({
      %run_scoped3A = tpu.sem_alloc : memref<!tpu.dma_semaphore, #tpu.memory_space<semaphore_mem>>
      tpu.enqueue_dma source(%arg3 : memref<1664x16xf32, #tpu.memory_space<hbm>>) target(%arg7 : memref<1664x16xf32, #tpu.memory_space<vmem>>) target_semaphore(%run_scoped3A : memref<!tpu.dma_semaphore, #tpu.memory_space<semaphore_mem>>)
      tpu.wait_dma2 semaphore(%run_scoped3A : memref<!tpu.dma_semaphore, #tpu.memory_space<semaphore_mem>>) src(%arg3 : memref<1664x16xf32, #tpu.memory_space<hbm>>) dst(%arg7 : memref<1664x16xf32, #tpu.memory_space<vmem>>)
      tpu.yield
    }) : () -> ()
    "tpu.region"() ({
      %run_scoped3A = tpu.sem_alloc : memref<!tpu.dma_semaphore, #tpu.memory_space<semaphore_mem>>
      %dma_start3A = arith.constant 0 : i32
      %dma_start3A_14 = arith.constant 0 : i32
      %dma_start3A_15 = tpu.memref_slice %arg3[%dma_start3A, %dma_start3A_14] : memref<1664x16xf32, #tpu.memory_space<hbm>> -> memref<256x16xf32, #tpu.memory_space<hbm>>
      %dma_start3A_16 = arith.constant 0 : i32
      %dma_start3A_17 = arith.constant 0 : i32
      %dma_start3A_18 = tpu.memref_slice %arg3[%dma_start3A_16, %dma_start3A_17] : memref<1664x16xf32, #tpu.memory_space<hbm>> -> memref<256x16xf32, #tpu.memory_space<hbm>>
      tpu.enqueue_dma source(%dma_start3A_18 : memref<256x16xf32, #tpu.memory_space<hbm>>) target(%arg8 : memref<256x16xf32, #tpu.memory_space<vmem>>) target_semaphore(%run_scoped3A : memref<!tpu.dma_semaphore, #tpu.memory_space<semaphore_mem>>)
      %dma_wait3A = arith.constant 0 : i32
      %dma_wait3A_19 = arith.constant 0 : i32
      %dma_wait3A_20 = tpu.memref_slice %arg3[%dma_wait3A, %dma_wait3A_19] : memref<1664x16xf32, #tpu.memory_space<hbm>> -> memref<256x16xf32, #tpu.memory_space<hbm>>
      %dma_wait3A_21 = arith.constant 0 : i32
      %dma_wait3A_22 = arith.constant 0 : i32
      %dma_wait3A_23 = tpu.memref_slice %arg3[%dma_wait3A_21, %dma_wait3A_22] : memref<1664x16xf32, #tpu.memory_space<hbm>> -> memref<256x16xf32, #tpu.memory_space<hbm>>
      tpu.wait_dma2 semaphore(%run_scoped3A : memref<!tpu.dma_semaphore, #tpu.memory_space<semaphore_mem>>) src(%dma_wait3A_23 : memref<256x16xf32, #tpu.memory_space<hbm>>) dst(%arg8 : memref<256x16xf32, #tpu.memory_space<vmem>>)
      tpu.yield
    }) : () -> ()
    %scan3A = arith.constant 0.00999999977 : f32
    %scan3A_9 = arith.constant 0 : i32
    %scan3A_10 = arith.constant 4 : i32
    %scan3A_11 = arith.addi %scan3A_9, %scan3A_10 : i32
    %scan3A_12 = arith.constant 1 : i32
    scf.for %scan3A_14 = %scan3A_9 to %scan3A_11 step %scan3A_12  : i32 {
      %mul3A = arith.constant 1 : i32
      %mul3A_15 = arith.muli %scan3A_14, %mul3A : i32
      %add3A_16 = arith.constant 0 : i32
      %add3A_17 = arith.addi %add3A_16, %mul3A_15 : i32
      %mul3A_18 = arith.constant 4 : i32
      %mul3A_19 = arith.muli %arg0, %mul3A_18 : i32
      %add3A_20 = arith.addi %mul3A_19, %add3A_17 : i32
      %add3A_21 = arith.constant 0 : i32
      %add3A_22 = arith.addi %add3A_21, %add3A_20 : i32
      %mul3A_23 = arith.constant 4096 : i32
      %mul3A_24 = arith.muli %arg1, %mul3A_23 : i32
      %add3A_25 = arith.constant 0 : i32
      %add3A_26 = arith.addi %mul3A_24, %add3A_25 : i32
      "tpu.region"() ({
        %run_scoped3A = tpu.sem_alloc : memref<!tpu.dma_semaphore, #tpu.memory_space<semaphore_mem>>
        %dma_start3A = arith.constant 0 : i32
        %dma_start3A_115 = tpu.memref_slice %arg9[%add3A_26, %dma_start3A] : memref<65536x16xf32, #tpu.memory_space<vmem_shared>> -> memref<256x16xf32, #tpu.memory_space<vmem_shared>>
        %dma_start3A_116 = arith.constant 0 : i32
        %dma_start3A_117 = tpu.memref_slice %arg9[%add3A_26, %dma_start3A_116] : memref<65536x16xf32, #tpu.memory_space<vmem_shared>> -> memref<256x16xf32, #tpu.memory_space<vmem_shared>>
        tpu.enqueue_dma source(%arg8 : memref<256x16xf32, #tpu.memory_space<vmem>>) target(%dma_start3A_117 : memref<256x16xf32, #tpu.memory_space<vmem_shared>>) target_semaphore(%run_scoped3A : memref<!tpu.dma_semaphore, #tpu.memory_space<semaphore_mem>>)
        %dma_wait3A = arith.constant 0 : i32
        %dma_wait3A_118 = tpu.memref_slice %arg9[%add3A_26, %dma_wait3A] : memref<65536x16xf32, #tpu.memory_space<vmem_shared>> -> memref<256x16xf32, #tpu.memory_space<vmem_shared>>
        %dma_wait3A_119 = arith.constant 0 : i32
        %dma_wait3A_120 = tpu.memref_slice %arg9[%add3A_26, %dma_wait3A_119] : memref<65536x16xf32, #tpu.memory_space<vmem_shared>> -> memref<256x16xf32, #tpu.memory_space<vmem_shared>>
        tpu.wait_dma2 semaphore(%run_scoped3A : memref<!tpu.dma_semaphore, #tpu.memory_space<semaphore_mem>>) src(%arg8 : memref<256x16xf32, #tpu.memory_space<vmem>>) dst(%dma_wait3A_120 : memref<256x16xf32, #tpu.memory_space<vmem_shared>>)
        tpu.yield
      }) : () -> ()
      %mul3A_27 = arith.constant 4096 : i32
      %mul3A_28 = arith.muli %arg1, %mul3A_27 : i32
      %add3A_29 = arith.constant 256 : i32
      %add3A_30 = arith.addi %mul3A_28, %add3A_29 : i32
      "tpu.region"() ({
        %run_scoped3A = tpu.sem_alloc : memref<!tpu.dma_semaphore, #tpu.memory_space<semaphore_mem>>
        %dma_start3A = arith.constant 0 : i32
        %dma_start3A_115 = tpu.memref_slice %arg9[%add3A_30, %dma_start3A] : memref<65536x16xf32, #tpu.memory_space<vmem_shared>> -> memref<256x16xf32, #tpu.memory_space<vmem_shared>>
        %dma_start3A_116 = arith.constant 0 : i32
        %dma_start3A_117 = tpu.memref_slice %arg9[%add3A_30, %dma_start3A_116] : memref<65536x16xf32, #tpu.memory_space<vmem_shared>> -> memref<256x16xf32, #tpu.memory_space<vmem_shared>>
        tpu.enqueue_dma source(%arg8 : memref<256x16xf32, #tpu.memory_space<vmem>>) target(%dma_start3A_117 : memref<256x16xf32, #tpu.memory_space<vmem_shared>>) target_semaphore(%run_scoped3A : memref<!tpu.dma_semaphore, #tpu.memory_space<semaphore_mem>>)
        %dma_wait3A = arith.constant 0 : i32
        %dma_wait3A_118 = tpu.memref_slice %arg9[%add3A_30, %dma_wait3A] : memref<65536x16xf32, #tpu.memory_space<vmem_shared>> -> memref<256x16xf32, #tpu.memory_space<vmem_shared>>
        %dma_wait3A_119 = arith.constant 0 : i32
        %dma_wait3A_120 = tpu.memref_slice %arg9[%add3A_30, %dma_wait3A_119] : memref<65536x16xf32, #tpu.memory_space<vmem_shared>> -> memref<256x16xf32, #tpu.memory_space<vmem_shared>>
        tpu.wait_dma2 semaphore(%run_scoped3A : memref<!tpu.dma_semaphore, #tpu.memory_space<semaphore_mem>>) src(%arg8 : memref<256x16xf32, #tpu.memory_space<vmem>>) dst(%dma_wait3A_120 : memref<256x16xf32, #tpu.memory_space<vmem_shared>>)
        tpu.yield
      }) : () -> ()
      %mul3A_31 = arith.constant 4096 : i32
      %mul3A_32 = arith.muli %arg1, %mul3A_31 : i32
      %add3A_33 = arith.constant 512 : i32
      %add3A_34 = arith.addi %mul3A_32, %add3A_33 : i32
      "tpu.region"() ({
        %run_scoped3A = tpu.sem_alloc : memref<!tpu.dma_semaphore, #tpu.memory_space<semaphore_mem>>
        %dma_start3A = arith.constant 0 : i32
        %dma_start3A_115 = tpu.memref_slice %arg9[%add3A_34, %dma_start3A] : memref<65536x16xf32, #tpu.memory_space<vmem_shared>> -> memref<256x16xf32, #tpu.memory_space<vmem_shared>>
        %dma_start3A_116 = arith.constant 0 : i32
        %dma_start3A_117 = tpu.memref_slice %arg9[%add3A_34, %dma_start3A_116] : memref<65536x16xf32, #tpu.memory_space<vmem_shared>> -> memref<256x16xf32, #tpu.memory_space<vmem_shared>>
        tpu.enqueue_dma source(%arg8 : memref<256x16xf32, #tpu.memory_space<vmem>>) target(%dma_start3A_117 : memref<256x16xf32, #tpu.memory_space<vmem_shared>>) target_semaphore(%run_scoped3A : memref<!tpu.dma_semaphore, #tpu.memory_space<semaphore_mem>>)
        %dma_wait3A = arith.constant 0 : i32
        %dma_wait3A_118 = tpu.memref_slice %arg9[%add3A_34, %dma_wait3A] : memref<65536x16xf32, #tpu.memory_space<vmem_shared>> -> memref<256x16xf32, #tpu.memory_space<vmem_shared>>
        %dma_wait3A_119 = arith.constant 0 : i32
        %dma_wait3A_120 = tpu.memref_slice %arg9[%add3A_34, %dma_wait3A_119] : memref<65536x16xf32, #tpu.memory_space<vmem_shared>> -> memref<256x16xf32, #tpu.memory_space<vmem_shared>>
        tpu.wait_dma2 semaphore(%run_scoped3A : memref<!tpu.dma_semaphore, #tpu.memory_space<semaphore_mem>>) src(%arg8 : memref<256x16xf32, #tpu.memory_space<vmem>>) dst(%dma_wait3A_120 : memref<256x16xf32, #tpu.memory_space<vmem_shared>>)
        tpu.yield
      }) : () -> ()
      %mul3A_35 = arith.constant 4096 : i32
      %mul3A_36 = arith.muli %arg1, %mul3A_35 : i32
      %add3A_37 = arith.constant 768 : i32
      %add3A_38 = arith.addi %mul3A_36, %add3A_37 : i32
      "tpu.region"() ({
        %run_scoped3A = tpu.sem_alloc : memref<!tpu.dma_semaphore, #tpu.memory_space<semaphore_mem>>
        %dma_start3A = arith.constant 0 : i32
        %dma_start3A_115 = tpu.memref_slice %arg9[%add3A_38, %dma_start3A] : memref<65536x16xf32, #tpu.memory_space<vmem_shared>> -> memref<256x16xf32, #tpu.memory_space<vmem_shared>>
        %dma_start3A_116 = arith.constant 0 : i32
        %dma_start3A_117 = tpu.memref_slice %arg9[%add3A_38, %dma_start3A_116] : memref<65536x16xf32, #tpu.memory_space<vmem_shared>> -> memref<256x16xf32, #tpu.memory_space<vmem_shared>>
        tpu.enqueue_dma source(%arg8 : memref<256x16xf32, #tpu.memory_space<vmem>>) target(%dma_start3A_117 : memref<256x16xf32, #tpu.memory_space<vmem_shared>>) target_semaphore(%run_scoped3A : memref<!tpu.dma_semaphore, #tpu.memory_space<semaphore_mem>>)
        %dma_wait3A = arith.constant 0 : i32
        %dma_wait3A_118 = tpu.memref_slice %arg9[%add3A_38, %dma_wait3A] : memref<65536x16xf32, #tpu.memory_space<vmem_shared>> -> memref<256x16xf32, #tpu.memory_space<vmem_shared>>
        %dma_wait3A_119 = arith.constant 0 : i32
        %dma_wait3A_120 = tpu.memref_slice %arg9[%add3A_38, %dma_wait3A_119] : memref<65536x16xf32, #tpu.memory_space<vmem_shared>> -> memref<256x16xf32, #tpu.memory_space<vmem_shared>>
        tpu.wait_dma2 semaphore(%run_scoped3A : memref<!tpu.dma_semaphore, #tpu.memory_space<semaphore_mem>>) src(%arg8 : memref<256x16xf32, #tpu.memory_space<vmem>>) dst(%dma_wait3A_120 : memref<256x16xf32, #tpu.memory_space<vmem_shared>>)
        tpu.yield
      }) : () -> ()
      %mul3A_39 = arith.constant 4096 : i32
      %mul3A_40 = arith.muli %arg1, %mul3A_39 : i32
      %add3A_41 = arith.constant 1024 : i32
      %add3A_42 = arith.addi %mul3A_40, %add3A_41 : i32
      "tpu.region"() ({
        %run_scoped3A = tpu.sem_alloc : memref<!tpu.dma_semaphore, #tpu.memory_space<semaphore_mem>>
        %dma_start3A = arith.constant 0 : i32
        %dma_start3A_115 = tpu.memref_slice %arg9[%add3A_42, %dma_start3A] : memref<65536x16xf32, #tpu.memory_space<vmem_shared>> -> memref<256x16xf32, #tpu.memory_space<vmem_shared>>
        %dma_start3A_116 = arith.constant 0 : i32
        %dma_start3A_117 = tpu.memref_slice %arg9[%add3A_42, %dma_start3A_116] : memref<65536x16xf32, #tpu.memory_space<vmem_shared>> -> memref<256x16xf32, #tpu.memory_space<vmem_shared>>
        tpu.enqueue_dma source(%arg8 : memref<256x16xf32, #tpu.memory_space<vmem>>) target(%dma_start3A_117 : memref<256x16xf32, #tpu.memory_space<vmem_shared>>) target_semaphore(%run_scoped3A : memref<!tpu.dma_semaphore, #tpu.memory_space<semaphore_mem>>)
        %dma_wait3A = arith.constant 0 : i32
        %dma_wait3A_118 = tpu.memref_slice %arg9[%add3A_42, %dma_wait3A] : memref<65536x16xf32, #tpu.memory_space<vmem_shared>> -> memref<256x16xf32, #tpu.memory_space<vmem_shared>>
        %dma_wait3A_119 = arith.constant 0 : i32
        %dma_wait3A_120 = tpu.memref_slice %arg9[%add3A_42, %dma_wait3A_119] : memref<65536x16xf32, #tpu.memory_space<vmem_shared>> -> memref<256x16xf32, #tpu.memory_space<vmem_shared>>
        tpu.wait_dma2 semaphore(%run_scoped3A : memref<!tpu.dma_semaphore, #tpu.memory_space<semaphore_mem>>) src(%arg8 : memref<256x16xf32, #tpu.memory_space<vmem>>) dst(%dma_wait3A_120 : memref<256x16xf32, #tpu.memory_space<vmem_shared>>)
        tpu.yield
      }) : () -> ()
      %mul3A_43 = arith.constant 4096 : i32
      %mul3A_44 = arith.muli %arg1, %mul3A_43 : i32
      %add3A_45 = arith.constant 1280 : i32
      %add3A_46 = arith.addi %mul3A_44, %add3A_45 : i32
      "tpu.region"() ({
        %run_scoped3A = tpu.sem_alloc : memref<!tpu.dma_semaphore, #tpu.memory_space<semaphore_mem>>
        %dma_start3A = arith.constant 0 : i32
        %dma_start3A_115 = tpu.memref_slice %arg9[%add3A_46, %dma_start3A] : memref<65536x16xf32, #tpu.memory_space<vmem_shared>> -> memref<256x16xf32, #tpu.memory_space<vmem_shared>>
        %dma_start3A_116 = arith.constant 0 : i32
        %dma_start3A_117 = tpu.memref_slice %arg9[%add3A_46, %dma_start3A_116] : memref<65536x16xf32, #tpu.memory_space<vmem_shared>> -> memref<256x16xf32, #tpu.memory_space<vmem_shared>>
        tpu.enqueue_dma source(%arg8 : memref<256x16xf32, #tpu.memory_space<vmem>>) target(%dma_start3A_117 : memref<256x16xf32, #tpu.memory_space<vmem_shared>>) target_semaphore(%run_scoped3A : memref<!tpu.dma_semaphore, #tpu.memory_space<semaphore_mem>>)
        %dma_wait3A = arith.constant 0 : i32
        %dma_wait3A_118 = tpu.memref_slice %arg9[%add3A_46, %dma_wait3A] : memref<65536x16xf32, #tpu.memory_space<vmem_shared>> -> memref<256x16xf32, #tpu.memory_space<vmem_shared>>
        %dma_wait3A_119 = arith.constant 0 : i32
        %dma_wait3A_120 = tpu.memref_slice %arg9[%add3A_46, %dma_wait3A_119] : memref<65536x16xf32, #tpu.memory_space<vmem_shared>> -> memref<256x16xf32, #tpu.memory_space<vmem_shared>>
        tpu.wait_dma2 semaphore(%run_scoped3A : memref<!tpu.dma_semaphore, #tpu.memory_space<semaphore_mem>>) src(%arg8 : memref<256x16xf32, #tpu.memory_space<vmem>>) dst(%dma_wait3A_120 : memref<256x16xf32, #tpu.memory_space<vmem_shared>>)
        tpu.yield
      }) : () -> ()
      %mul3A_47 = arith.constant 4096 : i32
      %mul3A_48 = arith.muli %arg1, %mul3A_47 : i32
      %add3A_49 = arith.constant 1536 : i32
      %add3A_50 = arith.addi %mul3A_48, %add3A_49 : i32
      "tpu.region"() ({
        %run_scoped3A = tpu.sem_alloc : memref<!tpu.dma_semaphore, #tpu.memory_space<semaphore_mem>>
        %dma_start3A = arith.constant 0 : i32
        %dma_start3A_115 = tpu.memref_slice %arg9[%add3A_50, %dma_start3A] : memref<65536x16xf32, #tpu.memory_space<vmem_shared>> -> memref<256x16xf32, #tpu.memory_space<vmem_shared>>
        %dma_start3A_116 = arith.constant 0 : i32
        %dma_start3A_117 = tpu.memref_slice %arg9[%add3A_50, %dma_start3A_116] : memref<65536x16xf32, #tpu.memory_space<vmem_shared>> -> memref<256x16xf32, #tpu.memory_space<vmem_shared>>
        tpu.enqueue_dma source(%arg8 : memref<256x16xf32, #tpu.memory_space<vmem>>) target(%dma_start3A_117 : memref<256x16xf32, #tpu.memory_space<vmem_shared>>) target_semaphore(%run_scoped3A : memref<!tpu.dma_semaphore, #tpu.memory_space<semaphore_mem>>)
        %dma_wait3A = arith.constant 0 : i32
        %dma_wait3A_118 = tpu.memref_slice %arg9[%add3A_50, %dma_wait3A] : memref<65536x16xf32, #tpu.memory_space<vmem_shared>> -> memref<256x16xf32, #tpu.memory_space<vmem_shared>>
        %dma_wait3A_119 = arith.constant 0 : i32
        %dma_wait3A_120 = tpu.memref_slice %arg9[%add3A_50, %dma_wait3A_119] : memref<65536x16xf32, #tpu.memory_space<vmem_shared>> -> memref<256x16xf32, #tpu.memory_space<vmem_shared>>
        tpu.wait_dma2 semaphore(%run_scoped3A : memref<!tpu.dma_semaphore, #tpu.memory_space<semaphore_mem>>) src(%arg8 : memref<256x16xf32, #tpu.memory_space<vmem>>) dst(%dma_wait3A_120 : memref<256x16xf32, #tpu.memory_space<vmem_shared>>)
        tpu.yield
      }) : () -> ()
      %mul3A_51 = arith.constant 4096 : i32
      %mul3A_52 = arith.muli %arg1, %mul3A_51 : i32
      %add3A_53 = arith.constant 1792 : i32
      %add3A_54 = arith.addi %mul3A_52, %add3A_53 : i32
      "tpu.region"() ({
        %run_scoped3A = tpu.sem_alloc : memref<!tpu.dma_semaphore, #tpu.memory_space<semaphore_mem>>
        %dma_start3A = arith.constant 0 : i32
        %dma_start3A_115 = tpu.memref_slice %arg9[%add3A_54, %dma_start3A] : memref<65536x16xf32, #tpu.memory_space<vmem_shared>> -> memref<256x16xf32, #tpu.memory_space<vmem_shared>>
        %dma_start3A_116 = arith.constant 0 : i32
        %dma_start3A_117 = tpu.memref_slice %arg9[%add3A_54, %dma_start3A_116] : memref<65536x16xf32, #tpu.memory_space<vmem_shared>> -> memref<256x16xf32, #tpu.memory_space<vmem_shared>>
        tpu.enqueue_dma source(%arg8 : memref<256x16xf32, #tpu.memory_space<vmem>>) target(%dma_start3A_117 : memref<256x16xf32, #tpu.memory_space<vmem_shared>>) target_semaphore(%run_scoped3A : memref<!tpu.dma_semaphore, #tpu.memory_space<semaphore_mem>>)
        %dma_wait3A = arith.constant 0 : i32
        %dma_wait3A_118 = tpu.memref_slice %arg9[%add3A_54, %dma_wait3A] : memref<65536x16xf32, #tpu.memory_space<vmem_shared>> -> memref<256x16xf32, #tpu.memory_space<vmem_shared>>
        %dma_wait3A_119 = arith.constant 0 : i32
        %dma_wait3A_120 = tpu.memref_slice %arg9[%add3A_54, %dma_wait3A_119] : memref<65536x16xf32, #tpu.memory_space<vmem_shared>> -> memref<256x16xf32, #tpu.memory_space<vmem_shared>>
        tpu.wait_dma2 semaphore(%run_scoped3A : memref<!tpu.dma_semaphore, #tpu.memory_space<semaphore_mem>>) src(%arg8 : memref<256x16xf32, #tpu.memory_space<vmem>>) dst(%dma_wait3A_120 : memref<256x16xf32, #tpu.memory_space<vmem_shared>>)
        tpu.yield
      }) : () -> ()
      %mul3A_55 = arith.constant 4096 : i32
      %mul3A_56 = arith.muli %arg1, %mul3A_55 : i32
      %add3A_57 = arith.constant 2048 : i32
      %add3A_58 = arith.addi %mul3A_56, %add3A_57 : i32
      "tpu.region"() ({
        %run_scoped3A = tpu.sem_alloc : memref<!tpu.dma_semaphore, #tpu.memory_space<semaphore_mem>>
        %dma_start3A = arith.constant 0 : i32
        %dma_start3A_115 = tpu.memref_slice %arg9[%add3A_58, %dma_start3A] : memref<65536x16xf32, #tpu.memory_space<vmem_shared>> -> memref<256x16xf32, #tpu.memory_space<vmem_shared>>
        %dma_start3A_116 = arith.constant 0 : i32
        %dma_start3A_117 = tpu.memref_slice %arg9[%add3A_58, %dma_start3A_116] : memref<65536x16xf32, #tpu.memory_space<vmem_shared>> -> memref<256x16xf32, #tpu.memory_space<vmem_shared>>
        tpu.enqueue_dma source(%arg8 : memref<256x16xf32, #tpu.memory_space<vmem>>) target(%dma_start3A_117 : memref<256x16xf32, #tpu.memory_space<vmem_shared>>) target_semaphore(%run_scoped3A : memref<!tpu.dma_semaphore, #tpu.memory_space<semaphore_mem>>)
        %dma_wait3A = arith.constant 0 : i32
        %dma_wait3A_118 = tpu.memref_slice %arg9[%add3A_58, %dma_wait3A] : memref<65536x16xf32, #tpu.memory_space<vmem_shared>> -> memref<256x16xf32, #tpu.memory_space<vmem_shared>>
        %dma_wait3A_119 = arith.constant 0 : i32
        %dma_wait3A_120 = tpu.memref_slice %arg9[%add3A_58, %dma_wait3A_119] : memref<65536x16xf32, #tpu.memory_space<vmem_shared>> -> memref<256x16xf32, #tpu.memory_space<vmem_shared>>
        tpu.wait_dma2 semaphore(%run_scoped3A : memref<!tpu.dma_semaphore, #tpu.memory_space<semaphore_mem>>) src(%arg8 : memref<256x16xf32, #tpu.memory_space<vmem>>) dst(%dma_wait3A_120 : memref<256x16xf32, #tpu.memory_space<vmem_shared>>)
        tpu.yield
      }) : () -> ()
      %mul3A_59 = arith.constant 4096 : i32
      %mul3A_60 = arith.muli %arg1, %mul3A_59 : i32
      %add3A_61 = arith.constant 2304 : i32
      %add3A_62 = arith.addi %mul3A_60, %add3A_61 : i32
      "tpu.region"() ({
        %run_scoped3A = tpu.sem_alloc : memref<!tpu.dma_semaphore, #tpu.memory_space<semaphore_mem>>
        %dma_start3A = arith.constant 0 : i32
        %dma_start3A_115 = tpu.memref_slice %arg9[%add3A_62, %dma_start3A] : memref<65536x16xf32, #tpu.memory_space<vmem_shared>> -> memref<256x16xf32, #tpu.memory_space<vmem_shared>>
        %dma_start3A_116 = arith.constant 0 : i32
        %dma_start3A_117 = tpu.memref_slice %arg9[%add3A_62, %dma_start3A_116] : memref<65536x16xf32, #tpu.memory_space<vmem_shared>> -> memref<256x16xf32, #tpu.memory_space<vmem_shared>>
        tpu.enqueue_dma source(%arg8 : memref<256x16xf32, #tpu.memory_space<vmem>>) target(%dma_start3A_117 : memref<256x16xf32, #tpu.memory_space<vmem_shared>>) target_semaphore(%run_scoped3A : memref<!tpu.dma_semaphore, #tpu.memory_space<semaphore_mem>>)
        %dma_wait3A = arith.constant 0 : i32
        %dma_wait3A_118 = tpu.memref_slice %arg9[%add3A_62, %dma_wait3A] : memref<65536x16xf32, #tpu.memory_space<vmem_shared>> -> memref<256x16xf32, #tpu.memory_space<vmem_shared>>
        %dma_wait3A_119 = arith.constant 0 : i32
        %dma_wait3A_120 = tpu.memref_slice %arg9[%add3A_62, %dma_wait3A_119] : memref<65536x16xf32, #tpu.memory_space<vmem_shared>> -> memref<256x16xf32, #tpu.memory_space<vmem_shared>>
        tpu.wait_dma2 semaphore(%run_scoped3A : memref<!tpu.dma_semaphore, #tpu.memory_space<semaphore_mem>>) src(%arg8 : memref<256x16xf32, #tpu.memory_space<vmem>>) dst(%dma_wait3A_120 : memref<256x16xf32, #tpu.memory_space<vmem_shared>>)
        tpu.yield
      }) : () -> ()
      %mul3A_63 = arith.constant 4096 : i32
      %mul3A_64 = arith.muli %arg1, %mul3A_63 : i32
      %add3A_65 = arith.constant 2560 : i32
      %add3A_66 = arith.addi %mul3A_64, %add3A_65 : i32
      "tpu.region"() ({
        %run_scoped3A = tpu.sem_alloc : memref<!tpu.dma_semaphore, #tpu.memory_space<semaphore_mem>>
        %dma_start3A = arith.constant 0 : i32
        %dma_start3A_115 = tpu.memref_slice %arg9[%add3A_66, %dma_start3A] : memref<65536x16xf32, #tpu.memory_space<vmem_shared>> -> memref<256x16xf32, #tpu.memory_space<vmem_shared>>
        %dma_start3A_116 = arith.constant 0 : i32
        %dma_start3A_117 = tpu.memref_slice %arg9[%add3A_66, %dma_start3A_116] : memref<65536x16xf32, #tpu.memory_space<vmem_shared>> -> memref<256x16xf32, #tpu.memory_space<vmem_shared>>
        tpu.enqueue_dma source(%arg8 : memref<256x16xf32, #tpu.memory_space<vmem>>) target(%dma_start3A_117 : memref<256x16xf32, #tpu.memory_space<vmem_shared>>) target_semaphore(%run_scoped3A : memref<!tpu.dma_semaphore, #tpu.memory_space<semaphore_mem>>)
        %dma_wait3A = arith.constant 0 : i32
        %dma_wait3A_118 = tpu.memref_slice %arg9[%add3A_66, %dma_wait3A] : memref<65536x16xf32, #tpu.memory_space<vmem_shared>> -> memref<256x16xf32, #tpu.memory_space<vmem_shared>>
        %dma_wait3A_119 = arith.constant 0 : i32
        %dma_wait3A_120 = tpu.memref_slice %arg9[%add3A_66, %dma_wait3A_119] : memref<65536x16xf32, #tpu.memory_space<vmem_shared>> -> memref<256x16xf32, #tpu.memory_space<vmem_shared>>
        tpu.wait_dma2 semaphore(%run_scoped3A : memref<!tpu.dma_semaphore, #tpu.memory_space<semaphore_mem>>) src(%arg8 : memref<256x16xf32, #tpu.memory_space<vmem>>) dst(%dma_wait3A_120 : memref<256x16xf32, #tpu.memory_space<vmem_shared>>)
        tpu.yield
      }) : () -> ()
      %mul3A_67 = arith.constant 4096 : i32
      %mul3A_68 = arith.muli %arg1, %mul3A_67 : i32
      %add3A_69 = arith.constant 2816 : i32
      %add3A_70 = arith.addi %mul3A_68, %add3A_69 : i32
      "tpu.region"() ({
        %run_scoped3A = tpu.sem_alloc : memref<!tpu.dma_semaphore, #tpu.memory_space<semaphore_mem>>
        %dma_start3A = arith.constant 0 : i32
        %dma_start3A_115 = tpu.memref_slice %arg9[%add3A_70, %dma_start3A] : memref<65536x16xf32, #tpu.memory_space<vmem_shared>> -> memref<256x16xf32, #tpu.memory_space<vmem_shared>>
        %dma_start3A_116 = arith.constant 0 : i32
        %dma_start3A_117 = tpu.memref_slice %arg9[%add3A_70, %dma_start3A_116] : memref<65536x16xf32, #tpu.memory_space<vmem_shared>> -> memref<256x16xf32, #tpu.memory_space<vmem_shared>>
        tpu.enqueue_dma source(%arg8 : memref<256x16xf32, #tpu.memory_space<vmem>>) target(%dma_start3A_117 : memref<256x16xf32, #tpu.memory_space<vmem_shared>>) target_semaphore(%run_scoped3A : memref<!tpu.dma_semaphore, #tpu.memory_space<semaphore_mem>>)
        %dma_wait3A = arith.constant 0 : i32
        %dma_wait3A_118 = tpu.memref_slice %arg9[%add3A_70, %dma_wait3A] : memref<65536x16xf32, #tpu.memory_space<vmem_shared>> -> memref<256x16xf32, #tpu.memory_space<vmem_shared>>
        %dma_wait3A_119 = arith.constant 0 : i32
        %dma_wait3A_120 = tpu.memref_slice %arg9[%add3A_70, %dma_wait3A_119] : memref<65536x16xf32, #tpu.memory_space<vmem_shared>> -> memref<256x16xf32, #tpu.memory_space<vmem_shared>>
        tpu.wait_dma2 semaphore(%run_scoped3A : memref<!tpu.dma_semaphore, #tpu.memory_space<semaphore_mem>>) src(%arg8 : memref<256x16xf32, #tpu.memory_space<vmem>>) dst(%dma_wait3A_120 : memref<256x16xf32, #tpu.memory_space<vmem_shared>>)
        tpu.yield
      }) : () -> ()
      %mul3A_71 = arith.constant 4096 : i32
      %mul3A_72 = arith.muli %arg1, %mul3A_71 : i32
      %add3A_73 = arith.constant 3072 : i32
      %add3A_74 = arith.addi %mul3A_72, %add3A_73 : i32
      "tpu.region"() ({
        %run_scoped3A = tpu.sem_alloc : memref<!tpu.dma_semaphore, #tpu.memory_space<semaphore_mem>>
        %dma_start3A = arith.constant 0 : i32
        %dma_start3A_115 = tpu.memref_slice %arg9[%add3A_74, %dma_start3A] : memref<65536x16xf32, #tpu.memory_space<vmem_shared>> -> memref<256x16xf32, #tpu.memory_space<vmem_shared>>
        %dma_start3A_116 = arith.constant 0 : i32
        %dma_start3A_117 = tpu.memref_slice %arg9[%add3A_74, %dma_start3A_116] : memref<65536x16xf32, #tpu.memory_space<vmem_shared>> -> memref<256x16xf32, #tpu.memory_space<vmem_shared>>
        tpu.enqueue_dma source(%arg8 : memref<256x16xf32, #tpu.memory_space<vmem>>) target(%dma_start3A_117 : memref<256x16xf32, #tpu.memory_space<vmem_shared>>) target_semaphore(%run_scoped3A : memref<!tpu.dma_semaphore, #tpu.memory_space<semaphore_mem>>)
        %dma_wait3A = arith.constant 0 : i32
        %dma_wait3A_118 = tpu.memref_slice %arg9[%add3A_74, %dma_wait3A] : memref<65536x16xf32, #tpu.memory_space<vmem_shared>> -> memref<256x16xf32, #tpu.memory_space<vmem_shared>>
        %dma_wait3A_119 = arith.constant 0 : i32
        %dma_wait3A_120 = tpu.memref_slice %arg9[%add3A_74, %dma_wait3A_119] : memref<65536x16xf32, #tpu.memory_space<vmem_shared>> -> memref<256x16xf32, #tpu.memory_space<vmem_shared>>
        tpu.wait_dma2 semaphore(%run_scoped3A : memref<!tpu.dma_semaphore, #tpu.memory_space<semaphore_mem>>) src(%arg8 : memref<256x16xf32, #tpu.memory_space<vmem>>) dst(%dma_wait3A_120 : memref<256x16xf32, #tpu.memory_space<vmem_shared>>)
        tpu.yield
      }) : () -> ()
      %mul3A_75 = arith.constant 4096 : i32
      %mul3A_76 = arith.muli %arg1, %mul3A_75 : i32
      %add3A_77 = arith.constant 3328 : i32
      %add3A_78 = arith.addi %mul3A_76, %add3A_77 : i32
      "tpu.region"() ({
        %run_scoped3A = tpu.sem_alloc : memref<!tpu.dma_semaphore, #tpu.memory_space<semaphore_mem>>
        %dma_start3A = arith.constant 0 : i32
        %dma_start3A_115 = tpu.memref_slice %arg9[%add3A_78, %dma_start3A] : memref<65536x16xf32, #tpu.memory_space<vmem_shared>> -> memref<256x16xf32, #tpu.memory_space<vmem_shared>>
        %dma_start3A_116 = arith.constant 0 : i32
        %dma_start3A_117 = tpu.memref_slice %arg9[%add3A_78, %dma_start3A_116] : memref<65536x16xf32, #tpu.memory_space<vmem_shared>> -> memref<256x16xf32, #tpu.memory_space<vmem_shared>>
        tpu.enqueue_dma source(%arg8 : memref<256x16xf32, #tpu.memory_space<vmem>>) target(%dma_start3A_117 : memref<256x16xf32, #tpu.memory_space<vmem_shared>>) target_semaphore(%run_scoped3A : memref<!tpu.dma_semaphore, #tpu.memory_space<semaphore_mem>>)
        %dma_wait3A = arith.constant 0 : i32
        %dma_wait3A_118 = tpu.memref_slice %arg9[%add3A_78, %dma_wait3A] : memref<65536x16xf32, #tpu.memory_space<vmem_shared>> -> memref<256x16xf32, #tpu.memory_space<vmem_shared>>
        %dma_wait3A_119 = arith.constant 0 : i32
        %dma_wait3A_120 = tpu.memref_slice %arg9[%add3A_78, %dma_wait3A_119] : memref<65536x16xf32, #tpu.memory_space<vmem_shared>> -> memref<256x16xf32, #tpu.memory_space<vmem_shared>>
        tpu.wait_dma2 semaphore(%run_scoped3A : memref<!tpu.dma_semaphore, #tpu.memory_space<semaphore_mem>>) src(%arg8 : memref<256x16xf32, #tpu.memory_space<vmem>>) dst(%dma_wait3A_120 : memref<256x16xf32, #tpu.memory_space<vmem_shared>>)
        tpu.yield
      }) : () -> ()
      %mul3A_79 = arith.constant 4096 : i32
      %mul3A_80 = arith.muli %arg1, %mul3A_79 : i32
      %add3A_81 = arith.constant 3584 : i32
      %add3A_82 = arith.addi %mul3A_80, %add3A_81 : i32
      "tpu.region"() ({
        %run_scoped3A = tpu.sem_alloc : memref<!tpu.dma_semaphore, #tpu.memory_space<semaphore_mem>>
        %dma_start3A = arith.constant 0 : i32
        %dma_start3A_115 = tpu.memref_slice %arg9[%add3A_82, %dma_start3A] : memref<65536x16xf32, #tpu.memory_space<vmem_shared>> -> memref<256x16xf32, #tpu.memory_space<vmem_shared>>
        %dma_start3A_116 = arith.constant 0 : i32
        %dma_start3A_117 = tpu.memref_slice %arg9[%add3A_82, %dma_start3A_116] : memref<65536x16xf32, #tpu.memory_space<vmem_shared>> -> memref<256x16xf32, #tpu.memory_space<vmem_shared>>
        tpu.enqueue_dma source(%arg8 : memref<256x16xf32, #tpu.memory_space<vmem>>) target(%dma_start3A_117 : memref<256x16xf32, #tpu.memory_space<vmem_shared>>) target_semaphore(%run_scoped3A : memref<!tpu.dma_semaphore, #tpu.memory_space<semaphore_mem>>)
        %dma_wait3A = arith.constant 0 : i32
        %dma_wait3A_118 = tpu.memref_slice %arg9[%add3A_82, %dma_wait3A] : memref<65536x16xf32, #tpu.memory_space<vmem_shared>> -> memref<256x16xf32, #tpu.memory_space<vmem_shared>>
        %dma_wait3A_119 = arith.constant 0 : i32
        %dma_wait3A_120 = tpu.memref_slice %arg9[%add3A_82, %dma_wait3A_119] : memref<65536x16xf32, #tpu.memory_space<vmem_shared>> -> memref<256x16xf32, #tpu.memory_space<vmem_shared>>
        tpu.wait_dma2 semaphore(%run_scoped3A : memref<!tpu.dma_semaphore, #tpu.memory_space<semaphore_mem>>) src(%arg8 : memref<256x16xf32, #tpu.memory_space<vmem>>) dst(%dma_wait3A_120 : memref<256x16xf32, #tpu.memory_space<vmem_shared>>)
        tpu.yield
      }) : () -> ()
      %mul3A_83 = arith.constant 4096 : i32
      %mul3A_84 = arith.muli %arg1, %mul3A_83 : i32
      %add3A_85 = arith.constant 3840 : i32
      %add3A_86 = arith.addi %mul3A_84, %add3A_85 : i32
      "tpu.region"() ({
        %run_scoped3A = tpu.sem_alloc : memref<!tpu.dma_semaphore, #tpu.memory_space<semaphore_mem>>
        %dma_start3A = arith.constant 0 : i32
        %dma_start3A_115 = tpu.memref_slice %arg9[%add3A_86, %dma_start3A] : memref<65536x16xf32, #tpu.memory_space<vmem_shared>> -> memref<256x16xf32, #tpu.memory_space<vmem_shared>>
        %dma_start3A_116 = arith.constant 0 : i32
        %dma_start3A_117 = tpu.memref_slice %arg9[%add3A_86, %dma_start3A_116] : memref<65536x16xf32, #tpu.memory_space<vmem_shared>> -> memref<256x16xf32, #tpu.memory_space<vmem_shared>>
        tpu.enqueue_dma source(%arg8 : memref<256x16xf32, #tpu.memory_space<vmem>>) target(%dma_start3A_117 : memref<256x16xf32, #tpu.memory_space<vmem_shared>>) target_semaphore(%run_scoped3A : memref<!tpu.dma_semaphore, #tpu.memory_space<semaphore_mem>>)
        %dma_wait3A = arith.constant 0 : i32
        %dma_wait3A_118 = tpu.memref_slice %arg9[%add3A_86, %dma_wait3A] : memref<65536x16xf32, #tpu.memory_space<vmem_shared>> -> memref<256x16xf32, #tpu.memory_space<vmem_shared>>
        %dma_wait3A_119 = arith.constant 0 : i32
        %dma_wait3A_120 = tpu.memref_slice %arg9[%add3A_86, %dma_wait3A_119] : memref<65536x16xf32, #tpu.memory_space<vmem_shared>> -> memref<256x16xf32, #tpu.memory_space<vmem_shared>>
        tpu.wait_dma2 semaphore(%run_scoped3A : memref<!tpu.dma_semaphore, #tpu.memory_space<semaphore_mem>>) src(%arg8 : memref<256x16xf32, #tpu.memory_space<vmem>>) dst(%dma_wait3A_120 : memref<256x16xf32, #tpu.memory_space<vmem_shared>>)
        tpu.yield
      }) : () -> ()
      %barrier3A = arith.constant 0 : index
      tpu.barrier barrier_id(%barrier3A)
      %mul3A_87 = arith.constant 3200 : i32
      %mul3A_88 = arith.muli %arg1, %mul3A_87 : i32
      %mul3A_89 = arith.constant 3 : i32
      %mul3A_90 = arith.muli %mul3A_88, %mul3A_89 : i32
      "tpu.region"() ({
        %run_scoped3A = tpu.sem_alloc : memref<!tpu.dma_semaphore, #tpu.memory_space<semaphore_mem>>
        %dma_start3A = tpu.memref_slice %arg2[%add3A_22, %mul3A_90] : memref<16x153600xf32, #tpu.memory_space<hbm>> -> memref<1x9600xf32, #tpu.memory_space<hbm>>
        %dma_start3A_115 = tpu.memref_squeeze %dma_start3A : memref<1x9600xf32, #tpu.memory_space<hbm>> -> memref<9600xf32, #tpu.memory_space<hbm>>
        %dma_start3A_116 = tpu.memref_slice %arg2[%add3A_22, %mul3A_90] : memref<16x153600xf32, #tpu.memory_space<hbm>> -> memref<1x9600xf32, #tpu.memory_space<hbm>>
        %dma_start3A_117 = tpu.memref_squeeze %dma_start3A_116 : memref<1x9600xf32, #tpu.memory_space<hbm>> -> memref<9600xf32, #tpu.memory_space<hbm>>
        tpu.enqueue_dma source(%dma_start3A_117 : memref<9600xf32, #tpu.memory_space<hbm>>) target(%arg5 : memref<9600xf32, #tpu.memory_space<vmem>>) target_semaphore(%run_scoped3A : memref<!tpu.dma_semaphore, #tpu.memory_space<semaphore_mem>>)
        %dma_wait3A = tpu.memref_slice %arg2[%add3A_22, %mul3A_90] : memref<16x153600xf32, #tpu.memory_space<hbm>> -> memref<1x9600xf32, #tpu.memory_space<hbm>>
        %dma_wait3A_118 = tpu.memref_squeeze %dma_wait3A : memref<1x9600xf32, #tpu.memory_space<hbm>> -> memref<9600xf32, #tpu.memory_space<hbm>>
        %dma_wait3A_119 = tpu.memref_slice %arg2[%add3A_22, %mul3A_90] : memref<16x153600xf32, #tpu.memory_space<hbm>> -> memref<1x9600xf32, #tpu.memory_space<hbm>>
        %dma_wait3A_120 = tpu.memref_squeeze %dma_wait3A_119 : memref<1x9600xf32, #tpu.memory_space<hbm>> -> memref<9600xf32, #tpu.memory_space<hbm>>
        tpu.wait_dma2 semaphore(%run_scoped3A : memref<!tpu.dma_semaphore, #tpu.memory_space<semaphore_mem>>) src(%dma_wait3A_120 : memref<9600xf32, #tpu.memory_space<hbm>>) dst(%arg5 : memref<9600xf32, #tpu.memory_space<vmem>>)
        tpu.yield
      }) : () -> ()
      %scan3A_91 = arith.constant 0 : i32
      %scan3A_92 = arith.constant 104 : i32
      %scan3A_93 = arith.addi %scan3A_91, %scan3A_92 : i32
      %scan3A_94 = arith.constant 1 : i32
      scf.for %scan3A_115 = %scan3A_91 to %scan3A_93 step %scan3A_94  : i32 {
        %mul3A_116 = arith.constant 1 : i32
        %mul3A_117 = arith.muli %scan3A_115, %mul3A_116 : i32
        %add3A_118 = arith.constant 0 : i32
        %add3A_119 = arith.addi %add3A_118, %mul3A_117 : i32
        %mul3A_120 = arith.constant 16 : i32
        %mul3A_121 = arith.muli %add3A_119, %mul3A_120 : i32
        %add3A_122 = arith.constant 0 : i32
        %add3A_123 = arith.addi %add3A_122, %mul3A_121 : i32
        %add3A_124 = vector.broadcast %add3A_123 : i32 to vector<16xi32>
        %add3A_125 = arith.addi %add3A_124, %iota3A : vector<16xi32>
        %mul3A_126 = arith.constant 3 : i32
        %mul3A_127 = vector.broadcast %mul3A_126 : i32 to vector<16xi32>
        %mul3A_128 = arith.muli %add3A_125, %mul3A_127 : vector<16xi32>
        %gather3A = tpu.vector_load_idx %arg5[%mul3A_128] : memref<9600xf32, #tpu.memory_space<vmem>>[vector<16xi32>], vector<16xf32>,
        %add3A_129 = arith.constant 1 : i32
        %add3A_130 = vector.broadcast %add3A_129 : i32 to vector<16xi32>
        %add3A_131 = arith.addi %mul3A_128, %add3A_130 : vector<16xi32>
        %gather3A_132 = tpu.vector_load_idx %arg5[%add3A_131] : memref<9600xf32, #tpu.memory_space<vmem>>[vector<16xi32>], vector<16xf32>,
        %add3A_133 = arith.constant 2 : i32
        %add3A_134 = vector.broadcast %add3A_133 : i32 to vector<16xi32>
        %add3A_135 = arith.addi %mul3A_128, %add3A_134 : vector<16xi32>
        %gather3A_136 = tpu.vector_load_idx %arg5[%add3A_135] : memref<9600xf32, #tpu.memory_space<vmem>>[vector<16xi32>], vector<16xf32>,
        %div3A = vector.broadcast %scan3A : f32 to vector<16xf32>
        %div3A_137 = arith.divf %gather3A, %div3A : vector<16xf32>
        %convert_element_type3A = arith.fptosi %div3A_137 : vector<16xf32> to vector<16xi32>
        %convert_element_type3A_138 = arith.sitofp %convert_element_type3A : vector<16xi32> to vector<16xf32>
        %gt3A = arith.cmpf ogt, %convert_element_type3A_138, %div3A_137 : vector<16xf32>
        %sub3A = arith.constant 1 : i32
        %sub3A_139 = vector.broadcast %sub3A : i32 to vector<16xi32>
        %sub3A_140 = arith.subi %convert_element_type3A, %sub3A_139 : vector<16xi32>
        %select_n3A = arith.select %gt3A, %sub3A_140, %convert_element_type3A : vector<16xi1>, vector<16xi32>
        %div3A_141 = vector.broadcast %scan3A : f32 to vector<16xf32>
        %div3A_142 = arith.divf %gather3A_132, %div3A_141 : vector<16xf32>
        %convert_element_type3A_143 = arith.fptosi %div3A_142 : vector<16xf32> to vector<16xi32>
        %convert_element_type3A_144 = arith.sitofp %convert_element_type3A_143 : vector<16xi32> to vector<16xf32>
        %gt3A_145 = arith.cmpf ogt, %convert_element_type3A_144, %div3A_142 : vector<16xf32>
        %sub3A_146 = arith.constant 1 : i32
        %sub3A_147 = vector.broadcast %sub3A_146 : i32 to vector<16xi32>
        %sub3A_148 = arith.subi %convert_element_type3A_143, %sub3A_147 : vector<16xi32>
        %select_n3A_149 = arith.select %gt3A_145, %sub3A_148, %convert_element_type3A_143 : vector<16xi1>, vector<16xi32>
        %div3A_150 = vector.broadcast %scan3A : f32 to vector<16xf32>
        %div3A_151 = arith.divf %gather3A_136, %div3A_150 : vector<16xf32>
        %convert_element_type3A_152 = arith.fptosi %div3A_151 : vector<16xf32> to vector<16xi32>
        %convert_element_type3A_153 = arith.sitofp %convert_element_type3A_152 : vector<16xi32> to vector<16xf32>
        %gt3A_154 = arith.cmpf ogt, %convert_element_type3A_153, %div3A_151 : vector<16xf32>
        %sub3A_155 = arith.constant 1 : i32
        %sub3A_156 = vector.broadcast %sub3A_155 : i32 to vector<16xi32>
        %sub3A_157 = arith.subi %convert_element_type3A_152, %sub3A_156 : vector<16xi32>
        %select_n3A_158 = arith.select %gt3A_154, %sub3A_157, %convert_element_type3A_152 : vector<16xi1>, vector<16xi32>
        %mul3A_159 = arith.constant 73856093 : i32
        %mul3A_160 = vector.broadcast %mul3A_159 : i32 to vector<16xi32>
        %mul3A_161 = arith.muli %select_n3A, %mul3A_160 : vector<16xi32>
        %mul3A_162 = arith.constant 19349663 : i32
        %mul3A_163 = vector.broadcast %mul3A_162 : i32 to vector<16xi32>
        %mul3A_164 = arith.muli %select_n3A_149, %mul3A_163 : vector<16xi32>
        %xor3A = arith.xori %mul3A_161, %mul3A_164 : vector<16xi32>
        %mul3A_165 = arith.constant 83492791 : i32
        %mul3A_166 = vector.broadcast %mul3A_165 : i32 to vector<16xi32>
        %mul3A_167 = arith.muli %select_n3A_158, %mul3A_166 : vector<16xi32>
        %xor3A_168 = arith.xori %xor3A, %mul3A_167 : vector<16xi32>
        %and3A = arith.constant 65535 : i32
        %and3A_169 = vector.broadcast %and3A : i32 to vector<16xi32>
        %and3A_170 = arith.andi %xor3A_168, %and3A_169 : vector<16xi32>
        %add3A_171 = arith.addi %mul3A_88, %add3A_123 : i32
        %add3A_172 = vector.broadcast %add3A_171 : i32 to vector<16xi32>
        %add3A_173 = arith.addi %add3A_172, %iota3A : vector<16xi32>
        %lt3A = arith.constant 50000 : i32
        %lt3A_174 = vector.broadcast %lt3A : i32 to vector<16xi32>
        %lt3A_175 = arith.cmpi slt, %add3A_173, %lt3A_174 : vector<16xi32>
        %jit3A = arith.constant 1.000000e+00 : f32
        %jit3A_176 = arith.constant 0.000000e+00 : f32
        %broadcast_in_dim3A_177 = vector.broadcast %jit3A : f32 to vector<16xf32>
        %broadcast_in_dim3A_178 = vector.broadcast %jit3A_176 : f32 to vector<16xf32>
        %select_n3A_179 = arith.select %lt3A_175, %broadcast_in_dim3A_177, %broadcast_in_dim3A_178 : vector<16xi1>, vector<16xf32>
        %add3A_180 = vector.broadcast %mul3A_121 : i32 to vector<16xi32>
        %add3A_181 = arith.addi %add3A_180, %iota3A : vector<16xi32>
        tpu.vector_store_idx %arg7[%add3A_181, %broadcast_in_dim3A_0], %select_n3A_179 : memref<1664x16xf32, #tpu.memory_space<vmem>>[vector<16xi32>, vector<16xi32>], vector<16xf32>,
        tpu.vector_store_idx %arg7[%add3A_181, %add3A_2], %gather3A : memref<1664x16xf32, #tpu.memory_space<vmem>>[vector<16xi32>, vector<16xi32>], vector<16xf32>,
        tpu.vector_store_idx %arg7[%add3A_181, %add3A_5], %gather3A_132 : memref<1664x16xf32, #tpu.memory_space<vmem>>[vector<16xi32>, vector<16xi32>], vector<16xf32>,
        tpu.vector_store_idx %arg7[%add3A_181, %add3A_8], %gather3A_136 : memref<1664x16xf32, #tpu.memory_space<vmem>>[vector<16xi32>, vector<16xi32>], vector<16xf32>,
        %broadcast_in_dim3A_182 = arith.constant 0 : i32
        %broadcast_in_dim3A_183 = vector.broadcast %broadcast_in_dim3A_182 : i32 to vector<16xi32>
        %jit3A_184 = arith.constant 8 : i32
        %div3A_185 = arith.divsi %add3A_119, %jit3A_184 : i32
        %sign3A = arith.constant 0 : i32
        %sign3A_186 = arith.cmpi sgt, %add3A_119, %sign3A : i32
        %sign3A_187 = arith.extui %sign3A_186 : i1 to i32
        %sign3A_188 = arith.constant 0 : i32
        %sign3A_189 = arith.cmpi slt, %add3A_119, %sign3A_188 : i32
        %sign3A_190 = arith.extui %sign3A_189 : i1 to i32
        %sign3A_191 = arith.subi %sign3A_187, %sign3A_190 : i32
        %sign3A_192 = arith.constant 0 : i32
        %sign3A_193 = arith.cmpi sgt, %jit3A_184, %sign3A_192 : i32
        %sign3A_194 = arith.extui %sign3A_193 : i1 to i32
        %sign3A_195 = arith.constant 0 : i32
        %sign3A_196 = arith.cmpi slt, %jit3A_184, %sign3A_195 : i32
        %sign3A_197 = arith.extui %sign3A_196 : i1 to i32
        %sign3A_198 = arith.subi %sign3A_194, %sign3A_197 : i32
        %ne3A = arith.cmpi ne, %sign3A_191, %sign3A_198 : i32
        %rem3A = arith.remsi %add3A_119, %jit3A_184 : i32
        %ne3A_199 = arith.constant 0 : i32
        %ne3A_200 = arith.cmpi ne, %rem3A, %ne3A_199 : i32
        %and3A_201 = arith.andi %ne3A, %ne3A_200 : i1
        %sub3A_202 = arith.constant 1 : i32
        %sub3A_203 = arith.subi %div3A_185, %sub3A_202 : i32
        %select_n3A_204 = arith.select %and3A_201, %sub3A_203, %div3A_185 : i32
        %add3A_205 = vector.broadcast %select_n3A_204 : i32 to vector<16xi32>
        %add3A_206 = arith.addi %broadcast_in_dim3A_183, %add3A_205 : vector<16xi32>
        %and3A_207 = arith.constant 7 : i32
        %and3A_208 = arith.andi %add3A_119, %and3A_207 : i32
        %mul3A_209 = arith.constant 16 : i32
        %mul3A_210 = arith.muli %and3A_208, %mul3A_209 : i32
        %add3A_211 = vector.broadcast %mul3A_210 : i32 to vector<16xi32>
        %add3A_212 = arith.addi %add3A_211, %iota3A : vector<16xi32>
        tpu.vector_store_idx %arg6[%add3A_206, %add3A_212], %and3A_170 : memref<25x128xi32, #tpu.memory_space<vmem>>[vector<16xi32>, vector<16xi32>], vector<16xi32>,
      }
      %scan3A_95 = arith.constant 104 : i32
      %scan3A_96 = arith.constant 0 : i32
      %scan3A_97 = arith.constant 13 : i32
      %scan3A_98 = arith.addi %scan3A_96, %scan3A_97 : i32
      %scan3A_99 = arith.constant 1 : i32
      scf.for %scan3A_115 = %scan3A_96 to %scan3A_98 step %scan3A_99  : i32 {
        %mul3A_116 = arith.constant 1 : i32
        %mul3A_117 = arith.muli %scan3A_115, %mul3A_116 : i32
        %add3A_118 = arith.constant 0 : i32
        %add3A_119 = arith.addi %add3A_118, %mul3A_117 : i32
        %mul3A_120 = arith.constant 128 : i32
        %mul3A_121 = arith.muli %add3A_119, %mul3A_120 : i32
        %add3A_122 = arith.constant 0 : i32
        %add3A_123 = arith.addi %add3A_122, %add3A_119 : i32
        "tpu.region"() ({
          %run_scoped3A = tpu.sem_alloc : memref<!tpu.dma_semaphore, #tpu.memory_space<semaphore_mem>>
          %dma_start3A = arith.constant 0 : i32
          %dma_start3A_124 = tpu.memref_slice %arg7[%mul3A_121, %dma_start3A] : memref<1664x16xf32, #tpu.memory_space<vmem>> -> memref<128x16xf32, #tpu.memory_space<vmem>>
          %dma_start3A_125 = arith.constant 0 : i32
          %dma_start3A_126 = tpu.memref_slice %arg6[%add3A_123, %dma_start3A_125] : memref<25x128xi32, #tpu.memory_space<vmem>> -> memref<1x128xi32, #tpu.memory_space<vmem>>
          %dma_start3A_127 = tpu.memref_squeeze %dma_start3A_126 : memref<1x128xi32, #tpu.memory_space<vmem>> -> memref<128xi32, #tpu.memory_space<vmem>>
          %dma_start3A_128 = arith.constant 0 : i32
          %dma_start3A_129 = arith.constant 0 : i32
          %dma_start3A_130 = tpu.memref_slice %arg9[%dma_start3A_128, %dma_start3A_129] : memref<65536x16xf32, #tpu.memory_space<vmem_shared>> -> memref<65536x16xf32, #tpu.memory_space<vmem_shared>>
          tpu.enqueue_indirect_dma source(%dma_start3A_124 : memref<128x16xf32, #tpu.memory_space<vmem>>) target(%dma_start3A_130 : memref<65536x16xf32, #tpu.memory_space<vmem_shared>>) offsets(%dma_start3A_127 : memref<128xi32, #tpu.memory_space<vmem>>) semaphore(%run_scoped3A : memref<!tpu.dma_semaphore, #tpu.memory_space<semaphore_mem>>) {add = true}
          %dma_wait3A = arith.constant 0 : i32
          %dma_wait3A_131 = tpu.memref_slice %arg7[%mul3A_121, %dma_wait3A] : memref<1664x16xf32, #tpu.memory_space<vmem>> -> memref<128x16xf32, #tpu.memory_space<vmem>>
          %dma_wait3A_132 = arith.constant 0 : i32
          %dma_wait3A_133 = tpu.memref_slice %arg6[%add3A_123, %dma_wait3A_132] : memref<25x128xi32, #tpu.memory_space<vmem>> -> memref<1x128xi32, #tpu.memory_space<vmem>>
          %dma_wait3A_134 = tpu.memref_squeeze %dma_wait3A_133 : memref<1x128xi32, #tpu.memory_space<vmem>> -> memref<128xi32, #tpu.memory_space<vmem>>
          %dma_wait3A_135 = arith.constant 0 : i32
          %dma_wait3A_136 = arith.constant 0 : i32
          %dma_wait3A_137 = tpu.memref_slice %arg9[%dma_wait3A_135, %dma_wait3A_136] : memref<65536x16xf32, #tpu.memory_space<vmem_shared>> -> memref<65536x16xf32, #tpu.memory_space<vmem_shared>>
          tpu.wait_indirect_dma semaphore(%run_scoped3A : memref<!tpu.dma_semaphore, #tpu.memory_space<semaphore_mem>>) src(%dma_wait3A_131 : memref<128x16xf32, #tpu.memory_space<vmem>>) dst(%dma_wait3A_137 : memref<65536x16xf32, #tpu.memory_space<vmem_shared>>)
          tpu.yield
        }) : () -> ()
      }
      %scan3A_100 = arith.constant 13 : i32
      %scan3A_101 = arith.constant 0 : i32
      %scan3A_102 = arith.constant 96 : i32
      %scan3A_103 = arith.addi %scan3A_101, %scan3A_102 : i32
      %scan3A_104 = arith.constant 1 : i32
      scf.for %scan3A_115 = %scan3A_101 to %scan3A_103 step %scan3A_104  : i32 {
        %mul3A_116 = arith.constant 1 : i32
        %mul3A_117 = arith.muli %scan3A_115, %mul3A_116 : i32
        %add3A_118 = arith.constant 0 : i32
        %add3A_119 = arith.addi %add3A_118, %mul3A_117 : i32
        %mul3A_120 = arith.constant 16 : i32
        %mul3A_121 = arith.muli %add3A_119, %mul3A_120 : i32
        %add3A_122 = arith.constant 1664 : i32
        %add3A_123 = arith.addi %add3A_122, %mul3A_121 : i32
        %add3A_124 = vector.broadcast %add3A_123 : i32 to vector<16xi32>
        %add3A_125 = arith.addi %add3A_124, %iota3A : vector<16xi32>
        %mul3A_126 = arith.constant 3 : i32
        %mul3A_127 = vector.broadcast %mul3A_126 : i32 to vector<16xi32>
        %mul3A_128 = arith.muli %add3A_125, %mul3A_127 : vector<16xi32>
        %gather3A = tpu.vector_load_idx %arg5[%mul3A_128] : memref<9600xf32, #tpu.memory_space<vmem>>[vector<16xi32>], vector<16xf32>,
        %add3A_129 = arith.constant 1 : i32
        %add3A_130 = vector.broadcast %add3A_129 : i32 to vector<16xi32>
        %add3A_131 = arith.addi %mul3A_128, %add3A_130 : vector<16xi32>
        %gather3A_132 = tpu.vector_load_idx %arg5[%add3A_131] : memref<9600xf32, #tpu.memory_space<vmem>>[vector<16xi32>], vector<16xf32>,
        %add3A_133 = arith.constant 2 : i32
        %add3A_134 = vector.broadcast %add3A_133 : i32 to vector<16xi32>
        %add3A_135 = arith.addi %mul3A_128, %add3A_134 : vector<16xi32>
        %gather3A_136 = tpu.vector_load_idx %arg5[%add3A_135] : memref<9600xf32, #tpu.memory_space<vmem>>[vector<16xi32>], vector<16xf32>,
        %div3A = vector.broadcast %scan3A : f32 to vector<16xf32>
        %div3A_137 = arith.divf %gather3A, %div3A : vector<16xf32>
        %convert_element_type3A = arith.fptosi %div3A_137 : vector<16xf32> to vector<16xi32>
        %convert_element_type3A_138 = arith.sitofp %convert_element_type3A : vector<16xi32> to vector<16xf32>
        %gt3A = arith.cmpf ogt, %convert_element_type3A_138, %div3A_137 : vector<16xf32>
        %sub3A = arith.constant 1 : i32
        %sub3A_139 = vector.broadcast %sub3A : i32 to vector<16xi32>
        %sub3A_140 = arith.subi %convert_element_type3A, %sub3A_139 : vector<16xi32>
        %select_n3A = arith.select %gt3A, %sub3A_140, %convert_element_type3A : vector<16xi1>, vector<16xi32>
        %div3A_141 = vector.broadcast %scan3A : f32 to vector<16xf32>
        %div3A_142 = arith.divf %gather3A_132, %div3A_141 : vector<16xf32>
        %convert_element_type3A_143 = arith.fptosi %div3A_142 : vector<16xf32> to vector<16xi32>
        %convert_element_type3A_144 = arith.sitofp %convert_element_type3A_143 : vector<16xi32> to vector<16xf32>
        %gt3A_145 = arith.cmpf ogt, %convert_element_type3A_144, %div3A_142 : vector<16xf32>
        %sub3A_146 = arith.constant 1 : i32
        %sub3A_147 = vector.broadcast %sub3A_146 : i32 to vector<16xi32>
        %sub3A_148 = arith.subi %convert_element_type3A_143, %sub3A_147 : vector<16xi32>
        %select_n3A_149 = arith.select %gt3A_145, %sub3A_148, %convert_element_type3A_143 : vector<16xi1>, vector<16xi32>
        %div3A_150 = vector.broadcast %scan3A : f32 to vector<16xf32>
        %div3A_151 = arith.divf %gather3A_136, %div3A_150 : vector<16xf32>
        %convert_element_type3A_152 = arith.fptosi %div3A_151 : vector<16xf32> to vector<16xi32>
        %convert_element_type3A_153 = arith.sitofp %convert_element_type3A_152 : vector<16xi32> to vector<16xf32>
        %gt3A_154 = arith.cmpf ogt, %convert_element_type3A_153, %div3A_151 : vector<16xf32>
        %sub3A_155 = arith.constant 1 : i32
        %sub3A_156 = vector.broadcast %sub3A_155 : i32 to vector<16xi32>
        %sub3A_157 = arith.subi %convert_element_type3A_152, %sub3A_156 : vector<16xi32>
        %select_n3A_158 = arith.select %gt3A_154, %sub3A_157, %convert_element_type3A_152 : vector<16xi1>, vector<16xi32>
        %mul3A_159 = arith.constant 73856093 : i32
        %mul3A_160 = vector.broadcast %mul3A_159 : i32 to vector<16xi32>
        %mul3A_161 = arith.muli %select_n3A, %mul3A_160 : vector<16xi32>
        %mul3A_162 = arith.constant 19349663 : i32
        %mul3A_163 = vector.broadcast %mul3A_162 : i32 to vector<16xi32>
        %mul3A_164 = arith.muli %select_n3A_149, %mul3A_163 : vector<16xi32>
        %xor3A = arith.xori %mul3A_161, %mul3A_164 : vector<16xi32>
        %mul3A_165 = arith.constant 83492791 : i32
        %mul3A_166 = vector.broadcast %mul3A_165 : i32 to vector<16xi32>
        %mul3A_167 = arith.muli %select_n3A_158, %mul3A_166 : vector<16xi32>
        %xor3A_168 = arith.xori %xor3A, %mul3A_167 : vector<16xi32>
        %and3A = arith.constant 65535 : i32
        %and3A_169 = vector.broadcast %and3A : i32 to vector<16xi32>
        %and3A_170 = arith.andi %xor3A_168, %and3A_169 : vector<16xi32>
        %add3A_171 = arith.addi %mul3A_88, %add3A_123 : i32
        %add3A_172 = vector.broadcast %add3A_171 : i32 to vector<16xi32>
        %add3A_173 = arith.addi %add3A_172, %iota3A : vector<16xi32>
        %lt3A = arith.constant 50000 : i32
        %lt3A_174 = vector.broadcast %lt3A : i32 to vector<16xi32>
        %lt3A_175 = arith.cmpi slt, %add3A_173, %lt3A_174 : vector<16xi32>
        %jit3A = arith.constant 1.000000e+00 : f32
        %jit3A_176 = arith.constant 0.000000e+00 : f32
        %broadcast_in_dim3A_177 = vector.broadcast %jit3A : f32 to vector<16xf32>
        %broadcast_in_dim3A_178 = vector.broadcast %jit3A_176 : f32 to vector<16xf32>
        %select_n3A_179 = arith.select %lt3A_175, %broadcast_in_dim3A_177, %broadcast_in_dim3A_178 : vector<16xi1>, vector<16xf32>
        %add3A_180 = vector.broadcast %mul3A_121 : i32 to vector<16xi32>
        %add3A_181 = arith.addi %add3A_180, %iota3A : vector<16xi32>
        tpu.vector_store_idx %arg7[%add3A_181, %broadcast_in_dim3A_0], %select_n3A_179 : memref<1664x16xf32, #tpu.memory_space<vmem>>[vector<16xi32>, vector<16xi32>], vector<16xf32>,
        tpu.vector_store_idx %arg7[%add3A_181, %add3A_2], %gather3A : memref<1664x16xf32, #tpu.memory_space<vmem>>[vector<16xi32>, vector<16xi32>], vector<16xf32>,
        tpu.vector_store_idx %arg7[%add3A_181, %add3A_5], %gather3A_132 : memref<1664x16xf32, #tpu.memory_space<vmem>>[vector<16xi32>, vector<16xi32>], vector<16xf32>,
        tpu.vector_store_idx %arg7[%add3A_181, %add3A_8], %gather3A_136 : memref<1664x16xf32, #tpu.memory_space<vmem>>[vector<16xi32>, vector<16xi32>], vector<16xf32>,
        %broadcast_in_dim3A_182 = arith.constant 13 : i32
        %broadcast_in_dim3A_183 = vector.broadcast %broadcast_in_dim3A_182 : i32 to vector<16xi32>
        %jit3A_184 = arith.constant 8 : i32
        %div3A_185 = arith.divsi %add3A_119, %jit3A_184 : i32
        %sign3A = arith.constant 0 : i32
        %sign3A_186 = arith.cmpi sgt, %add3A_119, %sign3A : i32
        %sign3A_187 = arith.extui %sign3A_186 : i1 to i32
        %sign3A_188 = arith.constant 0 : i32
        %sign3A_189 = arith.cmpi slt, %add3A_119, %sign3A_188 : i32
        %sign3A_190 = arith.extui %sign3A_189 : i1 to i32
        %sign3A_191 = arith.subi %sign3A_187, %sign3A_190 : i32
        %sign3A_192 = arith.constant 0 : i32
        %sign3A_193 = arith.cmpi sgt, %jit3A_184, %sign3A_192 : i32
        %sign3A_194 = arith.extui %sign3A_193 : i1 to i32
        %sign3A_195 = arith.constant 0 : i32
        %sign3A_196 = arith.cmpi slt, %jit3A_184, %sign3A_195 : i32
        %sign3A_197 = arith.extui %sign3A_196 : i1 to i32
        %sign3A_198 = arith.subi %sign3A_194, %sign3A_197 : i32
        %ne3A = arith.cmpi ne, %sign3A_191, %sign3A_198 : i32
        %rem3A = arith.remsi %add3A_119, %jit3A_184 : i32
        %ne3A_199 = arith.constant 0 : i32
        %ne3A_200 = arith.cmpi ne, %rem3A, %ne3A_199 : i32
        %and3A_201 = arith.andi %ne3A, %ne3A_200 : i1
        %sub3A_202 = arith.constant 1 : i32
        %sub3A_203 = arith.subi %div3A_185, %sub3A_202 : i32
        %select_n3A_204 = arith.select %and3A_201, %sub3A_203, %div3A_185 : i32
        %add3A_205 = vector.broadcast %select_n3A_204 : i32 to vector<16xi32>
        %add3A_206 = arith.addi %broadcast_in_dim3A_183, %add3A_205 : vector<16xi32>
        %and3A_207 = arith.constant 7 : i32
        %and3A_208 = arith.andi %add3A_119, %and3A_207 : i32
        %mul3A_209 = arith.constant 16 : i32
        %mul3A_210 = arith.muli %and3A_208, %mul3A_209 : i32
        %add3A_211 = vector.broadcast %mul3A_210 : i32 to vector<16xi32>
        %add3A_212 = arith.addi %add3A_211, %iota3A : vector<16xi32>
        tpu.vector_store_idx %arg6[%add3A_206, %add3A_212], %and3A_170 : memref<25x128xi32, #tpu.memory_space<vmem>>[vector<16xi32>, vector<16xi32>], vector<16xi32>,
      }
      %scan3A_105 = arith.constant 96 : i32
      %scan3A_106 = arith.constant 0 : i32
      %scan3A_107 = arith.constant 12 : i32
      %scan3A_108 = arith.addi %scan3A_106, %scan3A_107 : i32
      %scan3A_109 = arith.constant 1 : i32
      scf.for %scan3A_115 = %scan3A_106 to %scan3A_108 step %scan3A_109  : i32 {
        %mul3A_116 = arith.constant 1 : i32
        %mul3A_117 = arith.muli %scan3A_115, %mul3A_116 : i32
        %add3A_118 = arith.constant 0 : i32
        %add3A_119 = arith.addi %add3A_118, %mul3A_117 : i32
        %mul3A_120 = arith.constant 128 : i32
        %mul3A_121 = arith.muli %add3A_119, %mul3A_120 : i32
        %add3A_122 = arith.constant 13 : i32
        %add3A_123 = arith.addi %add3A_122, %add3A_119 : i32
        "tpu.region"() ({
          %run_scoped3A = tpu.sem_alloc : memref<!tpu.dma_semaphore, #tpu.memory_space<semaphore_mem>>
          %dma_start3A = arith.constant 0 : i32
          %dma_start3A_124 = tpu.memref_slice %arg7[%mul3A_121, %dma_start3A] : memref<1664x16xf32, #tpu.memory_space<vmem>> -> memref<128x16xf32, #tpu.memory_space<vmem>>
          %dma_start3A_125 = arith.constant 0 : i32
          %dma_start3A_126 = tpu.memref_slice %arg6[%add3A_123, %dma_start3A_125] : memref<25x128xi32, #tpu.memory_space<vmem>> -> memref<1x128xi32, #tpu.memory_space<vmem>>
          %dma_start3A_127 = tpu.memref_squeeze %dma_start3A_126 : memref<1x128xi32, #tpu.memory_space<vmem>> -> memref<128xi32, #tpu.memory_space<vmem>>
          %dma_start3A_128 = arith.constant 0 : i32
          %dma_start3A_129 = arith.constant 0 : i32
          %dma_start3A_130 = tpu.memref_slice %arg9[%dma_start3A_128, %dma_start3A_129] : memref<65536x16xf32, #tpu.memory_space<vmem_shared>> -> memref<65536x16xf32, #tpu.memory_space<vmem_shared>>
          tpu.enqueue_indirect_dma source(%dma_start3A_124 : memref<128x16xf32, #tpu.memory_space<vmem>>) target(%dma_start3A_130 : memref<65536x16xf32, #tpu.memory_space<vmem_shared>>) offsets(%dma_start3A_127 : memref<128xi32, #tpu.memory_space<vmem>>) semaphore(%run_scoped3A : memref<!tpu.dma_semaphore, #tpu.memory_space<semaphore_mem>>) {add = true}
          %dma_wait3A = arith.constant 0 : i32
          %dma_wait3A_131 = tpu.memref_slice %arg7[%mul3A_121, %dma_wait3A] : memref<1664x16xf32, #tpu.memory_space<vmem>> -> memref<128x16xf32, #tpu.memory_space<vmem>>
          %dma_wait3A_132 = arith.constant 0 : i32
          %dma_wait3A_133 = tpu.memref_slice %arg6[%add3A_123, %dma_wait3A_132] : memref<25x128xi32, #tpu.memory_space<vmem>> -> memref<1x128xi32, #tpu.memory_space<vmem>>
          %dma_wait3A_134 = tpu.memref_squeeze %dma_wait3A_133 : memref<1x128xi32, #tpu.memory_space<vmem>> -> memref<128xi32, #tpu.memory_space<vmem>>
          %dma_wait3A_135 = arith.constant 0 : i32
          %dma_wait3A_136 = arith.constant 0 : i32
          %dma_wait3A_137 = tpu.memref_slice %arg9[%dma_wait3A_135, %dma_wait3A_136] : memref<65536x16xf32, #tpu.memory_space<vmem_shared>> -> memref<65536x16xf32, #tpu.memory_space<vmem_shared>>
          tpu.wait_indirect_dma semaphore(%run_scoped3A : memref<!tpu.dma_semaphore, #tpu.memory_space<semaphore_mem>>) src(%dma_wait3A_131 : memref<128x16xf32, #tpu.memory_space<vmem>>) dst(%dma_wait3A_137 : memref<65536x16xf32, #tpu.memory_space<vmem_shared>>)
          tpu.yield
        }) : () -> ()
      }
      %scan3A_110 = arith.constant 12 : i32
      %barrier3A_111 = arith.constant 0 : index
      tpu.barrier barrier_id(%barrier3A_111)
      %mul3A_112 = arith.constant 4096 : i32
      %mul3A_113 = arith.muli %arg1, %mul3A_112 : i32
      "tpu.region"() ({
        %run_scoped3A = tpu.sem_alloc : memref<!tpu.dma_semaphore, #tpu.memory_space<semaphore_mem>>
        %dma_start3A = arith.constant 0 : i32
        %dma_start3A_115 = tpu.memref_slice %arg4[%add3A_20, %mul3A_113, %dma_start3A] : memref<8x65536x16xf32, #tpu.memory_space<hbm>> -> memref<1x4096x16xf32, #tpu.memory_space<hbm>>
        %dma_start3A_116 = tpu.memref_squeeze %dma_start3A_115 : memref<1x4096x16xf32, #tpu.memory_space<hbm>> -> memref<4096x16xf32, #tpu.memory_space<hbm>>
        %dma_start3A_117 = arith.constant 0 : i32
        %dma_start3A_118 = tpu.memref_slice %arg9[%mul3A_113, %dma_start3A_117] : memref<65536x16xf32, #tpu.memory_space<vmem_shared>> -> memref<4096x16xf32, #tpu.memory_space<vmem_shared>>
        tpu.enqueue_dma source(%dma_start3A_118 : memref<4096x16xf32, #tpu.memory_space<vmem_shared>>) target(%dma_start3A_116 : memref<4096x16xf32, #tpu.memory_space<hbm>>) target_semaphore(%run_scoped3A : memref<!tpu.dma_semaphore, #tpu.memory_space<semaphore_mem>>)
        %dma_wait3A = arith.constant 0 : i32
        %dma_wait3A_119 = tpu.memref_slice %arg4[%add3A_20, %mul3A_113, %dma_wait3A] : memref<8x65536x16xf32, #tpu.memory_space<hbm>> -> memref<1x4096x16xf32, #tpu.memory_space<hbm>>
        %dma_wait3A_120 = tpu.memref_squeeze %dma_wait3A_119 : memref<1x4096x16xf32, #tpu.memory_space<hbm>> -> memref<4096x16xf32, #tpu.memory_space<hbm>>
        %dma_wait3A_121 = arith.constant 0 : i32
        %dma_wait3A_122 = tpu.memref_slice %arg9[%mul3A_113, %dma_wait3A_121] : memref<65536x16xf32, #tpu.memory_space<vmem_shared>> -> memref<4096x16xf32, #tpu.memory_space<vmem_shared>>
        tpu.wait_dma2 semaphore(%run_scoped3A : memref<!tpu.dma_semaphore, #tpu.memory_space<semaphore_mem>>) src(%dma_wait3A_122 : memref<4096x16xf32, #tpu.memory_space<vmem_shared>>) dst(%dma_wait3A_120 : memref<4096x16xf32, #tpu.memory_space<hbm>>)
        tpu.yield
      }) : () -> ()
      %barrier3A_114 = arith.constant 0 : index
      tpu.barrier barrier_id(%barrier3A_114)
    }
    %scan3A_13 = arith.constant 4 : i32
    return
  }
}

#map = affine_map<(d0, d1) -> (0, 0)>
#map1 = affine_map<(d0, d1) -> (0, 0, 0)>
module attributes {stable_mosaic.version = 14 : i64} {
  func.func @_sc_body(%arg0: i32, %arg1: i32, %arg2: memref<16x153600xf32, #tpu.memory_space<hbm>>, %arg3: memref<1664x16xf32, #tpu.memory_space<hbm>>, %arg4: memref<8x65536x16xf32, #tpu.memory_space<hbm>>, %arg5: memref<9600xf32, #tpu.memory_space<vmem>>, %arg6: memref<25x128xi32, #tpu.memory_space<vmem>>, %arg7: memref<1664x16xf32, #tpu.memory_space<vmem>>, %arg8: memref<256x16xf32, #tpu.memory_space<vmem>>, %arg9: memref<65536x16xf32, #tpu.memory_space<vmem_shared>>) attributes {dimension_semantics = [#tpu.dimension_semantics<core_parallel>, #tpu.dimension_semantics<subcore_parallel>], iteration_bounds = array<i64: 2, 16>, scalar_prefetch = 0 : i64, scratch_operands = 5 : i64, tpu.core_type = #tpu.core_type<sc_vector_subcore>, window_params = [{transform_indices = #map}, {transform_indices = #map}, {transform_indices = #map1}]} {
    %iota3A = tpu.iota {dimensions = array<i32: 0>} : vector<16xi32>
    %broadcast_in_dim3A = arith.constant 0 : i32
    %broadcast_in_dim3A_0 = vector.broadcast %broadcast_in_dim3A : i32 to vector<16xi32>
    %add3A = arith.constant 1 : i32
    %add3A_1 = vector.broadcast %add3A : i32 to vector<16xi32>
    %add3A_2 = arith.addi %broadcast_in_dim3A_0, %add3A_1 : vector<16xi32>
    %add3A_3 = arith.constant 2 : i32
    %add3A_4 = vector.broadcast %add3A_3 : i32 to vector<16xi32>
    %add3A_5 = arith.addi %broadcast_in_dim3A_0, %add3A_4 : vector<16xi32>
    %add3A_6 = arith.constant 3 : i32
    %add3A_7 = vector.broadcast %add3A_6 : i32 to vector<16xi32>
    %add3A_8 = arith.addi %broadcast_in_dim3A_0, %add3A_7 : vector<16xi32>
    "tpu.region"() ({
      %run_scoped3A = tpu.sem_alloc : memref<!tpu.dma_semaphore, #tpu.memory_space<semaphore_mem>>
      tpu.enqueue_dma source(%arg3 : memref<1664x16xf32, #tpu.memory_space<hbm>>) target(%arg7 : memref<1664x16xf32, #tpu.memory_space<vmem>>) target_semaphore(%run_scoped3A : memref<!tpu.dma_semaphore, #tpu.memory_space<semaphore_mem>>)
      tpu.wait_dma2 semaphore(%run_scoped3A : memref<!tpu.dma_semaphore, #tpu.memory_space<semaphore_mem>>) src(%arg3 : memref<1664x16xf32, #tpu.memory_space<hbm>>) dst(%arg7 : memref<1664x16xf32, #tpu.memory_space<vmem>>)
      tpu.yield
    }) : () -> ()
    "tpu.region"() ({
      %run_scoped3A = tpu.sem_alloc : memref<!tpu.dma_semaphore, #tpu.memory_space<semaphore_mem>>
      %dma_start3A = arith.constant 0 : i32
      %dma_start3A_14 = arith.constant 0 : i32
      %dma_start3A_15 = tpu.memref_slice %arg3[%dma_start3A, %dma_start3A_14] : memref<1664x16xf32, #tpu.memory_space<hbm>> -> memref<256x16xf32, #tpu.memory_space<hbm>>
      %dma_start3A_16 = arith.constant 0 : i32
      %dma_start3A_17 = arith.constant 0 : i32
      %dma_start3A_18 = tpu.memref_slice %arg3[%dma_start3A_16, %dma_start3A_17] : memref<1664x16xf32, #tpu.memory_space<hbm>> -> memref<256x16xf32, #tpu.memory_space<hbm>>
      tpu.enqueue_dma source(%dma_start3A_18 : memref<256x16xf32, #tpu.memory_space<hbm>>) target(%arg8 : memref<256x16xf32, #tpu.memory_space<vmem>>) target_semaphore(%run_scoped3A : memref<!tpu.dma_semaphore, #tpu.memory_space<semaphore_mem>>)
      %dma_wait3A = arith.constant 0 : i32
      %dma_wait3A_19 = arith.constant 0 : i32
      %dma_wait3A_20 = tpu.memref_slice %arg3[%dma_wait3A, %dma_wait3A_19] : memref<1664x16xf32, #tpu.memory_space<hbm>> -> memref<256x16xf32, #tpu.memory_space<hbm>>
      %dma_wait3A_21 = arith.constant 0 : i32
      %dma_wait3A_22 = arith.constant 0 : i32
      %dma_wait3A_23 = tpu.memref_slice %arg3[%dma_wait3A_21, %dma_wait3A_22] : memref<1664x16xf32, #tpu.memory_space<hbm>> -> memref<256x16xf32, #tpu.memory_space<hbm>>
      tpu.wait_dma2 semaphore(%run_scoped3A : memref<!tpu.dma_semaphore, #tpu.memory_space<semaphore_mem>>) src(%dma_wait3A_23 : memref<256x16xf32, #tpu.memory_space<hbm>>) dst(%arg8 : memref<256x16xf32, #tpu.memory_space<vmem>>)
      tpu.yield
    }) : () -> ()
    %scan3A = arith.constant 0.00999999977 : f32
    %scan3A_9 = arith.constant 0 : i32
    %scan3A_10 = arith.constant 4 : i32
    %scan3A_11 = arith.addi %scan3A_9, %scan3A_10 : i32
    %scan3A_12 = arith.constant 1 : i32
    scf.for %scan3A_14 = %scan3A_9 to %scan3A_11 step %scan3A_12  : i32 {
      %mul3A = arith.constant 1 : i32
      %mul3A_15 = arith.muli %scan3A_14, %mul3A : i32
      %add3A_16 = arith.constant 0 : i32
      %add3A_17 = arith.addi %add3A_16, %mul3A_15 : i32
      %mul3A_18 = arith.constant 4 : i32
      %mul3A_19 = arith.muli %arg0, %mul3A_18 : i32
      %add3A_20 = arith.addi %mul3A_19, %add3A_17 : i32
      %add3A_21 = arith.constant 8 : i32
      %add3A_22 = arith.addi %add3A_21, %add3A_20 : i32
      %mul3A_23 = arith.constant 4096 : i32
      %mul3A_24 = arith.muli %arg1, %mul3A_23 : i32
      %add3A_25 = arith.constant 0 : i32
      %add3A_26 = arith.addi %mul3A_24, %add3A_25 : i32
      "tpu.region"() ({
        %run_scoped3A = tpu.sem_alloc : memref<!tpu.dma_semaphore, #tpu.memory_space<semaphore_mem>>
        %dma_start3A = arith.constant 0 : i32
        %dma_start3A_115 = tpu.memref_slice %arg9[%add3A_26, %dma_start3A] : memref<65536x16xf32, #tpu.memory_space<vmem_shared>> -> memref<256x16xf32, #tpu.memory_space<vmem_shared>>
        %dma_start3A_116 = arith.constant 0 : i32
        %dma_start3A_117 = tpu.memref_slice %arg9[%add3A_26, %dma_start3A_116] : memref<65536x16xf32, #tpu.memory_space<vmem_shared>> -> memref<256x16xf32, #tpu.memory_space<vmem_shared>>
        tpu.enqueue_dma source(%arg8 : memref<256x16xf32, #tpu.memory_space<vmem>>) target(%dma_start3A_117 : memref<256x16xf32, #tpu.memory_space<vmem_shared>>) target_semaphore(%run_scoped3A : memref<!tpu.dma_semaphore, #tpu.memory_space<semaphore_mem>>)
        %dma_wait3A = arith.constant 0 : i32
        %dma_wait3A_118 = tpu.memref_slice %arg9[%add3A_26, %dma_wait3A] : memref<65536x16xf32, #tpu.memory_space<vmem_shared>> -> memref<256x16xf32, #tpu.memory_space<vmem_shared>>
        %dma_wait3A_119 = arith.constant 0 : i32
        %dma_wait3A_120 = tpu.memref_slice %arg9[%add3A_26, %dma_wait3A_119] : memref<65536x16xf32, #tpu.memory_space<vmem_shared>> -> memref<256x16xf32, #tpu.memory_space<vmem_shared>>
        tpu.wait_dma2 semaphore(%run_scoped3A : memref<!tpu.dma_semaphore, #tpu.memory_space<semaphore_mem>>) src(%arg8 : memref<256x16xf32, #tpu.memory_space<vmem>>) dst(%dma_wait3A_120 : memref<256x16xf32, #tpu.memory_space<vmem_shared>>)
        tpu.yield
      }) : () -> ()
      %mul3A_27 = arith.constant 4096 : i32
      %mul3A_28 = arith.muli %arg1, %mul3A_27 : i32
      %add3A_29 = arith.constant 256 : i32
      %add3A_30 = arith.addi %mul3A_28, %add3A_29 : i32
      "tpu.region"() ({
        %run_scoped3A = tpu.sem_alloc : memref<!tpu.dma_semaphore, #tpu.memory_space<semaphore_mem>>
        %dma_start3A = arith.constant 0 : i32
        %dma_start3A_115 = tpu.memref_slice %arg9[%add3A_30, %dma_start3A] : memref<65536x16xf32, #tpu.memory_space<vmem_shared>> -> memref<256x16xf32, #tpu.memory_space<vmem_shared>>
        %dma_start3A_116 = arith.constant 0 : i32
        %dma_start3A_117 = tpu.memref_slice %arg9[%add3A_30, %dma_start3A_116] : memref<65536x16xf32, #tpu.memory_space<vmem_shared>> -> memref<256x16xf32, #tpu.memory_space<vmem_shared>>
        tpu.enqueue_dma source(%arg8 : memref<256x16xf32, #tpu.memory_space<vmem>>) target(%dma_start3A_117 : memref<256x16xf32, #tpu.memory_space<vmem_shared>>) target_semaphore(%run_scoped3A : memref<!tpu.dma_semaphore, #tpu.memory_space<semaphore_mem>>)
        %dma_wait3A = arith.constant 0 : i32
        %dma_wait3A_118 = tpu.memref_slice %arg9[%add3A_30, %dma_wait3A] : memref<65536x16xf32, #tpu.memory_space<vmem_shared>> -> memref<256x16xf32, #tpu.memory_space<vmem_shared>>
        %dma_wait3A_119 = arith.constant 0 : i32
        %dma_wait3A_120 = tpu.memref_slice %arg9[%add3A_30, %dma_wait3A_119] : memref<65536x16xf32, #tpu.memory_space<vmem_shared>> -> memref<256x16xf32, #tpu.memory_space<vmem_shared>>
        tpu.wait_dma2 semaphore(%run_scoped3A : memref<!tpu.dma_semaphore, #tpu.memory_space<semaphore_mem>>) src(%arg8 : memref<256x16xf32, #tpu.memory_space<vmem>>) dst(%dma_wait3A_120 : memref<256x16xf32, #tpu.memory_space<vmem_shared>>)
        tpu.yield
      }) : () -> ()
      %mul3A_31 = arith.constant 4096 : i32
      %mul3A_32 = arith.muli %arg1, %mul3A_31 : i32
      %add3A_33 = arith.constant 512 : i32
      %add3A_34 = arith.addi %mul3A_32, %add3A_33 : i32
      "tpu.region"() ({
        %run_scoped3A = tpu.sem_alloc : memref<!tpu.dma_semaphore, #tpu.memory_space<semaphore_mem>>
        %dma_start3A = arith.constant 0 : i32
        %dma_start3A_115 = tpu.memref_slice %arg9[%add3A_34, %dma_start3A] : memref<65536x16xf32, #tpu.memory_space<vmem_shared>> -> memref<256x16xf32, #tpu.memory_space<vmem_shared>>
        %dma_start3A_116 = arith.constant 0 : i32
        %dma_start3A_117 = tpu.memref_slice %arg9[%add3A_34, %dma_start3A_116] : memref<65536x16xf32, #tpu.memory_space<vmem_shared>> -> memref<256x16xf32, #tpu.memory_space<vmem_shared>>
        tpu.enqueue_dma source(%arg8 : memref<256x16xf32, #tpu.memory_space<vmem>>) target(%dma_start3A_117 : memref<256x16xf32, #tpu.memory_space<vmem_shared>>) target_semaphore(%run_scoped3A : memref<!tpu.dma_semaphore, #tpu.memory_space<semaphore_mem>>)
        %dma_wait3A = arith.constant 0 : i32
        %dma_wait3A_118 = tpu.memref_slice %arg9[%add3A_34, %dma_wait3A] : memref<65536x16xf32, #tpu.memory_space<vmem_shared>> -> memref<256x16xf32, #tpu.memory_space<vmem_shared>>
        %dma_wait3A_119 = arith.constant 0 : i32
        %dma_wait3A_120 = tpu.memref_slice %arg9[%add3A_34, %dma_wait3A_119] : memref<65536x16xf32, #tpu.memory_space<vmem_shared>> -> memref<256x16xf32, #tpu.memory_space<vmem_shared>>
        tpu.wait_dma2 semaphore(%run_scoped3A : memref<!tpu.dma_semaphore, #tpu.memory_space<semaphore_mem>>) src(%arg8 : memref<256x16xf32, #tpu.memory_space<vmem>>) dst(%dma_wait3A_120 : memref<256x16xf32, #tpu.memory_space<vmem_shared>>)
        tpu.yield
      }) : () -> ()
      %mul3A_35 = arith.constant 4096 : i32
      %mul3A_36 = arith.muli %arg1, %mul3A_35 : i32
      %add3A_37 = arith.constant 768 : i32
      %add3A_38 = arith.addi %mul3A_36, %add3A_37 : i32
      "tpu.region"() ({
        %run_scoped3A = tpu.sem_alloc : memref<!tpu.dma_semaphore, #tpu.memory_space<semaphore_mem>>
        %dma_start3A = arith.constant 0 : i32
        %dma_start3A_115 = tpu.memref_slice %arg9[%add3A_38, %dma_start3A] : memref<65536x16xf32, #tpu.memory_space<vmem_shared>> -> memref<256x16xf32, #tpu.memory_space<vmem_shared>>
        %dma_start3A_116 = arith.constant 0 : i32
        %dma_start3A_117 = tpu.memref_slice %arg9[%add3A_38, %dma_start3A_116] : memref<65536x16xf32, #tpu.memory_space<vmem_shared>> -> memref<256x16xf32, #tpu.memory_space<vmem_shared>>
        tpu.enqueue_dma source(%arg8 : memref<256x16xf32, #tpu.memory_space<vmem>>) target(%dma_start3A_117 : memref<256x16xf32, #tpu.memory_space<vmem_shared>>) target_semaphore(%run_scoped3A : memref<!tpu.dma_semaphore, #tpu.memory_space<semaphore_mem>>)
        %dma_wait3A = arith.constant 0 : i32
        %dma_wait3A_118 = tpu.memref_slice %arg9[%add3A_38, %dma_wait3A] : memref<65536x16xf32, #tpu.memory_space<vmem_shared>> -> memref<256x16xf32, #tpu.memory_space<vmem_shared>>
        %dma_wait3A_119 = arith.constant 0 : i32
        %dma_wait3A_120 = tpu.memref_slice %arg9[%add3A_38, %dma_wait3A_119] : memref<65536x16xf32, #tpu.memory_space<vmem_shared>> -> memref<256x16xf32, #tpu.memory_space<vmem_shared>>
        tpu.wait_dma2 semaphore(%run_scoped3A : memref<!tpu.dma_semaphore, #tpu.memory_space<semaphore_mem>>) src(%arg8 : memref<256x16xf32, #tpu.memory_space<vmem>>) dst(%dma_wait3A_120 : memref<256x16xf32, #tpu.memory_space<vmem_shared>>)
        tpu.yield
      }) : () -> ()
      %mul3A_39 = arith.constant 4096 : i32
      %mul3A_40 = arith.muli %arg1, %mul3A_39 : i32
      %add3A_41 = arith.constant 1024 : i32
      %add3A_42 = arith.addi %mul3A_40, %add3A_41 : i32
      "tpu.region"() ({
        %run_scoped3A = tpu.sem_alloc : memref<!tpu.dma_semaphore, #tpu.memory_space<semaphore_mem>>
        %dma_start3A = arith.constant 0 : i32
        %dma_start3A_115 = tpu.memref_slice %arg9[%add3A_42, %dma_start3A] : memref<65536x16xf32, #tpu.memory_space<vmem_shared>> -> memref<256x16xf32, #tpu.memory_space<vmem_shared>>
        %dma_start3A_116 = arith.constant 0 : i32
        %dma_start3A_117 = tpu.memref_slice %arg9[%add3A_42, %dma_start3A_116] : memref<65536x16xf32, #tpu.memory_space<vmem_shared>> -> memref<256x16xf32, #tpu.memory_space<vmem_shared>>
        tpu.enqueue_dma source(%arg8 : memref<256x16xf32, #tpu.memory_space<vmem>>) target(%dma_start3A_117 : memref<256x16xf32, #tpu.memory_space<vmem_shared>>) target_semaphore(%run_scoped3A : memref<!tpu.dma_semaphore, #tpu.memory_space<semaphore_mem>>)
        %dma_wait3A = arith.constant 0 : i32
        %dma_wait3A_118 = tpu.memref_slice %arg9[%add3A_42, %dma_wait3A] : memref<65536x16xf32, #tpu.memory_space<vmem_shared>> -> memref<256x16xf32, #tpu.memory_space<vmem_shared>>
        %dma_wait3A_119 = arith.constant 0 : i32
        %dma_wait3A_120 = tpu.memref_slice %arg9[%add3A_42, %dma_wait3A_119] : memref<65536x16xf32, #tpu.memory_space<vmem_shared>> -> memref<256x16xf32, #tpu.memory_space<vmem_shared>>
        tpu.wait_dma2 semaphore(%run_scoped3A : memref<!tpu.dma_semaphore, #tpu.memory_space<semaphore_mem>>) src(%arg8 : memref<256x16xf32, #tpu.memory_space<vmem>>) dst(%dma_wait3A_120 : memref<256x16xf32, #tpu.memory_space<vmem_shared>>)
        tpu.yield
      }) : () -> ()
      %mul3A_43 = arith.constant 4096 : i32
      %mul3A_44 = arith.muli %arg1, %mul3A_43 : i32
      %add3A_45 = arith.constant 1280 : i32
      %add3A_46 = arith.addi %mul3A_44, %add3A_45 : i32
      "tpu.region"() ({
        %run_scoped3A = tpu.sem_alloc : memref<!tpu.dma_semaphore, #tpu.memory_space<semaphore_mem>>
        %dma_start3A = arith.constant 0 : i32
        %dma_start3A_115 = tpu.memref_slice %arg9[%add3A_46, %dma_start3A] : memref<65536x16xf32, #tpu.memory_space<vmem_shared>> -> memref<256x16xf32, #tpu.memory_space<vmem_shared>>
        %dma_start3A_116 = arith.constant 0 : i32
        %dma_start3A_117 = tpu.memref_slice %arg9[%add3A_46, %dma_start3A_116] : memref<65536x16xf32, #tpu.memory_space<vmem_shared>> -> memref<256x16xf32, #tpu.memory_space<vmem_shared>>
        tpu.enqueue_dma source(%arg8 : memref<256x16xf32, #tpu.memory_space<vmem>>) target(%dma_start3A_117 : memref<256x16xf32, #tpu.memory_space<vmem_shared>>) target_semaphore(%run_scoped3A : memref<!tpu.dma_semaphore, #tpu.memory_space<semaphore_mem>>)
        %dma_wait3A = arith.constant 0 : i32
        %dma_wait3A_118 = tpu.memref_slice %arg9[%add3A_46, %dma_wait3A] : memref<65536x16xf32, #tpu.memory_space<vmem_shared>> -> memref<256x16xf32, #tpu.memory_space<vmem_shared>>
        %dma_wait3A_119 = arith.constant 0 : i32
        %dma_wait3A_120 = tpu.memref_slice %arg9[%add3A_46, %dma_wait3A_119] : memref<65536x16xf32, #tpu.memory_space<vmem_shared>> -> memref<256x16xf32, #tpu.memory_space<vmem_shared>>
        tpu.wait_dma2 semaphore(%run_scoped3A : memref<!tpu.dma_semaphore, #tpu.memory_space<semaphore_mem>>) src(%arg8 : memref<256x16xf32, #tpu.memory_space<vmem>>) dst(%dma_wait3A_120 : memref<256x16xf32, #tpu.memory_space<vmem_shared>>)
        tpu.yield
      }) : () -> ()
      %mul3A_47 = arith.constant 4096 : i32
      %mul3A_48 = arith.muli %arg1, %mul3A_47 : i32
      %add3A_49 = arith.constant 1536 : i32
      %add3A_50 = arith.addi %mul3A_48, %add3A_49 : i32
      "tpu.region"() ({
        %run_scoped3A = tpu.sem_alloc : memref<!tpu.dma_semaphore, #tpu.memory_space<semaphore_mem>>
        %dma_start3A = arith.constant 0 : i32
        %dma_start3A_115 = tpu.memref_slice %arg9[%add3A_50, %dma_start3A] : memref<65536x16xf32, #tpu.memory_space<vmem_shared>> -> memref<256x16xf32, #tpu.memory_space<vmem_shared>>
        %dma_start3A_116 = arith.constant 0 : i32
        %dma_start3A_117 = tpu.memref_slice %arg9[%add3A_50, %dma_start3A_116] : memref<65536x16xf32, #tpu.memory_space<vmem_shared>> -> memref<256x16xf32, #tpu.memory_space<vmem_shared>>
        tpu.enqueue_dma source(%arg8 : memref<256x16xf32, #tpu.memory_space<vmem>>) target(%dma_start3A_117 : memref<256x16xf32, #tpu.memory_space<vmem_shared>>) target_semaphore(%run_scoped3A : memref<!tpu.dma_semaphore, #tpu.memory_space<semaphore_mem>>)
        %dma_wait3A = arith.constant 0 : i32
        %dma_wait3A_118 = tpu.memref_slice %arg9[%add3A_50, %dma_wait3A] : memref<65536x16xf32, #tpu.memory_space<vmem_shared>> -> memref<256x16xf32, #tpu.memory_space<vmem_shared>>
        %dma_wait3A_119 = arith.constant 0 : i32
        %dma_wait3A_120 = tpu.memref_slice %arg9[%add3A_50, %dma_wait3A_119] : memref<65536x16xf32, #tpu.memory_space<vmem_shared>> -> memref<256x16xf32, #tpu.memory_space<vmem_shared>>
        tpu.wait_dma2 semaphore(%run_scoped3A : memref<!tpu.dma_semaphore, #tpu.memory_space<semaphore_mem>>) src(%arg8 : memref<256x16xf32, #tpu.memory_space<vmem>>) dst(%dma_wait3A_120 : memref<256x16xf32, #tpu.memory_space<vmem_shared>>)
        tpu.yield
      }) : () -> ()
      %mul3A_51 = arith.constant 4096 : i32
      %mul3A_52 = arith.muli %arg1, %mul3A_51 : i32
      %add3A_53 = arith.constant 1792 : i32
      %add3A_54 = arith.addi %mul3A_52, %add3A_53 : i32
      "tpu.region"() ({
        %run_scoped3A = tpu.sem_alloc : memref<!tpu.dma_semaphore, #tpu.memory_space<semaphore_mem>>
        %dma_start3A = arith.constant 0 : i32
        %dma_start3A_115 = tpu.memref_slice %arg9[%add3A_54, %dma_start3A] : memref<65536x16xf32, #tpu.memory_space<vmem_shared>> -> memref<256x16xf32, #tpu.memory_space<vmem_shared>>
        %dma_start3A_116 = arith.constant 0 : i32
        %dma_start3A_117 = tpu.memref_slice %arg9[%add3A_54, %dma_start3A_116] : memref<65536x16xf32, #tpu.memory_space<vmem_shared>> -> memref<256x16xf32, #tpu.memory_space<vmem_shared>>
        tpu.enqueue_dma source(%arg8 : memref<256x16xf32, #tpu.memory_space<vmem>>) target(%dma_start3A_117 : memref<256x16xf32, #tpu.memory_space<vmem_shared>>) target_semaphore(%run_scoped3A : memref<!tpu.dma_semaphore, #tpu.memory_space<semaphore_mem>>)
        %dma_wait3A = arith.constant 0 : i32
        %dma_wait3A_118 = tpu.memref_slice %arg9[%add3A_54, %dma_wait3A] : memref<65536x16xf32, #tpu.memory_space<vmem_shared>> -> memref<256x16xf32, #tpu.memory_space<vmem_shared>>
        %dma_wait3A_119 = arith.constant 0 : i32
        %dma_wait3A_120 = tpu.memref_slice %arg9[%add3A_54, %dma_wait3A_119] : memref<65536x16xf32, #tpu.memory_space<vmem_shared>> -> memref<256x16xf32, #tpu.memory_space<vmem_shared>>
        tpu.wait_dma2 semaphore(%run_scoped3A : memref<!tpu.dma_semaphore, #tpu.memory_space<semaphore_mem>>) src(%arg8 : memref<256x16xf32, #tpu.memory_space<vmem>>) dst(%dma_wait3A_120 : memref<256x16xf32, #tpu.memory_space<vmem_shared>>)
        tpu.yield
      }) : () -> ()
      %mul3A_55 = arith.constant 4096 : i32
      %mul3A_56 = arith.muli %arg1, %mul3A_55 : i32
      %add3A_57 = arith.constant 2048 : i32
      %add3A_58 = arith.addi %mul3A_56, %add3A_57 : i32
      "tpu.region"() ({
        %run_scoped3A = tpu.sem_alloc : memref<!tpu.dma_semaphore, #tpu.memory_space<semaphore_mem>>
        %dma_start3A = arith.constant 0 : i32
        %dma_start3A_115 = tpu.memref_slice %arg9[%add3A_58, %dma_start3A] : memref<65536x16xf32, #tpu.memory_space<vmem_shared>> -> memref<256x16xf32, #tpu.memory_space<vmem_shared>>
        %dma_start3A_116 = arith.constant 0 : i32
        %dma_start3A_117 = tpu.memref_slice %arg9[%add3A_58, %dma_start3A_116] : memref<65536x16xf32, #tpu.memory_space<vmem_shared>> -> memref<256x16xf32, #tpu.memory_space<vmem_shared>>
        tpu.enqueue_dma source(%arg8 : memref<256x16xf32, #tpu.memory_space<vmem>>) target(%dma_start3A_117 : memref<256x16xf32, #tpu.memory_space<vmem_shared>>) target_semaphore(%run_scoped3A : memref<!tpu.dma_semaphore, #tpu.memory_space<semaphore_mem>>)
        %dma_wait3A = arith.constant 0 : i32
        %dma_wait3A_118 = tpu.memref_slice %arg9[%add3A_58, %dma_wait3A] : memref<65536x16xf32, #tpu.memory_space<vmem_shared>> -> memref<256x16xf32, #tpu.memory_space<vmem_shared>>
        %dma_wait3A_119 = arith.constant 0 : i32
        %dma_wait3A_120 = tpu.memref_slice %arg9[%add3A_58, %dma_wait3A_119] : memref<65536x16xf32, #tpu.memory_space<vmem_shared>> -> memref<256x16xf32, #tpu.memory_space<vmem_shared>>
        tpu.wait_dma2 semaphore(%run_scoped3A : memref<!tpu.dma_semaphore, #tpu.memory_space<semaphore_mem>>) src(%arg8 : memref<256x16xf32, #tpu.memory_space<vmem>>) dst(%dma_wait3A_120 : memref<256x16xf32, #tpu.memory_space<vmem_shared>>)
        tpu.yield
      }) : () -> ()
      %mul3A_59 = arith.constant 4096 : i32
      %mul3A_60 = arith.muli %arg1, %mul3A_59 : i32
      %add3A_61 = arith.constant 2304 : i32
      %add3A_62 = arith.addi %mul3A_60, %add3A_61 : i32
      "tpu.region"() ({
        %run_scoped3A = tpu.sem_alloc : memref<!tpu.dma_semaphore, #tpu.memory_space<semaphore_mem>>
        %dma_start3A = arith.constant 0 : i32
        %dma_start3A_115 = tpu.memref_slice %arg9[%add3A_62, %dma_start3A] : memref<65536x16xf32, #tpu.memory_space<vmem_shared>> -> memref<256x16xf32, #tpu.memory_space<vmem_shared>>
        %dma_start3A_116 = arith.constant 0 : i32
        %dma_start3A_117 = tpu.memref_slice %arg9[%add3A_62, %dma_start3A_116] : memref<65536x16xf32, #tpu.memory_space<vmem_shared>> -> memref<256x16xf32, #tpu.memory_space<vmem_shared>>
        tpu.enqueue_dma source(%arg8 : memref<256x16xf32, #tpu.memory_space<vmem>>) target(%dma_start3A_117 : memref<256x16xf32, #tpu.memory_space<vmem_shared>>) target_semaphore(%run_scoped3A : memref<!tpu.dma_semaphore, #tpu.memory_space<semaphore_mem>>)
        %dma_wait3A = arith.constant 0 : i32
        %dma_wait3A_118 = tpu.memref_slice %arg9[%add3A_62, %dma_wait3A] : memref<65536x16xf32, #tpu.memory_space<vmem_shared>> -> memref<256x16xf32, #tpu.memory_space<vmem_shared>>
        %dma_wait3A_119 = arith.constant 0 : i32
        %dma_wait3A_120 = tpu.memref_slice %arg9[%add3A_62, %dma_wait3A_119] : memref<65536x16xf32, #tpu.memory_space<vmem_shared>> -> memref<256x16xf32, #tpu.memory_space<vmem_shared>>
        tpu.wait_dma2 semaphore(%run_scoped3A : memref<!tpu.dma_semaphore, #tpu.memory_space<semaphore_mem>>) src(%arg8 : memref<256x16xf32, #tpu.memory_space<vmem>>) dst(%dma_wait3A_120 : memref<256x16xf32, #tpu.memory_space<vmem_shared>>)
        tpu.yield
      }) : () -> ()
      %mul3A_63 = arith.constant 4096 : i32
      %mul3A_64 = arith.muli %arg1, %mul3A_63 : i32
      %add3A_65 = arith.constant 2560 : i32
      %add3A_66 = arith.addi %mul3A_64, %add3A_65 : i32
      "tpu.region"() ({
        %run_scoped3A = tpu.sem_alloc : memref<!tpu.dma_semaphore, #tpu.memory_space<semaphore_mem>>
        %dma_start3A = arith.constant 0 : i32
        %dma_start3A_115 = tpu.memref_slice %arg9[%add3A_66, %dma_start3A] : memref<65536x16xf32, #tpu.memory_space<vmem_shared>> -> memref<256x16xf32, #tpu.memory_space<vmem_shared>>
        %dma_start3A_116 = arith.constant 0 : i32
        %dma_start3A_117 = tpu.memref_slice %arg9[%add3A_66, %dma_start3A_116] : memref<65536x16xf32, #tpu.memory_space<vmem_shared>> -> memref<256x16xf32, #tpu.memory_space<vmem_shared>>
        tpu.enqueue_dma source(%arg8 : memref<256x16xf32, #tpu.memory_space<vmem>>) target(%dma_start3A_117 : memref<256x16xf32, #tpu.memory_space<vmem_shared>>) target_semaphore(%run_scoped3A : memref<!tpu.dma_semaphore, #tpu.memory_space<semaphore_mem>>)
        %dma_wait3A = arith.constant 0 : i32
        %dma_wait3A_118 = tpu.memref_slice %arg9[%add3A_66, %dma_wait3A] : memref<65536x16xf32, #tpu.memory_space<vmem_shared>> -> memref<256x16xf32, #tpu.memory_space<vmem_shared>>
        %dma_wait3A_119 = arith.constant 0 : i32
        %dma_wait3A_120 = tpu.memref_slice %arg9[%add3A_66, %dma_wait3A_119] : memref<65536x16xf32, #tpu.memory_space<vmem_shared>> -> memref<256x16xf32, #tpu.memory_space<vmem_shared>>
        tpu.wait_dma2 semaphore(%run_scoped3A : memref<!tpu.dma_semaphore, #tpu.memory_space<semaphore_mem>>) src(%arg8 : memref<256x16xf32, #tpu.memory_space<vmem>>) dst(%dma_wait3A_120 : memref<256x16xf32, #tpu.memory_space<vmem_shared>>)
        tpu.yield
      }) : () -> ()
      %mul3A_67 = arith.constant 4096 : i32
      %mul3A_68 = arith.muli %arg1, %mul3A_67 : i32
      %add3A_69 = arith.constant 2816 : i32
      %add3A_70 = arith.addi %mul3A_68, %add3A_69 : i32
      "tpu.region"() ({
        %run_scoped3A = tpu.sem_alloc : memref<!tpu.dma_semaphore, #tpu.memory_space<semaphore_mem>>
        %dma_start3A = arith.constant 0 : i32
        %dma_start3A_115 = tpu.memref_slice %arg9[%add3A_70, %dma_start3A] : memref<65536x16xf32, #tpu.memory_space<vmem_shared>> -> memref<256x16xf32, #tpu.memory_space<vmem_shared>>
        %dma_start3A_116 = arith.constant 0 : i32
        %dma_start3A_117 = tpu.memref_slice %arg9[%add3A_70, %dma_start3A_116] : memref<65536x16xf32, #tpu.memory_space<vmem_shared>> -> memref<256x16xf32, #tpu.memory_space<vmem_shared>>
        tpu.enqueue_dma source(%arg8 : memref<256x16xf32, #tpu.memory_space<vmem>>) target(%dma_start3A_117 : memref<256x16xf32, #tpu.memory_space<vmem_shared>>) target_semaphore(%run_scoped3A : memref<!tpu.dma_semaphore, #tpu.memory_space<semaphore_mem>>)
        %dma_wait3A = arith.constant 0 : i32
        %dma_wait3A_118 = tpu.memref_slice %arg9[%add3A_70, %dma_wait3A] : memref<65536x16xf32, #tpu.memory_space<vmem_shared>> -> memref<256x16xf32, #tpu.memory_space<vmem_shared>>
        %dma_wait3A_119 = arith.constant 0 : i32
        %dma_wait3A_120 = tpu.memref_slice %arg9[%add3A_70, %dma_wait3A_119] : memref<65536x16xf32, #tpu.memory_space<vmem_shared>> -> memref<256x16xf32, #tpu.memory_space<vmem_shared>>
        tpu.wait_dma2 semaphore(%run_scoped3A : memref<!tpu.dma_semaphore, #tpu.memory_space<semaphore_mem>>) src(%arg8 : memref<256x16xf32, #tpu.memory_space<vmem>>) dst(%dma_wait3A_120 : memref<256x16xf32, #tpu.memory_space<vmem_shared>>)
        tpu.yield
      }) : () -> ()
      %mul3A_71 = arith.constant 4096 : i32
      %mul3A_72 = arith.muli %arg1, %mul3A_71 : i32
      %add3A_73 = arith.constant 3072 : i32
      %add3A_74 = arith.addi %mul3A_72, %add3A_73 : i32
      "tpu.region"() ({
        %run_scoped3A = tpu.sem_alloc : memref<!tpu.dma_semaphore, #tpu.memory_space<semaphore_mem>>
        %dma_start3A = arith.constant 0 : i32
        %dma_start3A_115 = tpu.memref_slice %arg9[%add3A_74, %dma_start3A] : memref<65536x16xf32, #tpu.memory_space<vmem_shared>> -> memref<256x16xf32, #tpu.memory_space<vmem_shared>>
        %dma_start3A_116 = arith.constant 0 : i32
        %dma_start3A_117 = tpu.memref_slice %arg9[%add3A_74, %dma_start3A_116] : memref<65536x16xf32, #tpu.memory_space<vmem_shared>> -> memref<256x16xf32, #tpu.memory_space<vmem_shared>>
        tpu.enqueue_dma source(%arg8 : memref<256x16xf32, #tpu.memory_space<vmem>>) target(%dma_start3A_117 : memref<256x16xf32, #tpu.memory_space<vmem_shared>>) target_semaphore(%run_scoped3A : memref<!tpu.dma_semaphore, #tpu.memory_space<semaphore_mem>>)
        %dma_wait3A = arith.constant 0 : i32
        %dma_wait3A_118 = tpu.memref_slice %arg9[%add3A_74, %dma_wait3A] : memref<65536x16xf32, #tpu.memory_space<vmem_shared>> -> memref<256x16xf32, #tpu.memory_space<vmem_shared>>
        %dma_wait3A_119 = arith.constant 0 : i32
        %dma_wait3A_120 = tpu.memref_slice %arg9[%add3A_74, %dma_wait3A_119] : memref<65536x16xf32, #tpu.memory_space<vmem_shared>> -> memref<256x16xf32, #tpu.memory_space<vmem_shared>>
        tpu.wait_dma2 semaphore(%run_scoped3A : memref<!tpu.dma_semaphore, #tpu.memory_space<semaphore_mem>>) src(%arg8 : memref<256x16xf32, #tpu.memory_space<vmem>>) dst(%dma_wait3A_120 : memref<256x16xf32, #tpu.memory_space<vmem_shared>>)
        tpu.yield
      }) : () -> ()
      %mul3A_75 = arith.constant 4096 : i32
      %mul3A_76 = arith.muli %arg1, %mul3A_75 : i32
      %add3A_77 = arith.constant 3328 : i32
      %add3A_78 = arith.addi %mul3A_76, %add3A_77 : i32
      "tpu.region"() ({
        %run_scoped3A = tpu.sem_alloc : memref<!tpu.dma_semaphore, #tpu.memory_space<semaphore_mem>>
        %dma_start3A = arith.constant 0 : i32
        %dma_start3A_115 = tpu.memref_slice %arg9[%add3A_78, %dma_start3A] : memref<65536x16xf32, #tpu.memory_space<vmem_shared>> -> memref<256x16xf32, #tpu.memory_space<vmem_shared>>
        %dma_start3A_116 = arith.constant 0 : i32
        %dma_start3A_117 = tpu.memref_slice %arg9[%add3A_78, %dma_start3A_116] : memref<65536x16xf32, #tpu.memory_space<vmem_shared>> -> memref<256x16xf32, #tpu.memory_space<vmem_shared>>
        tpu.enqueue_dma source(%arg8 : memref<256x16xf32, #tpu.memory_space<vmem>>) target(%dma_start3A_117 : memref<256x16xf32, #tpu.memory_space<vmem_shared>>) target_semaphore(%run_scoped3A : memref<!tpu.dma_semaphore, #tpu.memory_space<semaphore_mem>>)
        %dma_wait3A = arith.constant 0 : i32
        %dma_wait3A_118 = tpu.memref_slice %arg9[%add3A_78, %dma_wait3A] : memref<65536x16xf32, #tpu.memory_space<vmem_shared>> -> memref<256x16xf32, #tpu.memory_space<vmem_shared>>
        %dma_wait3A_119 = arith.constant 0 : i32
        %dma_wait3A_120 = tpu.memref_slice %arg9[%add3A_78, %dma_wait3A_119] : memref<65536x16xf32, #tpu.memory_space<vmem_shared>> -> memref<256x16xf32, #tpu.memory_space<vmem_shared>>
        tpu.wait_dma2 semaphore(%run_scoped3A : memref<!tpu.dma_semaphore, #tpu.memory_space<semaphore_mem>>) src(%arg8 : memref<256x16xf32, #tpu.memory_space<vmem>>) dst(%dma_wait3A_120 : memref<256x16xf32, #tpu.memory_space<vmem_shared>>)
        tpu.yield
      }) : () -> ()
      %mul3A_79 = arith.constant 4096 : i32
      %mul3A_80 = arith.muli %arg1, %mul3A_79 : i32
      %add3A_81 = arith.constant 3584 : i32
      %add3A_82 = arith.addi %mul3A_80, %add3A_81 : i32
      "tpu.region"() ({
        %run_scoped3A = tpu.sem_alloc : memref<!tpu.dma_semaphore, #tpu.memory_space<semaphore_mem>>
        %dma_start3A = arith.constant 0 : i32
        %dma_start3A_115 = tpu.memref_slice %arg9[%add3A_82, %dma_start3A] : memref<65536x16xf32, #tpu.memory_space<vmem_shared>> -> memref<256x16xf32, #tpu.memory_space<vmem_shared>>
        %dma_start3A_116 = arith.constant 0 : i32
        %dma_start3A_117 = tpu.memref_slice %arg9[%add3A_82, %dma_start3A_116] : memref<65536x16xf32, #tpu.memory_space<vmem_shared>> -> memref<256x16xf32, #tpu.memory_space<vmem_shared>>
        tpu.enqueue_dma source(%arg8 : memref<256x16xf32, #tpu.memory_space<vmem>>) target(%dma_start3A_117 : memref<256x16xf32, #tpu.memory_space<vmem_shared>>) target_semaphore(%run_scoped3A : memref<!tpu.dma_semaphore, #tpu.memory_space<semaphore_mem>>)
        %dma_wait3A = arith.constant 0 : i32
        %dma_wait3A_118 = tpu.memref_slice %arg9[%add3A_82, %dma_wait3A] : memref<65536x16xf32, #tpu.memory_space<vmem_shared>> -> memref<256x16xf32, #tpu.memory_space<vmem_shared>>
        %dma_wait3A_119 = arith.constant 0 : i32
        %dma_wait3A_120 = tpu.memref_slice %arg9[%add3A_82, %dma_wait3A_119] : memref<65536x16xf32, #tpu.memory_space<vmem_shared>> -> memref<256x16xf32, #tpu.memory_space<vmem_shared>>
        tpu.wait_dma2 semaphore(%run_scoped3A : memref<!tpu.dma_semaphore, #tpu.memory_space<semaphore_mem>>) src(%arg8 : memref<256x16xf32, #tpu.memory_space<vmem>>) dst(%dma_wait3A_120 : memref<256x16xf32, #tpu.memory_space<vmem_shared>>)
        tpu.yield
      }) : () -> ()
      %mul3A_83 = arith.constant 4096 : i32
      %mul3A_84 = arith.muli %arg1, %mul3A_83 : i32
      %add3A_85 = arith.constant 3840 : i32
      %add3A_86 = arith.addi %mul3A_84, %add3A_85 : i32
      "tpu.region"() ({
        %run_scoped3A = tpu.sem_alloc : memref<!tpu.dma_semaphore, #tpu.memory_space<semaphore_mem>>
        %dma_start3A = arith.constant 0 : i32
        %dma_start3A_115 = tpu.memref_slice %arg9[%add3A_86, %dma_start3A] : memref<65536x16xf32, #tpu.memory_space<vmem_shared>> -> memref<256x16xf32, #tpu.memory_space<vmem_shared>>
        %dma_start3A_116 = arith.constant 0 : i32
        %dma_start3A_117 = tpu.memref_slice %arg9[%add3A_86, %dma_start3A_116] : memref<65536x16xf32, #tpu.memory_space<vmem_shared>> -> memref<256x16xf32, #tpu.memory_space<vmem_shared>>
        tpu.enqueue_dma source(%arg8 : memref<256x16xf32, #tpu.memory_space<vmem>>) target(%dma_start3A_117 : memref<256x16xf32, #tpu.memory_space<vmem_shared>>) target_semaphore(%run_scoped3A : memref<!tpu.dma_semaphore, #tpu.memory_space<semaphore_mem>>)
        %dma_wait3A = arith.constant 0 : i32
        %dma_wait3A_118 = tpu.memref_slice %arg9[%add3A_86, %dma_wait3A] : memref<65536x16xf32, #tpu.memory_space<vmem_shared>> -> memref<256x16xf32, #tpu.memory_space<vmem_shared>>
        %dma_wait3A_119 = arith.constant 0 : i32
        %dma_wait3A_120 = tpu.memref_slice %arg9[%add3A_86, %dma_wait3A_119] : memref<65536x16xf32, #tpu.memory_space<vmem_shared>> -> memref<256x16xf32, #tpu.memory_space<vmem_shared>>
        tpu.wait_dma2 semaphore(%run_scoped3A : memref<!tpu.dma_semaphore, #tpu.memory_space<semaphore_mem>>) src(%arg8 : memref<256x16xf32, #tpu.memory_space<vmem>>) dst(%dma_wait3A_120 : memref<256x16xf32, #tpu.memory_space<vmem_shared>>)
        tpu.yield
      }) : () -> ()
      %barrier3A = arith.constant 0 : index
      tpu.barrier barrier_id(%barrier3A)
      %mul3A_87 = arith.constant 3200 : i32
      %mul3A_88 = arith.muli %arg1, %mul3A_87 : i32
      %mul3A_89 = arith.constant 3 : i32
      %mul3A_90 = arith.muli %mul3A_88, %mul3A_89 : i32
      "tpu.region"() ({
        %run_scoped3A = tpu.sem_alloc : memref<!tpu.dma_semaphore, #tpu.memory_space<semaphore_mem>>
        %dma_start3A = tpu.memref_slice %arg2[%add3A_22, %mul3A_90] : memref<16x153600xf32, #tpu.memory_space<hbm>> -> memref<1x9600xf32, #tpu.memory_space<hbm>>
        %dma_start3A_115 = tpu.memref_squeeze %dma_start3A : memref<1x9600xf32, #tpu.memory_space<hbm>> -> memref<9600xf32, #tpu.memory_space<hbm>>
        %dma_start3A_116 = tpu.memref_slice %arg2[%add3A_22, %mul3A_90] : memref<16x153600xf32, #tpu.memory_space<hbm>> -> memref<1x9600xf32, #tpu.memory_space<hbm>>
        %dma_start3A_117 = tpu.memref_squeeze %dma_start3A_116 : memref<1x9600xf32, #tpu.memory_space<hbm>> -> memref<9600xf32, #tpu.memory_space<hbm>>
        tpu.enqueue_dma source(%dma_start3A_117 : memref<9600xf32, #tpu.memory_space<hbm>>) target(%arg5 : memref<9600xf32, #tpu.memory_space<vmem>>) target_semaphore(%run_scoped3A : memref<!tpu.dma_semaphore, #tpu.memory_space<semaphore_mem>>)
        %dma_wait3A = tpu.memref_slice %arg2[%add3A_22, %mul3A_90] : memref<16x153600xf32, #tpu.memory_space<hbm>> -> memref<1x9600xf32, #tpu.memory_space<hbm>>
        %dma_wait3A_118 = tpu.memref_squeeze %dma_wait3A : memref<1x9600xf32, #tpu.memory_space<hbm>> -> memref<9600xf32, #tpu.memory_space<hbm>>
        %dma_wait3A_119 = tpu.memref_slice %arg2[%add3A_22, %mul3A_90] : memref<16x153600xf32, #tpu.memory_space<hbm>> -> memref<1x9600xf32, #tpu.memory_space<hbm>>
        %dma_wait3A_120 = tpu.memref_squeeze %dma_wait3A_119 : memref<1x9600xf32, #tpu.memory_space<hbm>> -> memref<9600xf32, #tpu.memory_space<hbm>>
        tpu.wait_dma2 semaphore(%run_scoped3A : memref<!tpu.dma_semaphore, #tpu.memory_space<semaphore_mem>>) src(%dma_wait3A_120 : memref<9600xf32, #tpu.memory_space<hbm>>) dst(%arg5 : memref<9600xf32, #tpu.memory_space<vmem>>)
        tpu.yield
      }) : () -> ()
      %scan3A_91 = arith.constant 0 : i32
      %scan3A_92 = arith.constant 104 : i32
      %scan3A_93 = arith.addi %scan3A_91, %scan3A_92 : i32
      %scan3A_94 = arith.constant 1 : i32
      scf.for %scan3A_115 = %scan3A_91 to %scan3A_93 step %scan3A_94  : i32 {
        %mul3A_116 = arith.constant 1 : i32
        %mul3A_117 = arith.muli %scan3A_115, %mul3A_116 : i32
        %add3A_118 = arith.constant 0 : i32
        %add3A_119 = arith.addi %add3A_118, %mul3A_117 : i32
        %mul3A_120 = arith.constant 16 : i32
        %mul3A_121 = arith.muli %add3A_119, %mul3A_120 : i32
        %add3A_122 = arith.constant 0 : i32
        %add3A_123 = arith.addi %add3A_122, %mul3A_121 : i32
        %add3A_124 = vector.broadcast %add3A_123 : i32 to vector<16xi32>
        %add3A_125 = arith.addi %add3A_124, %iota3A : vector<16xi32>
        %mul3A_126 = arith.constant 3 : i32
        %mul3A_127 = vector.broadcast %mul3A_126 : i32 to vector<16xi32>
        %mul3A_128 = arith.muli %add3A_125, %mul3A_127 : vector<16xi32>
        %gather3A = tpu.vector_load_idx %arg5[%mul3A_128] : memref<9600xf32, #tpu.memory_space<vmem>>[vector<16xi32>], vector<16xf32>,
        %add3A_129 = arith.constant 1 : i32
        %add3A_130 = vector.broadcast %add3A_129 : i32 to vector<16xi32>
        %add3A_131 = arith.addi %mul3A_128, %add3A_130 : vector<16xi32>
        %gather3A_132 = tpu.vector_load_idx %arg5[%add3A_131] : memref<9600xf32, #tpu.memory_space<vmem>>[vector<16xi32>], vector<16xf32>,
        %add3A_133 = arith.constant 2 : i32
        %add3A_134 = vector.broadcast %add3A_133 : i32 to vector<16xi32>
        %add3A_135 = arith.addi %mul3A_128, %add3A_134 : vector<16xi32>
        %gather3A_136 = tpu.vector_load_idx %arg5[%add3A_135] : memref<9600xf32, #tpu.memory_space<vmem>>[vector<16xi32>], vector<16xf32>,
        %div3A = vector.broadcast %scan3A : f32 to vector<16xf32>
        %div3A_137 = arith.divf %gather3A, %div3A : vector<16xf32>
        %convert_element_type3A = arith.fptosi %div3A_137 : vector<16xf32> to vector<16xi32>
        %convert_element_type3A_138 = arith.sitofp %convert_element_type3A : vector<16xi32> to vector<16xf32>
        %gt3A = arith.cmpf ogt, %convert_element_type3A_138, %div3A_137 : vector<16xf32>
        %sub3A = arith.constant 1 : i32
        %sub3A_139 = vector.broadcast %sub3A : i32 to vector<16xi32>
        %sub3A_140 = arith.subi %convert_element_type3A, %sub3A_139 : vector<16xi32>
        %select_n3A = arith.select %gt3A, %sub3A_140, %convert_element_type3A : vector<16xi1>, vector<16xi32>
        %div3A_141 = vector.broadcast %scan3A : f32 to vector<16xf32>
        %div3A_142 = arith.divf %gather3A_132, %div3A_141 : vector<16xf32>
        %convert_element_type3A_143 = arith.fptosi %div3A_142 : vector<16xf32> to vector<16xi32>
        %convert_element_type3A_144 = arith.sitofp %convert_element_type3A_143 : vector<16xi32> to vector<16xf32>
        %gt3A_145 = arith.cmpf ogt, %convert_element_type3A_144, %div3A_142 : vector<16xf32>
        %sub3A_146 = arith.constant 1 : i32
        %sub3A_147 = vector.broadcast %sub3A_146 : i32 to vector<16xi32>
        %sub3A_148 = arith.subi %convert_element_type3A_143, %sub3A_147 : vector<16xi32>
        %select_n3A_149 = arith.select %gt3A_145, %sub3A_148, %convert_element_type3A_143 : vector<16xi1>, vector<16xi32>
        %div3A_150 = vector.broadcast %scan3A : f32 to vector<16xf32>
        %div3A_151 = arith.divf %gather3A_136, %div3A_150 : vector<16xf32>
        %convert_element_type3A_152 = arith.fptosi %div3A_151 : vector<16xf32> to vector<16xi32>
        %convert_element_type3A_153 = arith.sitofp %convert_element_type3A_152 : vector<16xi32> to vector<16xf32>
        %gt3A_154 = arith.cmpf ogt, %convert_element_type3A_153, %div3A_151 : vector<16xf32>
        %sub3A_155 = arith.constant 1 : i32
        %sub3A_156 = vector.broadcast %sub3A_155 : i32 to vector<16xi32>
        %sub3A_157 = arith.subi %convert_element_type3A_152, %sub3A_156 : vector<16xi32>
        %select_n3A_158 = arith.select %gt3A_154, %sub3A_157, %convert_element_type3A_152 : vector<16xi1>, vector<16xi32>
        %mul3A_159 = arith.constant 73856093 : i32
        %mul3A_160 = vector.broadcast %mul3A_159 : i32 to vector<16xi32>
        %mul3A_161 = arith.muli %select_n3A, %mul3A_160 : vector<16xi32>
        %mul3A_162 = arith.constant 19349663 : i32
        %mul3A_163 = vector.broadcast %mul3A_162 : i32 to vector<16xi32>
        %mul3A_164 = arith.muli %select_n3A_149, %mul3A_163 : vector<16xi32>
        %xor3A = arith.xori %mul3A_161, %mul3A_164 : vector<16xi32>
        %mul3A_165 = arith.constant 83492791 : i32
        %mul3A_166 = vector.broadcast %mul3A_165 : i32 to vector<16xi32>
        %mul3A_167 = arith.muli %select_n3A_158, %mul3A_166 : vector<16xi32>
        %xor3A_168 = arith.xori %xor3A, %mul3A_167 : vector<16xi32>
        %and3A = arith.constant 65535 : i32
        %and3A_169 = vector.broadcast %and3A : i32 to vector<16xi32>
        %and3A_170 = arith.andi %xor3A_168, %and3A_169 : vector<16xi32>
        %add3A_171 = arith.addi %mul3A_88, %add3A_123 : i32
        %add3A_172 = vector.broadcast %add3A_171 : i32 to vector<16xi32>
        %add3A_173 = arith.addi %add3A_172, %iota3A : vector<16xi32>
        %lt3A = arith.constant 50000 : i32
        %lt3A_174 = vector.broadcast %lt3A : i32 to vector<16xi32>
        %lt3A_175 = arith.cmpi slt, %add3A_173, %lt3A_174 : vector<16xi32>
        %jit3A = arith.constant 1.000000e+00 : f32
        %jit3A_176 = arith.constant 0.000000e+00 : f32
        %broadcast_in_dim3A_177 = vector.broadcast %jit3A : f32 to vector<16xf32>
        %broadcast_in_dim3A_178 = vector.broadcast %jit3A_176 : f32 to vector<16xf32>
        %select_n3A_179 = arith.select %lt3A_175, %broadcast_in_dim3A_177, %broadcast_in_dim3A_178 : vector<16xi1>, vector<16xf32>
        %add3A_180 = vector.broadcast %mul3A_121 : i32 to vector<16xi32>
        %add3A_181 = arith.addi %add3A_180, %iota3A : vector<16xi32>
        tpu.vector_store_idx %arg7[%add3A_181, %broadcast_in_dim3A_0], %select_n3A_179 : memref<1664x16xf32, #tpu.memory_space<vmem>>[vector<16xi32>, vector<16xi32>], vector<16xf32>,
        tpu.vector_store_idx %arg7[%add3A_181, %add3A_2], %gather3A : memref<1664x16xf32, #tpu.memory_space<vmem>>[vector<16xi32>, vector<16xi32>], vector<16xf32>,
        tpu.vector_store_idx %arg7[%add3A_181, %add3A_5], %gather3A_132 : memref<1664x16xf32, #tpu.memory_space<vmem>>[vector<16xi32>, vector<16xi32>], vector<16xf32>,
        tpu.vector_store_idx %arg7[%add3A_181, %add3A_8], %gather3A_136 : memref<1664x16xf32, #tpu.memory_space<vmem>>[vector<16xi32>, vector<16xi32>], vector<16xf32>,
        %broadcast_in_dim3A_182 = arith.constant 0 : i32
        %broadcast_in_dim3A_183 = vector.broadcast %broadcast_in_dim3A_182 : i32 to vector<16xi32>
        %jit3A_184 = arith.constant 8 : i32
        %div3A_185 = arith.divsi %add3A_119, %jit3A_184 : i32
        %sign3A = arith.constant 0 : i32
        %sign3A_186 = arith.cmpi sgt, %add3A_119, %sign3A : i32
        %sign3A_187 = arith.extui %sign3A_186 : i1 to i32
        %sign3A_188 = arith.constant 0 : i32
        %sign3A_189 = arith.cmpi slt, %add3A_119, %sign3A_188 : i32
        %sign3A_190 = arith.extui %sign3A_189 : i1 to i32
        %sign3A_191 = arith.subi %sign3A_187, %sign3A_190 : i32
        %sign3A_192 = arith.constant 0 : i32
        %sign3A_193 = arith.cmpi sgt, %jit3A_184, %sign3A_192 : i32
        %sign3A_194 = arith.extui %sign3A_193 : i1 to i32
        %sign3A_195 = arith.constant 0 : i32
        %sign3A_196 = arith.cmpi slt, %jit3A_184, %sign3A_195 : i32
        %sign3A_197 = arith.extui %sign3A_196 : i1 to i32
        %sign3A_198 = arith.subi %sign3A_194, %sign3A_197 : i32
        %ne3A = arith.cmpi ne, %sign3A_191, %sign3A_198 : i32
        %rem3A = arith.remsi %add3A_119, %jit3A_184 : i32
        %ne3A_199 = arith.constant 0 : i32
        %ne3A_200 = arith.cmpi ne, %rem3A, %ne3A_199 : i32
        %and3A_201 = arith.andi %ne3A, %ne3A_200 : i1
        %sub3A_202 = arith.constant 1 : i32
        %sub3A_203 = arith.subi %div3A_185, %sub3A_202 : i32
        %select_n3A_204 = arith.select %and3A_201, %sub3A_203, %div3A_185 : i32
        %add3A_205 = vector.broadcast %select_n3A_204 : i32 to vector<16xi32>
        %add3A_206 = arith.addi %broadcast_in_dim3A_183, %add3A_205 : vector<16xi32>
        %and3A_207 = arith.constant 7 : i32
        %and3A_208 = arith.andi %add3A_119, %and3A_207 : i32
        %mul3A_209 = arith.constant 16 : i32
        %mul3A_210 = arith.muli %and3A_208, %mul3A_209 : i32
        %add3A_211 = vector.broadcast %mul3A_210 : i32 to vector<16xi32>
        %add3A_212 = arith.addi %add3A_211, %iota3A : vector<16xi32>
        tpu.vector_store_idx %arg6[%add3A_206, %add3A_212], %and3A_170 : memref<25x128xi32, #tpu.memory_space<vmem>>[vector<16xi32>, vector<16xi32>], vector<16xi32>,
      }
      %scan3A_95 = arith.constant 104 : i32
      %scan3A_96 = arith.constant 0 : i32
      %scan3A_97 = arith.constant 13 : i32
      %scan3A_98 = arith.addi %scan3A_96, %scan3A_97 : i32
      %scan3A_99 = arith.constant 1 : i32
      scf.for %scan3A_115 = %scan3A_96 to %scan3A_98 step %scan3A_99  : i32 {
        %mul3A_116 = arith.constant 1 : i32
        %mul3A_117 = arith.muli %scan3A_115, %mul3A_116 : i32
        %add3A_118 = arith.constant 0 : i32
        %add3A_119 = arith.addi %add3A_118, %mul3A_117 : i32
        %mul3A_120 = arith.constant 128 : i32
        %mul3A_121 = arith.muli %add3A_119, %mul3A_120 : i32
        %add3A_122 = arith.constant 0 : i32
        %add3A_123 = arith.addi %add3A_122, %add3A_119 : i32
        "tpu.region"() ({
          %run_scoped3A = tpu.sem_alloc : memref<!tpu.dma_semaphore, #tpu.memory_space<semaphore_mem>>
          %dma_start3A = arith.constant 0 : i32
          %dma_start3A_124 = tpu.memref_slice %arg7[%mul3A_121, %dma_start3A] : memref<1664x16xf32, #tpu.memory_space<vmem>> -> memref<128x16xf32, #tpu.memory_space<vmem>>
          %dma_start3A_125 = arith.constant 0 : i32
          %dma_start3A_126 = tpu.memref_slice %arg6[%add3A_123, %dma_start3A_125] : memref<25x128xi32, #tpu.memory_space<vmem>> -> memref<1x128xi32, #tpu.memory_space<vmem>>
          %dma_start3A_127 = tpu.memref_squeeze %dma_start3A_126 : memref<1x128xi32, #tpu.memory_space<vmem>> -> memref<128xi32, #tpu.memory_space<vmem>>
          %dma_start3A_128 = arith.constant 0 : i32
          %dma_start3A_129 = arith.constant 0 : i32
          %dma_start3A_130 = tpu.memref_slice %arg9[%dma_start3A_128, %dma_start3A_129] : memref<65536x16xf32, #tpu.memory_space<vmem_shared>> -> memref<65536x16xf32, #tpu.memory_space<vmem_shared>>
          tpu.enqueue_indirect_dma source(%dma_start3A_124 : memref<128x16xf32, #tpu.memory_space<vmem>>) target(%dma_start3A_130 : memref<65536x16xf32, #tpu.memory_space<vmem_shared>>) offsets(%dma_start3A_127 : memref<128xi32, #tpu.memory_space<vmem>>) semaphore(%run_scoped3A : memref<!tpu.dma_semaphore, #tpu.memory_space<semaphore_mem>>) {add = true}
          %dma_wait3A = arith.constant 0 : i32
          %dma_wait3A_131 = tpu.memref_slice %arg7[%mul3A_121, %dma_wait3A] : memref<1664x16xf32, #tpu.memory_space<vmem>> -> memref<128x16xf32, #tpu.memory_space<vmem>>
          %dma_wait3A_132 = arith.constant 0 : i32
          %dma_wait3A_133 = tpu.memref_slice %arg6[%add3A_123, %dma_wait3A_132] : memref<25x128xi32, #tpu.memory_space<vmem>> -> memref<1x128xi32, #tpu.memory_space<vmem>>
          %dma_wait3A_134 = tpu.memref_squeeze %dma_wait3A_133 : memref<1x128xi32, #tpu.memory_space<vmem>> -> memref<128xi32, #tpu.memory_space<vmem>>
          %dma_wait3A_135 = arith.constant 0 : i32
          %dma_wait3A_136 = arith.constant 0 : i32
          %dma_wait3A_137 = tpu.memref_slice %arg9[%dma_wait3A_135, %dma_wait3A_136] : memref<65536x16xf32, #tpu.memory_space<vmem_shared>> -> memref<65536x16xf32, #tpu.memory_space<vmem_shared>>
          tpu.wait_indirect_dma semaphore(%run_scoped3A : memref<!tpu.dma_semaphore, #tpu.memory_space<semaphore_mem>>) src(%dma_wait3A_131 : memref<128x16xf32, #tpu.memory_space<vmem>>) dst(%dma_wait3A_137 : memref<65536x16xf32, #tpu.memory_space<vmem_shared>>)
          tpu.yield
        }) : () -> ()
      }
      %scan3A_100 = arith.constant 13 : i32
      %scan3A_101 = arith.constant 0 : i32
      %scan3A_102 = arith.constant 96 : i32
      %scan3A_103 = arith.addi %scan3A_101, %scan3A_102 : i32
      %scan3A_104 = arith.constant 1 : i32
      scf.for %scan3A_115 = %scan3A_101 to %scan3A_103 step %scan3A_104  : i32 {
        %mul3A_116 = arith.constant 1 : i32
        %mul3A_117 = arith.muli %scan3A_115, %mul3A_116 : i32
        %add3A_118 = arith.constant 0 : i32
        %add3A_119 = arith.addi %add3A_118, %mul3A_117 : i32
        %mul3A_120 = arith.constant 16 : i32
        %mul3A_121 = arith.muli %add3A_119, %mul3A_120 : i32
        %add3A_122 = arith.constant 1664 : i32
        %add3A_123 = arith.addi %add3A_122, %mul3A_121 : i32
        %add3A_124 = vector.broadcast %add3A_123 : i32 to vector<16xi32>
        %add3A_125 = arith.addi %add3A_124, %iota3A : vector<16xi32>
        %mul3A_126 = arith.constant 3 : i32
        %mul3A_127 = vector.broadcast %mul3A_126 : i32 to vector<16xi32>
        %mul3A_128 = arith.muli %add3A_125, %mul3A_127 : vector<16xi32>
        %gather3A = tpu.vector_load_idx %arg5[%mul3A_128] : memref<9600xf32, #tpu.memory_space<vmem>>[vector<16xi32>], vector<16xf32>,
        %add3A_129 = arith.constant 1 : i32
        %add3A_130 = vector.broadcast %add3A_129 : i32 to vector<16xi32>
        %add3A_131 = arith.addi %mul3A_128, %add3A_130 : vector<16xi32>
        %gather3A_132 = tpu.vector_load_idx %arg5[%add3A_131] : memref<9600xf32, #tpu.memory_space<vmem>>[vector<16xi32>], vector<16xf32>,
        %add3A_133 = arith.constant 2 : i32
        %add3A_134 = vector.broadcast %add3A_133 : i32 to vector<16xi32>
        %add3A_135 = arith.addi %mul3A_128, %add3A_134 : vector<16xi32>
        %gather3A_136 = tpu.vector_load_idx %arg5[%add3A_135] : memref<9600xf32, #tpu.memory_space<vmem>>[vector<16xi32>], vector<16xf32>,
        %div3A = vector.broadcast %scan3A : f32 to vector<16xf32>
        %div3A_137 = arith.divf %gather3A, %div3A : vector<16xf32>
        %convert_element_type3A = arith.fptosi %div3A_137 : vector<16xf32> to vector<16xi32>
        %convert_element_type3A_138 = arith.sitofp %convert_element_type3A : vector<16xi32> to vector<16xf32>
        %gt3A = arith.cmpf ogt, %convert_element_type3A_138, %div3A_137 : vector<16xf32>
        %sub3A = arith.constant 1 : i32
        %sub3A_139 = vector.broadcast %sub3A : i32 to vector<16xi32>
        %sub3A_140 = arith.subi %convert_element_type3A, %sub3A_139 : vector<16xi32>
        %select_n3A = arith.select %gt3A, %sub3A_140, %convert_element_type3A : vector<16xi1>, vector<16xi32>
        %div3A_141 = vector.broadcast %scan3A : f32 to vector<16xf32>
        %div3A_142 = arith.divf %gather3A_132, %div3A_141 : vector<16xf32>
        %convert_element_type3A_143 = arith.fptosi %div3A_142 : vector<16xf32> to vector<16xi32>
        %convert_element_type3A_144 = arith.sitofp %convert_element_type3A_143 : vector<16xi32> to vector<16xf32>
        %gt3A_145 = arith.cmpf ogt, %convert_element_type3A_144, %div3A_142 : vector<16xf32>
        %sub3A_146 = arith.constant 1 : i32
        %sub3A_147 = vector.broadcast %sub3A_146 : i32 to vector<16xi32>
        %sub3A_148 = arith.subi %convert_element_type3A_143, %sub3A_147 : vector<16xi32>
        %select_n3A_149 = arith.select %gt3A_145, %sub3A_148, %convert_element_type3A_143 : vector<16xi1>, vector<16xi32>
        %div3A_150 = vector.broadcast %scan3A : f32 to vector<16xf32>
        %div3A_151 = arith.divf %gather3A_136, %div3A_150 : vector<16xf32>
        %convert_element_type3A_152 = arith.fptosi %div3A_151 : vector<16xf32> to vector<16xi32>
        %convert_element_type3A_153 = arith.sitofp %convert_element_type3A_152 : vector<16xi32> to vector<16xf32>
        %gt3A_154 = arith.cmpf ogt, %convert_element_type3A_153, %div3A_151 : vector<16xf32>
        %sub3A_155 = arith.constant 1 : i32
        %sub3A_156 = vector.broadcast %sub3A_155 : i32 to vector<16xi32>
        %sub3A_157 = arith.subi %convert_element_type3A_152, %sub3A_156 : vector<16xi32>
        %select_n3A_158 = arith.select %gt3A_154, %sub3A_157, %convert_element_type3A_152 : vector<16xi1>, vector<16xi32>
        %mul3A_159 = arith.constant 73856093 : i32
        %mul3A_160 = vector.broadcast %mul3A_159 : i32 to vector<16xi32>
        %mul3A_161 = arith.muli %select_n3A, %mul3A_160 : vector<16xi32>
        %mul3A_162 = arith.constant 19349663 : i32
        %mul3A_163 = vector.broadcast %mul3A_162 : i32 to vector<16xi32>
        %mul3A_164 = arith.muli %select_n3A_149, %mul3A_163 : vector<16xi32>
        %xor3A = arith.xori %mul3A_161, %mul3A_164 : vector<16xi32>
        %mul3A_165 = arith.constant 83492791 : i32
        %mul3A_166 = vector.broadcast %mul3A_165 : i32 to vector<16xi32>
        %mul3A_167 = arith.muli %select_n3A_158, %mul3A_166 : vector<16xi32>
        %xor3A_168 = arith.xori %xor3A, %mul3A_167 : vector<16xi32>
        %and3A = arith.constant 65535 : i32
        %and3A_169 = vector.broadcast %and3A : i32 to vector<16xi32>
        %and3A_170 = arith.andi %xor3A_168, %and3A_169 : vector<16xi32>
        %add3A_171 = arith.addi %mul3A_88, %add3A_123 : i32
        %add3A_172 = vector.broadcast %add3A_171 : i32 to vector<16xi32>
        %add3A_173 = arith.addi %add3A_172, %iota3A : vector<16xi32>
        %lt3A = arith.constant 50000 : i32
        %lt3A_174 = vector.broadcast %lt3A : i32 to vector<16xi32>
        %lt3A_175 = arith.cmpi slt, %add3A_173, %lt3A_174 : vector<16xi32>
        %jit3A = arith.constant 1.000000e+00 : f32
        %jit3A_176 = arith.constant 0.000000e+00 : f32
        %broadcast_in_dim3A_177 = vector.broadcast %jit3A : f32 to vector<16xf32>
        %broadcast_in_dim3A_178 = vector.broadcast %jit3A_176 : f32 to vector<16xf32>
        %select_n3A_179 = arith.select %lt3A_175, %broadcast_in_dim3A_177, %broadcast_in_dim3A_178 : vector<16xi1>, vector<16xf32>
        %add3A_180 = vector.broadcast %mul3A_121 : i32 to vector<16xi32>
        %add3A_181 = arith.addi %add3A_180, %iota3A : vector<16xi32>
        tpu.vector_store_idx %arg7[%add3A_181, %broadcast_in_dim3A_0], %select_n3A_179 : memref<1664x16xf32, #tpu.memory_space<vmem>>[vector<16xi32>, vector<16xi32>], vector<16xf32>,
        tpu.vector_store_idx %arg7[%add3A_181, %add3A_2], %gather3A : memref<1664x16xf32, #tpu.memory_space<vmem>>[vector<16xi32>, vector<16xi32>], vector<16xf32>,
        tpu.vector_store_idx %arg7[%add3A_181, %add3A_5], %gather3A_132 : memref<1664x16xf32, #tpu.memory_space<vmem>>[vector<16xi32>, vector<16xi32>], vector<16xf32>,
        tpu.vector_store_idx %arg7[%add3A_181, %add3A_8], %gather3A_136 : memref<1664x16xf32, #tpu.memory_space<vmem>>[vector<16xi32>, vector<16xi32>], vector<16xf32>,
        %broadcast_in_dim3A_182 = arith.constant 13 : i32
        %broadcast_in_dim3A_183 = vector.broadcast %broadcast_in_dim3A_182 : i32 to vector<16xi32>
        %jit3A_184 = arith.constant 8 : i32
        %div3A_185 = arith.divsi %add3A_119, %jit3A_184 : i32
        %sign3A = arith.constant 0 : i32
        %sign3A_186 = arith.cmpi sgt, %add3A_119, %sign3A : i32
        %sign3A_187 = arith.extui %sign3A_186 : i1 to i32
        %sign3A_188 = arith.constant 0 : i32
        %sign3A_189 = arith.cmpi slt, %add3A_119, %sign3A_188 : i32
        %sign3A_190 = arith.extui %sign3A_189 : i1 to i32
        %sign3A_191 = arith.subi %sign3A_187, %sign3A_190 : i32
        %sign3A_192 = arith.constant 0 : i32
        %sign3A_193 = arith.cmpi sgt, %jit3A_184, %sign3A_192 : i32
        %sign3A_194 = arith.extui %sign3A_193 : i1 to i32
        %sign3A_195 = arith.constant 0 : i32
        %sign3A_196 = arith.cmpi slt, %jit3A_184, %sign3A_195 : i32
        %sign3A_197 = arith.extui %sign3A_196 : i1 to i32
        %sign3A_198 = arith.subi %sign3A_194, %sign3A_197 : i32
        %ne3A = arith.cmpi ne, %sign3A_191, %sign3A_198 : i32
        %rem3A = arith.remsi %add3A_119, %jit3A_184 : i32
        %ne3A_199 = arith.constant 0 : i32
        %ne3A_200 = arith.cmpi ne, %rem3A, %ne3A_199 : i32
        %and3A_201 = arith.andi %ne3A, %ne3A_200 : i1
        %sub3A_202 = arith.constant 1 : i32
        %sub3A_203 = arith.subi %div3A_185, %sub3A_202 : i32
        %select_n3A_204 = arith.select %and3A_201, %sub3A_203, %div3A_185 : i32
        %add3A_205 = vector.broadcast %select_n3A_204 : i32 to vector<16xi32>
        %add3A_206 = arith.addi %broadcast_in_dim3A_183, %add3A_205 : vector<16xi32>
        %and3A_207 = arith.constant 7 : i32
        %and3A_208 = arith.andi %add3A_119, %and3A_207 : i32
        %mul3A_209 = arith.constant 16 : i32
        %mul3A_210 = arith.muli %and3A_208, %mul3A_209 : i32
        %add3A_211 = vector.broadcast %mul3A_210 : i32 to vector<16xi32>
        %add3A_212 = arith.addi %add3A_211, %iota3A : vector<16xi32>
        tpu.vector_store_idx %arg6[%add3A_206, %add3A_212], %and3A_170 : memref<25x128xi32, #tpu.memory_space<vmem>>[vector<16xi32>, vector<16xi32>], vector<16xi32>,
      }
      %scan3A_105 = arith.constant 96 : i32
      %scan3A_106 = arith.constant 0 : i32
      %scan3A_107 = arith.constant 12 : i32
      %scan3A_108 = arith.addi %scan3A_106, %scan3A_107 : i32
      %scan3A_109 = arith.constant 1 : i32
      scf.for %scan3A_115 = %scan3A_106 to %scan3A_108 step %scan3A_109  : i32 {
        %mul3A_116 = arith.constant 1 : i32
        %mul3A_117 = arith.muli %scan3A_115, %mul3A_116 : i32
        %add3A_118 = arith.constant 0 : i32
        %add3A_119 = arith.addi %add3A_118, %mul3A_117 : i32
        %mul3A_120 = arith.constant 128 : i32
        %mul3A_121 = arith.muli %add3A_119, %mul3A_120 : i32
        %add3A_122 = arith.constant 13 : i32
        %add3A_123 = arith.addi %add3A_122, %add3A_119 : i32
        "tpu.region"() ({
          %run_scoped3A = tpu.sem_alloc : memref<!tpu.dma_semaphore, #tpu.memory_space<semaphore_mem>>
          %dma_start3A = arith.constant 0 : i32
          %dma_start3A_124 = tpu.memref_slice %arg7[%mul3A_121, %dma_start3A] : memref<1664x16xf32, #tpu.memory_space<vmem>> -> memref<128x16xf32, #tpu.memory_space<vmem>>
          %dma_start3A_125 = arith.constant 0 : i32
          %dma_start3A_126 = tpu.memref_slice %arg6[%add3A_123, %dma_start3A_125] : memref<25x128xi32, #tpu.memory_space<vmem>> -> memref<1x128xi32, #tpu.memory_space<vmem>>
          %dma_start3A_127 = tpu.memref_squeeze %dma_start3A_126 : memref<1x128xi32, #tpu.memory_space<vmem>> -> memref<128xi32, #tpu.memory_space<vmem>>
          %dma_start3A_128 = arith.constant 0 : i32
          %dma_start3A_129 = arith.constant 0 : i32
          %dma_start3A_130 = tpu.memref_slice %arg9[%dma_start3A_128, %dma_start3A_129] : memref<65536x16xf32, #tpu.memory_space<vmem_shared>> -> memref<65536x16xf32, #tpu.memory_space<vmem_shared>>
          tpu.enqueue_indirect_dma source(%dma_start3A_124 : memref<128x16xf32, #tpu.memory_space<vmem>>) target(%dma_start3A_130 : memref<65536x16xf32, #tpu.memory_space<vmem_shared>>) offsets(%dma_start3A_127 : memref<128xi32, #tpu.memory_space<vmem>>) semaphore(%run_scoped3A : memref<!tpu.dma_semaphore, #tpu.memory_space<semaphore_mem>>) {add = true}
          %dma_wait3A = arith.constant 0 : i32
          %dma_wait3A_131 = tpu.memref_slice %arg7[%mul3A_121, %dma_wait3A] : memref<1664x16xf32, #tpu.memory_space<vmem>> -> memref<128x16xf32, #tpu.memory_space<vmem>>
          %dma_wait3A_132 = arith.constant 0 : i32
          %dma_wait3A_133 = tpu.memref_slice %arg6[%add3A_123, %dma_wait3A_132] : memref<25x128xi32, #tpu.memory_space<vmem>> -> memref<1x128xi32, #tpu.memory_space<vmem>>
          %dma_wait3A_134 = tpu.memref_squeeze %dma_wait3A_133 : memref<1x128xi32, #tpu.memory_space<vmem>> -> memref<128xi32, #tpu.memory_space<vmem>>
          %dma_wait3A_135 = arith.constant 0 : i32
          %dma_wait3A_136 = arith.constant 0 : i32
          %dma_wait3A_137 = tpu.memref_slice %arg9[%dma_wait3A_135, %dma_wait3A_136] : memref<65536x16xf32, #tpu.memory_space<vmem_shared>> -> memref<65536x16xf32, #tpu.memory_space<vmem_shared>>
          tpu.wait_indirect_dma semaphore(%run_scoped3A : memref<!tpu.dma_semaphore, #tpu.memory_space<semaphore_mem>>) src(%dma_wait3A_131 : memref<128x16xf32, #tpu.memory_space<vmem>>) dst(%dma_wait3A_137 : memref<65536x16xf32, #tpu.memory_space<vmem_shared>>)
          tpu.yield
        }) : () -> ()
      }
      %scan3A_110 = arith.constant 12 : i32
      %barrier3A_111 = arith.constant 0 : index
      tpu.barrier barrier_id(%barrier3A_111)
      %mul3A_112 = arith.constant 4096 : i32
      %mul3A_113 = arith.muli %arg1, %mul3A_112 : i32
      "tpu.region"() ({
        %run_scoped3A = tpu.sem_alloc : memref<!tpu.dma_semaphore, #tpu.memory_space<semaphore_mem>>
        %dma_start3A = arith.constant 0 : i32
        %dma_start3A_115 = tpu.memref_slice %arg4[%add3A_20, %mul3A_113, %dma_start3A] : memref<8x65536x16xf32, #tpu.memory_space<hbm>> -> memref<1x4096x16xf32, #tpu.memory_space<hbm>>
        %dma_start3A_116 = tpu.memref_squeeze %dma_start3A_115 : memref<1x4096x16xf32, #tpu.memory_space<hbm>> -> memref<4096x16xf32, #tpu.memory_space<hbm>>
        %dma_start3A_117 = arith.constant 0 : i32
        %dma_start3A_118 = tpu.memref_slice %arg9[%mul3A_113, %dma_start3A_117] : memref<65536x16xf32, #tpu.memory_space<vmem_shared>> -> memref<4096x16xf32, #tpu.memory_space<vmem_shared>>
        tpu.enqueue_dma source(%dma_start3A_118 : memref<4096x16xf32, #tpu.memory_space<vmem_shared>>) target(%dma_start3A_116 : memref<4096x16xf32, #tpu.memory_space<hbm>>) target_semaphore(%run_scoped3A : memref<!tpu.dma_semaphore, #tpu.memory_space<semaphore_mem>>)
        %dma_wait3A = arith.constant 0 : i32
        %dma_wait3A_119 = tpu.memref_slice %arg4[%add3A_20, %mul3A_113, %dma_wait3A] : memref<8x65536x16xf32, #tpu.memory_space<hbm>> -> memref<1x4096x16xf32, #tpu.memory_space<hbm>>
        %dma_wait3A_120 = tpu.memref_squeeze %dma_wait3A_119 : memref<1x4096x16xf32, #tpu.memory_space<hbm>> -> memref<4096x16xf32, #tpu.memory_space<hbm>>
        %dma_wait3A_121 = arith.constant 0 : i32
        %dma_wait3A_122 = tpu.memref_slice %arg9[%mul3A_113, %dma_wait3A_121] : memref<65536x16xf32, #tpu.memory_space<vmem_shared>> -> memref<4096x16xf32, #tpu.memory_space<vmem_shared>>
        tpu.wait_dma2 semaphore(%run_scoped3A : memref<!tpu.dma_semaphore, #tpu.memory_space<semaphore_mem>>) src(%dma_wait3A_122 : memref<4096x16xf32, #tpu.memory_space<vmem_shared>>) dst(%dma_wait3A_120 : memref<4096x16xf32, #tpu.memory_space<hbm>>)
        tpu.yield
      }) : () -> ()
      %barrier3A_114 = arith.constant 0 : index
      tpu.barrier barrier_id(%barrier3A_114)
    }
    %scan3A_13 = arith.constant 4 : i32
    return
  }
}

module attributes {stable_mosaic.version = 14 : i64} {
  func.func @_enc_body(%arg0: i32, %arg1: i32, %arg2: memref<1x1024x128xf32, #tpu.memory_space<vmem>>, %arg3: memref<16x256xbf16, #tpu.memory_space<vmem>>, %arg4: memref<256xf32, #tpu.memory_space<vmem>>, %arg5: memref<256x1024xbf16, #tpu.memory_space<vmem>>, %arg6: memref<1024xf32, #tpu.memory_space<vmem>>, %arg7: memref<1x1x1024xf32, #tpu.memory_space<vmem>>, %arg8: memref<1x1024xf32, #tpu.memory_space<vmem>>) attributes {dimension_semantics = [#tpu.dimension_semantics<arbitrary>, #tpu.dimension_semantics<arbitrary>], iteration_bounds = array<i64: 8, 8>, scalar_prefetch = 0 : i64, scratch_operands = 1 : i64, tpu.core_type = #tpu.core_type<tc>, window_params = [{transform_indices = @transform_0, window_bounds = array<i64: 1, 1024, 128>}, {pipeline_mode = #tpu.pipeline_mode<synchronous>, transform_indices = @transform_1, window_bounds = array<i64: 16, 256>}, {pipeline_mode = #tpu.pipeline_mode<synchronous>, transform_indices = @transform_2, window_bounds = array<i64: 256>}, {pipeline_mode = #tpu.pipeline_mode<synchronous>, transform_indices = @transform_3, window_bounds = array<i64: 256, 1024>}, {pipeline_mode = #tpu.pipeline_mode<synchronous>, transform_indices = @transform_4, window_bounds = array<i64: 1024>}, {transform_indices = @transform_5, window_bounds = array<i64: 1, 1, 1024>}]} {
    %eq3A = arith.constant 0 : i32
    %eq3A_0 = arith.cmpi eq, %arg1, %eq3A : i32
    %convert_element_type3A = arith.extui %eq3A_0 : i1 to i32
    %cond3A = arith.constant 0 : i32
    %cond3A_1 = arith.cmpi ne, %convert_element_type3A, %cond3A : i32
    scf.if %cond3A_1 {
      %broadcast_in_dim3A_60 = arith.constant 0xFF800000 : f32
      %broadcast_in_dim3A_61 = vector.broadcast %broadcast_in_dim3A_60 : f32 to vector<1x1024xf32>
      %swap3A_62 = arith.constant 0 : index
      %swap3A_63 = arith.constant 0 : index
      %swap3A_64 = vector.load %arg8[%swap3A_62, %swap3A_63] : memref<1x1024xf32, #tpu.memory_space<vmem>>, vector<1x1024xf32>
      tpu.vector_store %arg8[%swap3A_62, %swap3A_63], %broadcast_in_dim3A_61 {strides = array<i32>} : memref<1x1024xf32, #tpu.memory_space<vmem>>, vector<1x1024xf32>,
    } else {
    }
    %get3A = arith.constant 0 : index
    %get3A_2 = arith.constant 0 : index
    %get3A_3 = arith.constant 0 : index
    %get3A_4 = vector.load %arg2[%get3A, %get3A_2, %get3A_3] : memref<1x1024x128xf32, #tpu.memory_space<vmem>>, vector<1x1024x128xf32>
    %get3A_5 = vector.shape_cast %get3A_4 : vector<1x1024x128xf32> to vector<1024x128xf32>
    %slice3A = vector.extract_strided_slice %get3A_5 {offsets = [0, 0], sizes = [1024, 16], strides = [1, 1]} : vector<1024x128xf32> to vector<1024x16xf32>
    %slice3A_6 = vector.extract_strided_slice %get3A_5 {offsets = [0, 16], sizes = [1024, 16], strides = [1, 1]} : vector<1024x128xf32> to vector<1024x16xf32>
    %slice3A_7 = vector.extract_strided_slice %get3A_5 {offsets = [0, 32], sizes = [1024, 16], strides = [1, 1]} : vector<1024x128xf32> to vector<1024x16xf32>
    %slice3A_8 = vector.extract_strided_slice %get3A_5 {offsets = [0, 48], sizes = [1024, 16], strides = [1, 1]} : vector<1024x128xf32> to vector<1024x16xf32>
    %slice3A_9 = vector.extract_strided_slice %get3A_5 {offsets = [0, 64], sizes = [1024, 16], strides = [1, 1]} : vector<1024x128xf32> to vector<1024x16xf32>
    %slice3A_10 = vector.extract_strided_slice %get3A_5 {offsets = [0, 80], sizes = [1024, 16], strides = [1, 1]} : vector<1024x128xf32> to vector<1024x16xf32>
    %slice3A_11 = vector.extract_strided_slice %get3A_5 {offsets = [0, 96], sizes = [1024, 16], strides = [1, 1]} : vector<1024x128xf32> to vector<1024x16xf32>
    %slice3A_12 = vector.extract_strided_slice %get3A_5 {offsets = [0, 112], sizes = [1024, 16], strides = [1, 1]} : vector<1024x128xf32> to vector<1024x16xf32>
    %concatenate3A = tpu.concatenate %slice3A, %slice3A_6, %slice3A_7, %slice3A_8, %slice3A_9, %slice3A_10, %slice3A_11, %slice3A_12 in 0 : vector<1024x16xf32>, vector<1024x16xf32>, vector<1024x16xf32>, vector<1024x16xf32>, vector<1024x16xf32>, vector<1024x16xf32>, vector<1024x16xf32>, vector<1024x16xf32> -> vector<8192x16xf32>
    %slice3A_13 = vector.extract_strided_slice %concatenate3A {offsets = [0, 0], sizes = [8192, 1], strides = [1, 1]} : vector<8192x16xf32> to vector<8192x1xf32>
    %iota3A = tpu.iota {dimensions = array<i32: 1>} : vector<1x16xi32>
    %eq3A_14 = arith.constant 0 : i32
    %eq3A_15 = vector.broadcast %eq3A_14 : i32 to vector<1x16xi32>
    %eq3A_16 = arith.cmpi eq, %iota3A, %eq3A_15 : vector<1x16xi32>
    %max3A = arith.constant 1.000000e+00 : f32
    %max3A_17 = vector.broadcast %max3A : f32 to vector<8192x1xf32>
    %max3A_18 = arith.maximumf %slice3A_13, %max3A_17 : vector<8192x1xf32>
    %div3A = vector.broadcast %max3A_18 : vector<8192x1xf32> to vector<8192x16xf32>
    %div3A_19 = arith.divf %concatenate3A, %div3A : vector<8192x16xf32>
    %broadcast_in_dim3A = vector.shape_cast %eq3A_16 : vector<1x16xi1> to vector<1x16xi1>
    %broadcast_in_dim3A_20 = vector.broadcast %broadcast_in_dim3A : vector<1x16xi1> to vector<8192x16xi1>
    %select_n3A = arith.select %broadcast_in_dim3A_20, %concatenate3A, %div3A_19 : vector<8192x16xi1>, vector<8192x16xf32>
    %convert_element_type3A_21 = arith.truncf %select_n3A : vector<8192x16xf32> to vector<8192x16xbf16>
    %get3A_22 = arith.constant 0 : index
    %get3A_23 = arith.constant 0 : index
    %get3A_24 = vector.load %arg3[%get3A_22, %get3A_23] : memref<16x256xbf16, #tpu.memory_space<vmem>>, vector<16x256xbf16>
    %dot_general3A = arith.constant dense<0.000000e+00> : vector<8192x256xf32>
    %dot_general3A_25 = tpu.matmul %convert_element_type3A_21, %get3A_24, %dot_general3A {dimension_numbers = #tpu.dot_dimension_numbers<[1], [0], [0], [1], [0, 0, 1, 1], [], []>, transpose_lhs_hint = false} : vector<8192x16xbf16>, vector<16x256xbf16>, vector<8192x256xf32> -> vector<8192x256xf32>
    %get3A_26 = arith.constant 0 : index
    %get3A_27 = vector.load %arg4[%get3A_26] : memref<256xf32, #tpu.memory_space<vmem>>, vector<256xf32>
    %broadcast_in_dim3A_28 = vector.shape_cast %get3A_27 : vector<256xf32> to vector<1x256xf32>
    %add3A = vector.broadcast %broadcast_in_dim3A_28 : vector<1x256xf32> to vector<8192x256xf32>
    %add3A_29 = arith.addf %dot_general3A_25, %add3A : vector<8192x256xf32>
    %max3A_30 = arith.constant 0.000000e+00 : f32
    %max3A_31 = vector.broadcast %max3A_30 : f32 to vector<8192x256xf32>
    %max3A_32 = arith.maximumf %add3A_29, %max3A_31 : vector<8192x256xf32>
    %convert_element_type3A_33 = arith.truncf %max3A_32 : vector<8192x256xf32> to vector<8192x256xbf16>
    %get3A_34 = arith.constant 0 : index
    %get3A_35 = arith.constant 0 : index
    %get3A_36 = vector.load %arg5[%get3A_34, %get3A_35] : memref<256x1024xbf16, #tpu.memory_space<vmem>>, vector<256x1024xbf16>
    %dot_general3A_37 = arith.constant dense<0.000000e+00> : vector<8192x1024xf32>
    %dot_general3A_38 = tpu.matmul %convert_element_type3A_33, %get3A_36, %dot_general3A_37 {dimension_numbers = #tpu.dot_dimension_numbers<[1], [0], [0], [1], [0, 0, 1, 1], [], []>, transpose_lhs_hint = false} : vector<8192x256xbf16>, vector<256x1024xbf16>, vector<8192x1024xf32> -> vector<8192x1024xf32>
    %gt3A = arith.constant 0.000000e+00 : f32
    %gt3A_39 = vector.broadcast %gt3A : f32 to vector<8192x1xf32>
    %gt3A_40 = arith.cmpf ogt, %slice3A_13, %gt3A_39 : vector<8192x1xf32>
    %jit3A = arith.constant 0xFF800000 : f32
    %broadcast_in_dim3A_41 = vector.shape_cast %gt3A_40 : vector<8192x1xi1> to vector<8192x1xi1>
    %broadcast_in_dim3A_42 = vector.broadcast %broadcast_in_dim3A_41 : vector<8192x1xi1> to vector<8192x1024xi1>
    %broadcast_in_dim3A_43 = vector.broadcast %jit3A : f32 to vector<8192x1024xf32>
    %select_n3A_44 = arith.select %broadcast_in_dim3A_42, %dot_general3A_38, %broadcast_in_dim3A_43 : vector<8192x1024xi1>, vector<8192x1024xf32>
    %reduce_max3A = arith.constant dense<0xFF800000> : vector<1024xf32>
    %reduce_max3A_45 = vector.multi_reduction <maximumf>, %select_n3A_44, %reduce_max3A [0] : vector<8192x1024xf32> to vector<1024xf32>
    %get3A_46 = arith.constant 0 : index
    %get3A_47 = arith.constant 0 : index
    %get3A_48 = vector.load %arg8[%get3A_46, %get3A_47] : memref<1x1024xf32, #tpu.memory_space<vmem>>, vector<1x1024xf32>
    %get3A_49 = vector.shape_cast %get3A_48 : vector<1x1024xf32> to vector<1024xf32>
    %max3A_50 = arith.maximumf %get3A_49, %reduce_max3A_45 : vector<1024xf32>
    %swap3A = arith.constant 0 : index
    %swap3A_51 = arith.constant 0 : index
    %swap3A_52 = vector.load %arg8[%swap3A, %swap3A_51] : memref<1x1024xf32, #tpu.memory_space<vmem>>, vector<1x1024xf32>
    %swap3A_53 = vector.shape_cast %swap3A_52 : vector<1x1024xf32> to vector<1024xf32>
    %swap3A_54 = vector.shape_cast %max3A_50 : vector<1024xf32> to vector<1x1024xf32>
    tpu.vector_store %arg8[%swap3A, %swap3A_51], %swap3A_54 {strides = array<i32>} : memref<1x1024xf32, #tpu.memory_space<vmem>>, vector<1x1024xf32>,
    %eq3A_55 = arith.constant 7 : i32
    %eq3A_56 = arith.cmpi eq, %arg1, %eq3A_55 : i32
    %convert_element_type3A_57 = arith.extui %eq3A_56 : i1 to i32
    %cond3A_58 = arith.constant 0 : i32
    %cond3A_59 = arith.cmpi ne, %convert_element_type3A_57, %cond3A_58 : i32
    scf.if %cond3A_59 {
      %get3A_60 = arith.constant 0 : index
      %get3A_61 = arith.constant 0 : index
      %get3A_62 = vector.load %arg8[%get3A_60, %get3A_61] : memref<1x1024xf32, #tpu.memory_space<vmem>>, vector<1x1024xf32>
      %get3A_63 = vector.shape_cast %get3A_62 : vector<1x1024xf32> to vector<1024xf32>
      %get3A_64 = arith.constant 0 : index
      %get3A_65 = vector.load %arg6[%get3A_64] : memref<1024xf32, #tpu.memory_space<vmem>>, vector<1024xf32>
      %add3A_66 = arith.addf %get3A_63, %get3A_65 : vector<1024xf32>
      %swap3A_67 = arith.constant 0 : index
      %swap3A_68 = arith.constant 0 : index
      %swap3A_69 = arith.constant 0 : index
      %swap3A_70 = vector.load %arg7[%swap3A_67, %swap3A_68, %swap3A_69] : memref<1x1x1024xf32, #tpu.memory_space<vmem>>, vector<1x1x1024xf32>
      %swap3A_71 = vector.shape_cast %swap3A_70 : vector<1x1x1024xf32> to vector<1024xf32>
      %swap3A_72 = vector.shape_cast %add3A_66 : vector<1024xf32> to vector<1x1x1024xf32>
      tpu.vector_store %arg7[%swap3A_67, %swap3A_68, %swap3A_69], %swap3A_72 {strides = array<i32>} : memref<1x1x1024xf32, #tpu.memory_space<vmem>>, vector<1x1x1024xf32>,
    } else {
    }
    return
  }
  func.func @transform_0(%arg0: i32, %arg1: i32) -> (i32, i32, i32) {
    %c0_i32 = arith.constant 0 : i32
    %c0_i32_0 = arith.constant 0 : i32
    return %arg0, %arg1, %c0_i32 : i32, i32, i32
  }
  func.func @transform_1(%arg0: i32, %arg1: i32) -> (i32, i32) {
    %c0_i32 = arith.constant 0 : i32
    %c0_i32_0 = arith.constant 0 : i32
    %c0_i32_1 = arith.constant 0 : i32
    return %c0_i32, %c0_i32_0 : i32, i32
  }
  func.func @transform_2(%arg0: i32, %arg1: i32) -> i32 {
    %c0_i32 = arith.constant 0 : i32
    %c0_i32_0 = arith.constant 0 : i32
    return %c0_i32 : i32
  }
  func.func @transform_3(%arg0: i32, %arg1: i32) -> (i32, i32) {
    %c0_i32 = arith.constant 0 : i32
    %c0_i32_0 = arith.constant 0 : i32
    %c0_i32_1 = arith.constant 0 : i32
    return %c0_i32, %c0_i32_0 : i32, i32
  }
  func.func @transform_4(%arg0: i32, %arg1: i32) -> i32 {
    %c0_i32 = arith.constant 0 : i32
    %c0_i32_0 = arith.constant 0 : i32
    return %c0_i32 : i32
  }
  func.func @transform_5(%arg0: i32, %arg1: i32) -> (i32, i32, i32) {
    %c0_i32 = arith.constant 0 : i32
    %c0_i32_0 = arith.constant 0 : i32
    %c0_i32_1 = arith.constant 0 : i32
    return %arg0, %c0_i32, %c0_i32_0 : i32, i32, i32
  }
}

module attributes {stable_mosaic.version = 14 : i64} {
  func.func @_reg_body(%arg0: memref<16x1024xf32, #tpu.memory_space<vmem>>, %arg1: memref<1024x512xf32, #tpu.memory_space<vmem>>, %arg2: memref<512xf32, #tpu.memory_space<vmem>>, %arg3: memref<512x7xf32, #tpu.memory_space<vmem>>, %arg4: memref<7xf32, #tpu.memory_space<vmem>>, %arg5: memref<16x7xf32, #tpu.memory_space<vmem>>) attributes {dimension_semantics = [], scalar_prefetch = 0 : i64, scratch_operands = 0 : i64, tpu.core_type = #tpu.core_type<tc>} {
    %get3A = arith.constant 0 : index
    %get3A_0 = arith.constant 0 : index
    %get3A_1 = vector.load %arg0[%get3A, %get3A_0] : memref<16x1024xf32, #tpu.memory_space<vmem>>, vector<16x1024xf32>
    %get3A_2 = arith.constant 0 : index
    %get3A_3 = arith.constant 0 : index
    %get3A_4 = vector.load %arg1[%get3A_2, %get3A_3] : memref<1024x512xf32, #tpu.memory_space<vmem>>, vector<1024x512xf32>
    %dot_general3A = arith.constant dense<0.000000e+00> : vector<16x512xf32>
    %dot_general3A_5 = tpu.matmul %get3A_1, %get3A_4, %dot_general3A {dimension_numbers = #tpu.dot_dimension_numbers<[1], [0], [0], [1], [0, 0, 1, 1], [], []>, transpose_lhs_hint = false} : vector<16x1024xf32>, vector<1024x512xf32>, vector<16x512xf32> -> vector<16x512xf32>
    %get3A_6 = arith.constant 0 : index
    %get3A_7 = vector.load %arg2[%get3A_6] : memref<512xf32, #tpu.memory_space<vmem>>, vector<512xf32>
    %broadcast_in_dim3A = vector.shape_cast %get3A_7 : vector<512xf32> to vector<1x512xf32>
    %add3A = vector.broadcast %broadcast_in_dim3A : vector<1x512xf32> to vector<16x512xf32>
    %add3A_8 = arith.addf %dot_general3A_5, %add3A : vector<16x512xf32>
    %max3A = arith.constant 0.000000e+00 : f32
    %max3A_9 = vector.broadcast %max3A : f32 to vector<16x512xf32>
    %max3A_10 = arith.maximumf %add3A_8, %max3A_9 : vector<16x512xf32>
    %get3A_11 = arith.constant 0 : index
    %get3A_12 = arith.constant 0 : index
    %get3A_13 = vector.load %arg3[%get3A_11, %get3A_12] : memref<512x7xf32, #tpu.memory_space<vmem>>, vector<512x7xf32>
    %dot_general3A_14 = arith.constant dense<0.000000e+00> : vector<16x7xf32>
    %dot_general3A_15 = tpu.matmul %max3A_10, %get3A_13, %dot_general3A_14 {dimension_numbers = #tpu.dot_dimension_numbers<[1], [0], [0], [1], [0, 0, 1, 1], [], []>, transpose_lhs_hint = false} : vector<16x512xf32>, vector<512x7xf32>, vector<16x7xf32> -> vector<16x7xf32>
    %get3A_16 = arith.constant 0 : index
    %get3A_17 = vector.load %arg4[%get3A_16] : memref<7xf32, #tpu.memory_space<vmem>>, vector<7xf32>
    %broadcast_in_dim3A_18 = vector.shape_cast %get3A_17 : vector<7xf32> to vector<1x7xf32>
    %add3A_19 = vector.broadcast %broadcast_in_dim3A_18 : vector<1x7xf32> to vector<16x7xf32>
    %add3A_20 = arith.addf %dot_general3A_15, %add3A_19 : vector<16x7xf32>
    %swap3A = arith.constant 0 : index
    %swap3A_21 = arith.constant 0 : index
    %swap3A_22 = vector.load %arg5[%swap3A, %swap3A_21] : memref<16x7xf32, #tpu.memory_space<vmem>>, vector<16x7xf32>
    tpu.vector_store %arg5[%swap3A, %swap3A_21], %add3A_20 {strides = array<i32>} : memref<16x7xf32, #tpu.memory_space<vmem>>, vector<16x7xf32>,
    return
  }
}

</mosaic_0001>

<sc_bundles>
// kernel: kernel.10.cloned.1.call-start
scs
__scs_entry_jumppad:
0x0: {  	(pc) =	sbr.rel $0x88, $3  }
0x1: {  	(tag) =	ssettag $0x0;
	lr =	simm.s32 $0x1  }
0x2: {  	[smem:$0x3F98] =	sst lr;
	_ =	strace $0xD0000000  }
0x3: {  	_ = 	snop  }
0x4: {  	_ = 	snop  }
0x5: {  	_ = 	snop  }
0x6: {  	_ = 	snop  }
0x7: {  	_ = 	snop  }
__scs_overlays_trampoline_lowered:
0x8: {  	[smem:$0x3FA7] =	sst s0  }
0x9: {  	[smem:$0x3FA8] =	sst s1  }
0xa: {  	[smem:$0x3FA9] =	sst s2  }
0xb: {  	[smem:$0x3FAA] =	sst s3  }
0xc: {  	[smem:$0x3FAB] =	sst s4  }
0xd: {  	[smem:$0x3FAC] =	sst s5  }
0xe: {  	[smem:$0x3FAD] =	sst s6  }
0xf: {  	[smem:$0x3FAE] =	sst s7  }
0x10: {  	[smem:$0x3FAF] =	sst s8  }
0x11: {  	[smem:$0x3FB0] =	sst s9;
	s0 =	simm.s32 @!p0 $0x0  }
0x12: {  	s1 =	sld [smem:$0x3F96];
	s0 =	simm.s32 @p0 $0x1  }
0x13: {  	[smem:$0x3FB1] =	sst s0;
	s0 =	simm.s32 @!p1 $0x0  }
0x14: {  	s2 =	sld [smem:$0x3F95];
	s0 =	simm.s32 @p1 $0x1  }
0x15: {  	[smem:$0x3FB2] =	sst s0;
	s0 =	simm.s32 @!p2 $0x0  }
0x16: {  	s3 =	sld [smem:$0x3FDB];
	s0 =	simm.s32 @p2 $0x1  }
0x17: {  	s4 =	simm.s32 $0x1BF5;
	[smem:$0x3FB4] =	sst s0  }
0x18: {  	s0 =	sld [smem:$0x3F97];
	_ =	swait.ge [sflag:s4], $0x0  }
0x19: {  	s7 =	sld [smem:$0x3F98]  }
0x1a: {  	s8 =	sadd.s32 $0xFFFFE003, lr  }
0x1b: {  	s9 =	sadd.s32 $0xFFFFFEF7, lr;
	s5 =	simm.s32 $0xFFFFFFFF;
	p2 =	slt.u32 s8, $0xFFFFF086  }
0x1c: {  	p1 =	slt.u32 s9, $0xF7A;
	s5 =	simm.s32 @!p2 $0x0  }
0x1d: {  	s5 =	simm.s32 @p1 $0x1;
	p0 =	seq.s32 s7, s2  }
0x1e: {  	s7 =	smul.u32 @!p0 $0xF7A, s2;
	p2 =	seq.s32 @!p0 s5, $0x0  }
0x1f: {  	s9 =	smul.u32 $0xF7A, s1;
	s8 =	simm.s32 @!p0 $0x1BF5;
	p2 =	por !p2, p0  }
0x20: {  	[sflag:s8] =	ssyncset.s32 @!p0 $0xFFFFF086;
	s6 =	sadd.s32 @!p0 s3, s7;
	s7 =	simm.s32 @!p0 $0x108  }
0x21: {  	s3 =	sadd.s32 s3, s9;
	s6 =	sadd.s32 @!p0 $0x88, s6;
	s7 =	simm.s32 @p2 $0x1082  }
0x22: {  	[simem:s7], [sflag:s8] =	dma.local @!p0 [hbm:s6], $0xF7A  }
0x23: {  	s9 =	sor.u32 $0xD0000000, s2;
	s6 =	simm.s32 $0x108;
	_ =	swait.ge @!p0 [sflag:s8], $0x0  }
0x24: {  	s3 =	sadd.s32 $0x88, s3;
	s6 =	simm.s32 @!p1 $0x1082;
	[sflag:s4] =	ssyncset.s32 $0xFFFFF086  }
0x25: {  	[simem:s6], [sflag:s4] =	dma.local [hbm:s3], $0xF7A  }
0x26: {  	[smem:$0x3F98] =	sst s1;
	(tag) =	ssettag s2;
	_ =	strace s9  }
0x27: {  	s1 =	sld [smem:$0x3FA8]  }
0x28: {  	s2 =	sld [smem:$0x3FA9]  }
0x29: {  	s4 =	sld [smem:$0x3FAB]  }
0x2a: {  	p0 =	seq.s32 s5, $0x0;
	s5 =	sld [smem:$0x3FAC]  }
0x2b: {  	s6 =	sld [smem:$0x3FAD]  }
0x2c: {  	s7 =	sld [smem:$0x3FAE]  }
0x2d: {  	s3 =	simm.s32 $0x108;
	s8 =	sld [smem:$0x3FAF]  }
0x2e: {  	s3 =	simm.s32 @!p0 $0x1082;
	s9 =	sld [smem:$0x3FB0]  }
0x2f: {  	lr =	sadd.s32 s0, s3;
	s0 =	sld [smem:$0x3FA7]  }
0x30: {  	s3 =	sld [smem:$0x3FAA]  }
0x31: {  	[smem:$0x3FB3] =	sst s10  }
0x32: {  	s10 =	sld [smem:$0x3FB1];
	_ =	sdelay $0x3  }
0x33: {  	p0 =	seq.s32 s10, $0x1;
	s10 =	sld [smem:$0x3FB3];
	_ =	sdelay $0x3  }
0x34: {  	[smem:$0x3FB3] =	sst s10  }
0x35: {  	s10 =	sld [smem:$0x3FB2];
	_ =	sdelay $0x3  }
0x36: {  	p1 =	seq.s32 s10, $0x1;
	s10 =	sld [smem:$0x3FB3];
	_ =	sdelay $0x3  }
0x37: {  	[smem:$0x3FB3] =	sst s10  }
0x38: {  	s10 =	sld [smem:$0x3FB4]  }
0x39: {  	_ = 	snop;
	(pc) =	sbr.ind lr, $3  }
0x3a: {  	_ = 	snop  }
0x3b: {  	_ = 	snop  }
0x3c: {  	p2 =	seq.s32 s10, $0x1;
	s10 =	sld [smem:$0x3FB3]  }
0x3d: {  	_ =	shalt  }
0x3e: {  	_ =	shalt  }
0x3f: {  	_ =	shalt  }
0x40: {  	_ =	shalt  }
0x41: {  	_ =	shalt  }
0x42: {  	_ =	shalt  }
0x43: {  	_ =	shalt  }
0x44: {  	_ =	shalt  }
0x45: {  	_ =	shalt  }
0x46: {  	_ =	shalt  }
0x47: {  	_ =	shalt  }
0x48: {  	_ =	shalt  }
0x49: {  	_ =	shalt  }
0x4a: {  	_ =	shalt  }
0x4b: {  	_ =	shalt  }
0x4c: {  	_ =	shalt  }
0x4d: {  	_ =	shalt  }
0x4e: {  	_ =	shalt  }
0x4f: {  	_ =	shalt  }
0x50: {  	_ =	shalt  }
0x51: {  	_ =	shalt  }
0x52: {  	_ =	shalt  }
0x53: {  	_ =	shalt  }
0x54: {  	_ =	shalt  }
0x55: {  	_ =	shalt  }
0x56: {  	_ =	shalt  }
0x57: {  	_ =	shalt  }
0x58: {  	_ =	shalt  }
0x59: {  	_ =	shalt  }
0x5a: {  	_ =	shalt  }
0x5b: {  	_ =	shalt  }
0x5c: {  	_ =	shalt  }
0x5d: {  	_ =	shalt  }
0x5e: {  	_ =	shalt  }
0x5f: {  	_ =	shalt  }
0x60: {  	_ =	shalt  }
0x61: {  	_ =	shalt  }
0x62: {  	_ =	shalt  }
0x63: {  	_ =	shalt  }
0x64: {  	_ =	shalt  }
0x65: {  	_ =	shalt  }
0x66: {  	_ =	shalt  }
0x67: {  	_ =	shalt  }
0x68: {  	_ =	shalt  }
0x69: {  	_ =	shalt  }
0x6a: {  	_ =	shalt  }
0x6b: {  	_ =	shalt  }
0x6c: {  	_ =	shalt  }
0x6d: {  	_ =	shalt  }
0x6e: {  	_ =	shalt  }
0x6f: {  	_ =	shalt  }
0x70: {  	_ =	shalt  }
0x71: {  	_ =	shalt  }
0x72: {  	_ =	shalt  }
0x73: {  	_ =	shalt  }
0x74: {  	_ =	shalt  }
0x75: {  	_ =	shalt  }
0x76: {  	_ =	shalt  }
0x77: {  	_ =	shalt  }
0x78: {  	_ =	shalt  }
0x79: {  	_ =	shalt  }
0x7a: {  	_ =	shalt  }
0x7b: {  	_ =	shalt  }
0x7c: {  	_ =	shalt  }
0x7d: {  	_ =	shalt  }
0x7e: {  	_ =	shalt  }
0x7f: {  	_ =	shalt  }
0x80: {  	_ =	shalt  }
0x81: {  	_ =	shalt  }
0x82: {  	_ =	shalt  }
0x83: {  	_ =	shalt  }
0x84: {  	_ =	shalt  }
0x85: {  	_ =	shalt  }
0x86: {  	_ =	shalt  }
0x87: {  	_ =	shalt  }
.Lfunc_end0:
.L_simem_size_0:
called_computation.1_lowered:
.L_overlay_start_0:
0x88: {  	s2 =	sld [smem:$0x3FD9]  }
0x89: {  	s3 =	sld [smem:$0x3FFE];
	_ =	sdelay $0x1  }
0x8a: {  	s1 =	srdreg.scid  }
0x8b: {  	s0 =	sand.u32 $0x1, s1  }
0x8c: {  	s17 =	sshll.u32 s0, $0xA;
	s2 =	sadd.s32 s3, s2  }
0x8d: {  	s2 =	sadd.s32 s2, s17  }
0x8e: {  	[smem:$0x3FBF] =	sst s2  }
0x8f: {  	_ = 	snop  }
0x90: {  	(tm) =	ssettm $0x1  }
0x91: {  	s18 =	sld [smem:$0x3FFB];
	_ =	sdelay $0x3  }
0x92: {  	_ =	strace s18  }
0x93: {  	s2 =	sld [smem:$0x3FFC];
	_ =	sdelay $0x3  }
0x94: {  	_ =	strace s2  }
0x95: {  	s2 =	sld [smem:$0x3FFD];
	_ =	sdelay $0x3  }
0x96: {  	_ =	strace s2  }
0x97: {  	_ =	strace $0x8FFFFFFF  }
0x98: {  	s19 =	sld [smem:$0x3FDB];
	_ =	sdelay $0x1  }
0x99: {  	s20 =	simm.s32 $_scs_section_size  }
0x9a: {  	s4 =	simm.s32 $_size__tile_overlayer_lowered;
	s5 =	simm.s32 $_tile_overlayer_lowered  }
0x9b: {  	s6 =	simm.s32 $0x1BFF;
	s21 =	sshll.u32 s5, $0x1;
	s3 =	sadd.s32 s20, s19  }
0x9c: {  	s22 =	simm.s32 $0x0;
	s4 =	sshll.u32 s4, $0x1;
	s5 =	sadd.s32 s21, s3  }
0x9d: {  	[timem:s22], [sflag:s6] =	dma.local [hbm:s5], s4  }
0x9e: {  	_ =	swait.ge [sflag:s6], s4  }
0x9f: {  	s4 =	ssub.s32 $0x0, s4;
	[sflag:s6] =	ssyncset.done $0x0  }
0xa0: {  	[sflag:s6] =	ssyncadd.s32 s4;
	_ =	sdelay $0x1  }
0xa1: {  	s23 =	simm.s32 $0x1B8B  }
0xa2: {  	_ =	swait.ge [sflag:s23], $0x1  }
0xa3: {  	[sflag:s23] =	ssyncset.done $0x0  }
0xa4: {  	[sflag:s23] =	ssyncadd.s32 $0xFFFFFFFF  }
0xa5: {  	s4 =	sld [smem:$0x0]  }
0xa6: {  	s5 =	sand.u32 $0xFFFFFFFE, s1  }
0xa7: {  	p0 =	sne.s32 s1, s5  }
0xa8: {  	s5 =	sshll.u32 @p0 s5, $0xE  }
0xa9: {  	s5 =	sadd.s32 @p0 $0x11B8D, s5;
	s6 =	sshll.u32 @p0 s4, $0x11  }
0xaa: {  	s5 =	sor.u32 @p0 s6, s5  }
0xab: {  	[sflag:s5] =	ssyncadd.remote.s32 @p0 $0x1;
	_ =	sdelay $0x1  }
0xac: {  	s5 =	simm.s32 @p0 $0x1B8D  }
0xad: {  	_ =	swait.eq @p0 [sflag:s5], $0x1  }
0xae: {  	[sflag:s5] =	ssyncadd.s32 @p0 $0xFFFFFFFF  }
0xaf: {  	s6 =	sshll.u32 @!p0 s1, $0xE  }
0xb0: {  	s6 =	sor.u32 @!p0 $0x4000, s6;
	s5 =	simm.s32 @!p0 $0x1B8D  }
0xb1: {  	s4 =	sshll.u32 @!p0 s4, $0x11;
	s6 =	sadd.s32 @!p0 $0x11B8D, s6;
	_ =	swait.eq @!p0 [sflag:s5], $0x1  }
0xb2: {  	s4 =	sor.u32 @!p0 s4, s6;
	[sflag:s5] =	ssyncadd.s32 @!p0 $0xFFFFFFFF  }
0xb3: {  	s25 =	simm.s32 $0x1B8E;
	s24 =	sld [smem:$0x3FFE];
	[sflag:s4] =	ssyncadd.remote.s32 @!p0 $0x1  }
0xb4: {  	s26 =	simm.s32 $execute0_lowered;
	[smem:$0x3FD2] =	sst s25  }
0xb5: {  	s5 =	sshll.u32 s26, $0x1;
	_ =	strace $0x80000049;
	[dreg:$0x1] =	wrdreg $0xFFFFFFFF  }
0xb6: {  	s28 =	simm.s32 $_size_execute0_lowered;
	s3 =	sadd.s32 s3, s5;
	[dreg:$0x0] =	wrdreg $0x0  }
0xb7: {  	s5 =	sshll.u32 s28, $0x1;
	[dreg:$0x2] =	wrdreg s3  }
0xb8: {  	[dreg:$0x3] =	wrdreg s5  }
0xb9: {  	[dreg:$0x4] =	wrdreg $0xC0  }
0xba: {  	_ =	task [dreg:s22], $0x5FFFF  }
0xbb: {  	[dreg:$0x1] =	wrdreg $0xFFFFFFFF  }
0xbc: {  	[dreg:$0x0] =	wrdreg $0x60  }
0xbd: {  	[dreg:$0x2] =	wrdreg s24  }
0xbe: {  	[dreg:$0x3] =	wrdreg $0xAA000  }
0xbf: {  	[dreg:$0x4] =	wrdreg $0xA  }
0xc0: {  	_ =	task.clear_ibuf [dreg:s22], $0x5FFFF;
	_ =	strace $0x90000049  }
0xc1: {  	s29 =	simm.s32 $0xA;
	_ =	strace $0x8000004B  }
0xc2: {  	_ =	swait.ge [sflag:s29], $0x1  }
0xc3: {  	[sflag:s29] =	ssyncadd.s32 $0xFFFFFFFF  }
0xc4: {  	_ =	strace $0x9000004B  }
0xc5: {  	_ =	sfence  }
0xc6: {  	s30 =	sld [smem:$0x0];
	_ =	sdelay $0x2  }
0xc7: {  	s31 =	sshll.u32 s1, $0xD;
	s1 =	sshrl.u32 s1, $0x2  }
0xc8: {  	s4 =	sand.u32 $0x4000, s31;
	s1 =	sadd.s32 s1, s30  }
0xc9: {  	s0 =	sor.u32 s4, s0;
	s1 =	sshll.u32 s1, $0x11  }
0xca: {  	s0 =	sor.u32 s1, s0  }
0xcb: {  	s0 =	sadd.s32 $0x8F2B, s0  }
0xcc: {  	[sflag:s0] =	ssyncadd.remote.s32 $0x1  }
0xcd: {  	_ =	sfence.sel $0xFFFF  }
0xce: {  	[dreg:$0x0] =	wrdreg $0xFFFFFFFF;
	(pc) =	sbr.abs _section_cstart, $3  }
0xcf: {  	[dreg:$0x1] =	wrdreg $0xFFFFFFFF  }
0xd0: {  	_ =	task.clear_ibuf [dreg:s22], $0x2FFFF;
	_ =	strace $0x9FFFFFFF  }
0xd1: {  	(tm) =	ssettm $0x7FFFFFFF  }
tec
execute0_lowered:
.L_overlay_start_1:
0x0: {  	(tag) =	ssettag $0x1  }
0x1: {  	s0 =	rddreg [dreg:$0x0]  }
0x2: {  	s1 =	rddreg [dreg:$0x1];
	s2 =	simm.s32 $0x0;
	s3 =	srdreg.scid  }
0x3: {  	s6 =	stileid.u32;
	[smem:$0x7FF] =	sst s2;
	s4 =	sadd.s32 $0x1A00, s0  }
0x4: {  	s5 =	sadd.s32 $0x4CA00, s0;
	_ =	strace $0x8000004A;
	[dreg:$0x3] =	wrdreg s4  }
0x5: {  	s3 =	sand.u32 $0x1, s3;
	s0 =	sadd.s32 $0x14D800, s0;
	[dreg:$0x4] =	wrdreg s5  }
0x6: {  	s7 =	sshll.u32 s6, $0x10;
	s10 =	ssub.s32 $0x2, s3;
	[dreg:$0x6] =	wrdreg s0  }
0x7: {  	[dreg:$0x5] =	wrdreg s7;
	s8 =	sadd.s32 s7, s1;
	s3 =	sshll.u32 s3, $0x2  }
0x8: {  	[dreg:$0x7] =	wrdreg s3;
	s13 =	sadd.s32 $0x1000, s8  }
0x9: {  	s14 =	sadd.s32 $0x2000, s8;
	[dreg:$0x8] =	wrdreg s13  }
0xa: {  	s15 =	sadd.s32 $0x3000, s8;
	[dreg:$0x9] =	wrdreg s14  }
0xb: {  	s30 =	simm.s32 $0x3200;
	s16 =	sadd.s32 $0x4000, s8;
	[dreg:$0xa] =	wrdreg s15  }
0xc: {  	s31 =	simm.s32 $0x1;
	s17 =	sadd.s32 $0x5000, s8;
	[dreg:$0xb] =	wrdreg s16  }
0xd: {  	s9 =	simm.s32 $0x5A00;
	s18 =	sadd.s32 $0x6000, s8;
	[dreg:$0xc] =	wrdreg s17  }
0xe: {  	s23 =	smul.u32 $0x2580, s6;
	s19 =	sadd.s32 $0x7000, s8;
	[dreg:$0xd] =	wrdreg s18  }
0xf: {  	s5 =	simm.s32 $0x80;
	s20 =	sadd.s32 $0x8000, s8;
	[dreg:$0xe] =	wrdreg s19  }
0x10: {  	v0 =	vimm.f32 $9.999999770e-03;
	s4 =	simm.s32 $0x4200;
	s21 =	sadd.s32 $0x9000, s8;
	[dreg:$0xf] =	wrdreg s20  }
0x11: {  	s7 =	simm.s32 $0x5200;
	s22 =	sadd.s32 $0xA000, s8;
	(erf) = vrcp.f32 v0;
	[dreg:$0x10] =	wrdreg s21  }
0x12: {  	s11 =	sshrl.u32 s10, $0x1;
	s24 =	sadd.s32 $0xB000, s8;
	[dreg:$0x11] =	wrdreg s22  }
0x13: {  	s25 =	sadd.s32 $0xC000, s8;
	s26 =	sadd.s32 $0xD000, s8;
	[dreg:$0x12] =	wrdreg s24  }
0x14: {  	s28 =	sadd.s32 $0xF000, s8;
	s3 =	simm.s32 $0x3A00;
	[dreg:$0x13] =	wrdreg s25  }
0x15: {  	s12 =	ssub.s32 s10, s11;
	s22 =	smul.u32 $0xC80, s6;
	[dreg:$0x14] =	wrdreg s26  }
0x16: {  	s24 =	sadd.s32 $0x12C000, s23;
	s26 =	sadd.s32 $0xE000, s8;
	s25 =	simm.s32 $0x2580  }
0x17: {  	v0 =	vlaneseq.u32;
	s6 =	simm.s32 $0x4A00;
	s10 =	simm.s32 $0x6200;
	s11 =	simm.s32 $0x6A00  }
0x18: {  	s13 =	simm.s32 $0x7A00;
	s14 =	simm.s32 $0x8200;
	s15 =	simm.s32 $0x8A00;
	v1 =	vmul.u32 $0x3, v0  }
0x19: {  	v2 =	vimm.s32 $0x0;
	v3 =	vimm.f32 $1.000000000e+00;
	s17 =	simm.s32 $0x0;
	s0 =	smax.u32 s12, $0x1;
	s12 =	simm.s32 $0x7200  }
0x1a: {  	v7 =	vmul.u32 $0x10, v0;
	[dreg:$0x15] =	wrdreg s0;
	s29 =	sadd.s32 $0x680, s22;
	s0 =	simm.s32 $0x9A00;
	v5 =	vadd.s32 $0x1, v1;
	v6 =	vadd.s32 $0x2, v1;
	v4 =	vpop (erf)  }
.LBB2_1:
0x1b: {  	[dreg:$0x16] =	wrdreg s17  }
0x1c: {  	s16 =	rddreg [dreg:$0x4]  }
0x1d: {  	[tilespmem:s30], [sflag:$0x1] =	stream.linear.gather [hbm4b:s16+s2], $0x6800, $0x38;
	[tilespmem:$0x1AA00] =	vst v63  }
0x1e: {  	_ =	swait.ge [sflag:s31], $0x6800  }
0x1f: {  	[sflag:s31] =	ssyncset.done $0x0  }
0x20: {  	[sflag:s31] =	ssyncadd.s32 $0xFFFF9800  }
0x21: {  	[tilespmem:s0], [sflag:$0x1] =	stream.linear.gather [hbm4b:s16+s2], $0x1000, $0x38;
	[tilespmem:$0x1AA00] =	vst v63  }
0x22: {  	_ =	swait.ge [sflag:s31], $0x1000  }
0x23: {  	[sflag:s31] =	ssyncset.done $0x0  }
0x24: {  	s16 =	simm.s32 $0x0;
	[sflag:s31] =	ssyncadd.s32 $0xFFFFF000  }
.LBB2_2:
0x25: {  	[spmem:s8] =	stream.linear.scatter [tilespmem:s0], [sflag:$0x1], $0x1000, $0x38;
	[tilespmem:$0x1AA00] =	vst v63  }
0x26: {  	_ =	swait.ge [sflag:s31], $0x1000  }
0x27: {  	[sflag:s31] =	ssyncset.done $0x0  }
0x28: {  	s17 =	rddreg [dreg:$0x8];
	[sflag:s31] =	ssyncadd.s32 $0xFFFFF000  }
0x29: {  	[spmem:s17] =	stream.linear.scatter [tilespmem:s0], [sflag:$0x1], $0x1000, $0x38;
	[tilespmem:$0x1AA00] =	vst v63  }
0x2a: {  	_ =	swait.ge [sflag:s31], $0x1000  }
0x2b: {  	[sflag:s31] =	ssyncset.done $0x0  }
0x2c: {  	s19 =	rddreg [dreg:$0x9];
	[sflag:s31] =	ssyncadd.s32 $0xFFFFF000  }
0x2d: {  	[spmem:s19] =	stream.linear.scatter [tilespmem:s0], [sflag:$0x1], $0x1000, $0x38;
	[tilespmem:$0x1AA00] =	vst v63  }
0x2e: {  	_ =	swait.ge [sflag:s31], $0x1000  }
0x2f: {  	[sflag:s31] =	ssyncset.done $0x0  }
0x30: {  	s20 =	rddreg [dreg:$0xa];
	[sflag:s31] =	ssyncadd.s32 $0xFFFFF000  }
0x31: {  	[spmem:s20] =	stream.linear.scatter [tilespmem:s0], [sflag:$0x1], $0x1000, $0x38;
	[tilespmem:$0x1AA00] =	vst v63  }
0x32: {  	_ =	swait.ge [sflag:s31], $0x1000  }
0x33: {  	[sflag:s31] =	ssyncset.done $0x0  }
0x34: {  	s21 =	rddreg [dreg:$0xb];
	[sflag:s31] =	ssyncadd.s32 $0xFFFFF000  }
0x35: {  	[spmem:s21] =	stream.linear.scatter [tilespmem:s0], [sflag:$0x1], $0x1000, $0x38;
	[tilespmem:$0x1AA00] =	vst v63  }
0x36: {  	_ =	swait.ge [sflag:s31], $0x1000  }
0x37: {  	[sflag:s31] =	ssyncset.done $0x0  }
0x38: {  	s23 =	rddreg [dreg:$0xc];
	[sflag:s31] =	ssyncadd.s32 $0xFFFFF000  }
0x39: {  	[spmem:s23] =	stream.linear.scatter [tilespmem:s0], [sflag:$0x1], $0x1000, $0x38;
	[tilespmem:$0x1AA00] =	vst v63  }
0x3a: {  	_ =	swait.ge [sflag:s31], $0x1000  }
0x3b: {  	[sflag:s31] =	ssyncset.done $0x0  }
0x3c: {  	s18 =	rddreg [dreg:$0xd];
	[sflag:s31] =	ssyncadd.s32 $0xFFFFF000  }
0x3d: {  	[spmem:s18] =	stream.linear.scatter [tilespmem:s0], [sflag:$0x1], $0x1000, $0x38;
	[tilespmem:$0x1AA00] =	vst v63  }
0x3e: {  	_ =	swait.ge [sflag:s31], $0x1000  }
0x3f: {  	[sflag:s31] =	ssyncset.done $0x0  }
0x40: {  	s19 =	rddreg [dreg:$0xe];
	[sflag:s31] =	ssyncadd.s32 $0xFFFFF000  }
0x41: {  	[spmem:s19] =	stream.linear.scatter [tilespmem:s0], [sflag:$0x1], $0x1000, $0x38;
	[tilespmem:$0x1AA00] =	vst v63  }
0x42: {  	_ =	swait.ge [sflag:s31], $0x1000  }
0x43: {  	[sflag:s31] =	ssyncset.done $0x0  }
0x44: {  	s20 =	rddreg [dreg:$0xf];
	[sflag:s31] =	ssyncadd.s32 $0xFFFFF000  }
0x45: {  	[spmem:s20] =	stream.linear.scatter [tilespmem:s0], [sflag:$0x1], $0x1000, $0x38;
	[tilespmem:$0x1AA00] =	vst v63  }
0x46: {  	_ =	swait.ge [sflag:s31], $0x1000  }
0x47: {  	[sflag:s31] =	ssyncset.done $0x0  }
0x48: {  	s21 =	rddreg [dreg:$0x10];
	[sflag:s31] =	ssyncadd.s32 $0xFFFFF000  }
0x49: {  	[spmem:s21] =	stream.linear.scatter [tilespmem:s0], [sflag:$0x1], $0x1000, $0x38;
	[tilespmem:$0x1AA00] =	vst v63  }
0x4a: {  	_ =	swait.ge [sflag:s31], $0x1000  }
0x4b: {  	[sflag:s31] =	ssyncset.done $0x0  }
0x4c: {  	s23 =	rddreg [dreg:$0x11];
	[sflag:s31] =	ssyncadd.s32 $0xFFFFF000  }
0x4d: {  	[spmem:s23] =	stream.linear.scatter [tilespmem:s0], [sflag:$0x1], $0x1000, $0x38;
	[tilespmem:$0x1AA00] =	vst v63  }
0x4e: {  	_ =	swait.ge [sflag:s31], $0x1000  }
0x4f: {  	[sflag:s31] =	ssyncset.done $0x0  }
0x50: {  	s18 =	rddreg [dreg:$0x12];
	[sflag:s31] =	ssyncadd.s32 $0xFFFFF000  }
0x51: {  	[spmem:s18] =	stream.linear.scatter [tilespmem:s0], [sflag:$0x1], $0x1000, $0x38;
	[tilespmem:$0x1AA00] =	vst v63  }
0x52: {  	_ =	swait.ge [sflag:s31], $0x1000  }
0x53: {  	[sflag:s31] =	ssyncset.done $0x0  }
0x54: {  	s19 =	rddreg [dreg:$0x13];
	[sflag:s31] =	ssyncadd.s32 $0xFFFFF000  }
0x55: {  	[spmem:s19] =	stream.linear.scatter [tilespmem:s0], [sflag:$0x1], $0x1000, $0x38;
	[tilespmem:$0x1AA00] =	vst v63  }
0x56: {  	_ =	swait.ge [sflag:s31], $0x1000  }
0x57: {  	[sflag:s31] =	ssyncset.done $0x0  }
0x58: {  	s20 =	rddreg [dreg:$0x14];
	[sflag:s31] =	ssyncadd.s32 $0xFFFFF000  }
0x59: {  	[spmem:s20] =	stream.linear.scatter [tilespmem:s0], [sflag:$0x1], $0x1000, $0x38;
	[tilespmem:$0x1AA00] =	vst v63  }
0x5a: {  	_ =	swait.ge [sflag:s31], $0x1000  }
0x5b: {  	[sflag:s31] =	ssyncset.done $0x0  }
0x5c: {  	[sflag:s31] =	ssyncadd.s32 $0xFFFFF000  }
0x5d: {  	[spmem:s26] =	stream.linear.scatter [tilespmem:s0], [sflag:$0x1], $0x1000, $0x38;
	[tilespmem:$0x1AA00] =	vst v63  }
0x5e: {  	_ =	swait.ge [sflag:s31], $0x1000  }
0x5f: {  	[sflag:s31] =	ssyncset.done $0x0  }
0x60: {  	s21 =	rddreg [dreg:$0x7];
	[sflag:s31] =	ssyncadd.s32 $0xFFFFF000  }
0x61: {  	[spmem:s28] =	stream.linear.scatter [tilespmem:s0], [sflag:$0x1], $0x1000, $0x38;
	[tilespmem:$0x1AA00] =	vst v63  }
0x62: {  	s17 =	sadd.s32 s21, s16;
	_ =	swait.ge [sflag:s31], $0x1000  }
0x63: {  	s18 =	smul.u32 $0x25800, s17;
	[sflag:s31] =	ssyncset.done $0x0  }
0x64: {  	s19 =	simm.s32 $0x0;
	[sflag:s31] =	ssyncadd.s32 $0xFFFFF000  }
0x65: {  	v8 =	vor.u32 s19, v0;
	s18 =	sadd.s32 s18, s24;
	[bflag:$0x0] =	sbarrier.arrive $0xFFFF  }
0x66: {  	v12 =	vmul.u32 $0x3, v8;
	s18 =	sshrl.u32 s18, $0x3;
	s20 =	rddreg [dreg:$0x3]  }
0x67: {  	s18 =	sadd.s32 s20, s18  }
0x68: {  	v14 =	vadd.s32 $0x2, v12;
	[tilespmem:s19], [sflag:$0x1] =	stream.linear.gather [hbm4b:s18+s19], $0x2580, $0x38;
	[tilespmem:$0x1AA00] =	vst v63  }
0x69: {  	s23 =	simm.s32 $0x0;
	v20 =	vadd.s32 $0x1, v12;
	_ =	swait.ge [sflag:s31], $0x2580  }
0x6a: {  	s21 =	sadd.s32 $0x0, s22;
	s18 =	simm.s32 $0x10;
	[sflag:s31] =	ssyncset.done $0x0  }
0x6b: {  	v8 =	vshll.u32 v8, $0x4;
	s20 =	sand.u32 $0xFFFFFF80, s23;
	s19 =	sand.u32 $0x70, s19;
	v15 =	vor.u32 s18, v0;
	[sflag:s31] =	ssyncadd.s32 $0xFFFFDA80  }
0x6c: {  	v11 =	vor.u32 $0x1, v8;
	v9 =	vor.u32 $0x2, v8;
	p0 =	slt.u32 s21, $0xC350;
	s19 =	sor.u32 s19, s20;
	v10 =	vmul.u32 $0x3, v15;
	v19 =	vld.idx.msk [tilespmem:v12+s2+$0x0], $0xffff  }
0x6d: {  	v16 =	vpsel !p0, $0x0, v3;
	v13 =	vor.u32 s19, v0;
	v17 =	vshll.u32 v15, $0x4;
	v18 =	vld.idx.msk [tilespmem:v14+s2+$0x0], $0xffff  }
0x6e: {  	s20 =	simm.s32 $0x2;
	s19 =	simm.s32 $0x1;
	v12 =	vor.u32 $0x3, v8;
	v14 =	vadd.s32 $0x1, v10;
	v15 =	vadd.s32 $0x2, v10;
	v20 =	vld.idx.msk [tilespmem:v20+s2+$0x0], $0xffff  }
.LBB2_3:
0x6f: {  	p0 =	sne.s32 s20, $0x67;
	s21 =	smov.u32 s20;
	s20 =	sadd.s32 $0x1, s20  }
0x70: {  	_ = 	snop  }
0x71: {  	[tilespmem:v8+s30+$0x0] =	vst.idx.msk $0xffff, v16;
	v8 =	vmov v17  }
0x72: {  	v17 =	vmul.f32 v19, v4;
	[tilespmem:v11+s30+$0x0] =	vst.idx.msk $0xffff, v19;
	v11 =	vor.u32 $0x1, v8  }
0x73: {  	s23 =	sadd.s32 s18, s22;
	v16 =	vor.u32 $0x2, v8;
	v19 =	vmul.f32 v18, v4  }
0x74: {  	p1 =	slt.u32 s23, $0xC350;
	v21 =	vor.u32 $0x3, v8;
	v22 =	vtrunc.f32 v17;
	v23 =	vmul.f32 v20, v4;
	[tilespmem:v9+s30+$0x0] =	vst.idx.msk $0xffff, v20;
	v9 =	vmovc v16  }
0x75: {  	v16 =	vpsel !p1, $0x0, v3;
	v20 =	vcvt.f32.s32 v22;
	vm0 =	vlt.f32 v17, v22;
	[tilespmem:v12+s30+$0x0] =	vst.idx.msk $0xffff, v18;
	v12 =	vmovc v21  }
0x76: {  	v17 =	vsel vm0, $0xFFFFFFFF, v2;
	v18 =	vtrunc.f32 v23;
	v21 =	vtrunc.f32 v19  }
0x77: {  	v22 =	vcvt.f32.s32 v18;
	vm0 =	vlt.f32 v23, v18;
	v18 =	vcvt.f32.s32 v21  }
0x78: {  	v17 =	vadd.s32 v20, v17;
	v20 =	vsel vm0, $0xFFFFFFFF, v2;
	vm0 =	vlt.f32 v19, v21  }
0x79: {  	v19 =	vadd.s32 v22, v20;
	v20 =	vsel vm0, $0xFFFFFFFF, v2  }
0x7a: {  	v17 =	vmul.u32 $0xF45D, v17;
	v18 =	vadd.s32 v18, v20;
	v19 =	vmul.u32 $0x409F, v19  }
0x7b: {  	s23 =	sshll.u32 s19, $0x4;
	s19 =	smov.u32 s21;
	v18 =	vmul.u32 $0xFFB7, v18  }
0x7c: {  	s21 =	sand.u32 $0x70, s18;
	s23 =	sand.u32 $0xFFFFFF80, s23;
	v17 =	vxor.u32 v17, v19  }
0x7d: {  	s18 =	sadd.s32 $0x10, s18;
	s21 =	sor.u32 s21, s23;
	v17 =	vxor.u32 v18, v17  }
.Ltmp0:
0x7e: {  	v19 =	vor.u32 s21, v0;
	v18 =	vor.u32 s18, v0;
	v17 =	vand.u32 $0xFFFF, v17;
	(pc) =	sbr.rel @p0 .LBB2_3-.Ltmp0, $4  }
0x7f: {  	v20 =	vmul.u32 $0x3, v18;
	[tilespmem:v13+s25+$0x0] =	vst.idx.msk $0xffff, v17;
	v13 =	vmov v19  }
0x80: {  	v17 =	vshll.u32 v18, $0x4;
	v19 =	vld.idx.msk [tilespmem:v10+s2+$0x0], $0xffff  }
0x81: {  	v21 =	vadd.s32 $0x1, v20;
	v10 =	vmov v20;
	v18 =	vld.idx.msk [tilespmem:v15+s2+$0x0], $0xffff;
	v15 =	vadd.s32 $0x2, v20  }
0x82: {  	v20 =	vld.idx.msk [tilespmem:v14+s2+$0x0], $0xffff;
	v14 =	vmov v21  }
0x83: {  	_ =	sdelay $0x1  }
0x84: {  	v21 =	vmul.f32 v19, v4  }
0x85: {  	v24 =	vmul.f32 v18, v4  }
0x86: {  	v22 =	vtrunc.f32 v21;
	v23 =	vmul.f32 v20, v4  }
0x87: {  	v54 =	vcvt.f32.s32 v22  }
0x88: {  	vm0 =	vlt.f32 v21, v22;
	v26 =	vtrunc.f32 v24;
	v25 =	vtrunc.f32 v23  }
0x89: {  	v55 =	vsel vm0, $0xFFFFFFFF, v2;
	vm11 =	vlt.f32 v23, v25;
	v56 =	vcvt.f32.s32 v25  }
0x8a: {  	vm12 =	vlt.f32 v24, v26;
	v58 =	vcvt.f32.s32 v26;
	v57 =	vsel vm11, $0xFFFFFFFF, v2  }
0x8b: {  	v21 =	vadd.s32 v54, v55;
	v60 =	vsel vm12, $0xFFFFFFFF, v2;
	v59 =	vadd.s32 v56, v57  }
0x8c: {  	v23 =	vadd.s32 v58, v60;
	v21 =	vmul.u32 $0xF45D, v21;
	v22 =	vmul.u32 $0x409F, v59  }
0x8d: {  	[tilespmem:v8+s30+$0x0] =	vst.idx.msk $0xffff, v16;
	v8 =	vmul.u32 $0xFFB7, v23  }
0x8e: {  	[tilespmem:v11+s30+$0x0] =	vst.idx.msk $0xffff, v19;
	v11 =	vxor.u32 v21, v22  }
0x8f: {  	[tilespmem:v9+s30+$0x0] =	vst.idx.msk $0xffff, v20;
	v8 =	vxor.u32 v8, v11  }
0x90: {  	[tilespmem:v12+s30+$0x0] =	vst.idx.msk $0xffff, v18;
	v8 =	vand.u32 $0xFFFF, v8  }
0x91: {  	[tilespmem:v13+s25+$0x0] =	vst.idx.msk $0xffff, v8  }
0x92: {  	v8 =	vld.idx.msk [tilespmem:v10+s2+$0x0], $0xffff  }
0x93: {  	v9 =	vld.idx.msk [tilespmem:v14+s2+$0x0], $0xffff  }
0x94: {  	s19 =	sshll.u32 s19, $0x4;
	v10 =	vld.idx.msk [tilespmem:v15+s2+$0x0], $0xffff  }
0x95: {  	s23 =	sand.u32 $0x70, s18;
	s19 =	sand.u32 $0xFFFFFF80, s19  }
0x96: {  	s20 =	sadd.s32 s18, s22;
	s18 =	sor.u32 s23, s19  }
0x97: {  	v19 =	vor.u32 s18, v0  }
0x98: {  	v12 =	vor.u32 $0x1, v17;
	v11 =	vmul.f32 v8, v4;
	v18 =	vmul.f32 v9, v4  }
0x99: {  	p0 =	slt.u32 s20, $0xC350;
	v13 =	vor.u32 $0x2, v17;
	v14 =	vor.u32 $0x3, v17;
	v20 =	vmul.f32 v10, v4  }
0x9a: {  	v15 =	vpsel !p0, $0x0, v3;
	v16 =	vtrunc.f32 v11;
	v61 =	vtrunc.f32 v18  }
0x9b: {  	v62 =	vtrunc.f32 v20;
	vm13 =	vlt.f32 v11, v16;
	v11 =	vcvt.f32.s32 v16  }
0x9c: {  	v63 =	vcvt.f32.s32 v61;
	vm14 =	vlt.f32 v18, v61;
	v18 =	vcvt.f32.s32 v62  }
0x9d: {  	vm15 =	vlt.f32 v20, v62;
	v16 =	vsel vm13, $0xFFFFFFFF, v2;
	v21 =	vsel vm14, $0xFFFFFFFF, v2  }
0x9e: {  	v20 =	vsel vm15, $0xFFFFFFFF, v2;
	v11 =	vadd.s32 v11, v16;
	v16 =	vadd.s32 v63, v21  }
0x9f: {  	v18 =	vadd.s32 v18, v20;
	v11 =	vmul.u32 $0xF45D, v11;
	v16 =	vmul.u32 $0x409F, v16  }
0xa0: {  	[tilespmem:v17+s30+$0x0] =	vst.idx.msk $0xffff, v15;
	v15 =	vmul.u32 $0xFFB7, v18  }
0xa1: {  	[tilespmem:v12+s30+$0x0] =	vst.idx.msk $0xffff, v8;
	v8 =	vxor.u32 v11, v16  }
0xa2: {  	[tilespmem:v13+s30+$0x0] =	vst.idx.msk $0xffff, v9;
	v8 =	vxor.u32 v15, v8  }
0xa3: {  	[tilespmem:v14+s30+$0x0] =	vst.idx.msk $0xffff, v10;
	v8 =	vand.u32 $0xFFFF, v8  }
0xa4: {  	[tilespmem:v19+s25+$0x0] =	vst.idx.msk $0xffff, v8  }
0xa5: {  	[spmem:s1] =	stream.indirect.scatter.add.f32 [tilespmem:s30], [sflag:$0x1], $0x10, s25, s5, $0xb8;
	[tilespmem:$0x1AA00] =	vst v63  }
0xa6: {  	_ =	swait.ge [sflag:s31], $0x800  }
0xa7: {  	[sflag:s31] =	ssyncset.done $0x0  }
0xa8: {  	s20 =	simm.s32 $0x2600;
	[sflag:s31] =	ssyncadd.s32 $0xFFFFF800  }
0xa9: {  	[spmem:s1] =	stream.indirect.scatter.add.f32 [tilespmem:s3], [sflag:$0x1], $0x10, s20, s5, $0xb8;
	[tilespmem:$0x1AA00] =	vst v63  }
0xaa: {  	_ =	swait.ge [sflag:s31], $0x800  }
0xab: {  	[sflag:s31] =	ssyncset.done $0x0  }
0xac: {  	s21 =	simm.s32 $0x2680;
	[sflag:s31] =	ssyncadd.s32 $0xFFFFF800  }
0xad: {  	[spmem:s1] =	stream.indirect.scatter.add.f32 [tilespmem:s4], [sflag:$0x1], $0x10, s21, s5, $0xb8;
	[tilespmem:$0x1AA00] =	vst v63  }
0xae: {  	_ =	swait.ge [sflag:s31], $0x800  }
0xaf: {  	[sflag:s31] =	ssyncset.done $0x0  }
0xb0: {  	s23 =	simm.s32 $0x2700;
	[sflag:s31] =	ssyncadd.s32 $0xFFFFF800  }
0xb1: {  	[spmem:s1] =	stream.indirect.scatter.add.f32 [tilespmem:s6], [sflag:$0x1], $0x10, s23, s5, $0xb8;
	[tilespmem:$0x1AA00] =	vst v63  }
0xb2: {  	_ =	swait.ge [sflag:s31], $0x800  }
0xb3: {  	[sflag:s31] =	ssyncset.done $0x0  }
0xb4: {  	s19 =	simm.s32 $0x2780;
	[sflag:s31] =	ssyncadd.s32 $0xFFFFF800  }
0xb5: {  	[spmem:s1] =	stream.indirect.scatter.add.f32 [tilespmem:s7], [sflag:$0x1], $0x10, s19, s5, $0xb8;
	[tilespmem:$0x1AA00] =	vst v63  }
0xb6: {  	_ =	swait.ge [sflag:s31], $0x800  }
0xb7: {  	[sflag:s31] =	ssyncset.done $0x0  }
0xb8: {  	s20 =	simm.s32 $0x2800;
	[sflag:s31] =	ssyncadd.s32 $0xFFFFF800  }
0xb9: {  	[spmem:s1] =	stream.indirect.scatter.add.f32 [tilespmem:s9], [sflag:$0x1], $0x10, s20, s5, $0xb8;
	[tilespmem:$0x1AA00] =	vst v63  }
0xba: {  	_ =	swait.ge [sflag:s31], $0x800  }
0xbb: {  	[sflag:s31] =	ssyncset.done $0x0  }
0xbc: {  	s21 =	simm.s32 $0x2880;
	[sflag:s31] =	ssyncadd.s32 $0xFFFFF800  }
0xbd: {  	[spmem:s1] =	stream.indirect.scatter.add.f32 [tilespmem:s10], [sflag:$0x1], $0x10, s21, s5, $0xb8;
	[tilespmem:$0x1AA00] =	vst v63  }
0xbe: {  	_ =	swait.ge [sflag:s31], $0x800  }
0xbf: {  	[sflag:s31] =	ssyncset.done $0x0  }
0xc0: {  	s23 =	simm.s32 $0x2900;
	[sflag:s31] =	ssyncadd.s32 $0xFFFFF800  }
0xc1: {  	[spmem:s1] =	stream.indirect.scatter.add.f32 [tilespmem:s11], [sflag:$0x1], $0x10, s23, s5, $0xb8;
	[tilespmem:$0x1AA00] =	vst v63  }
0xc2: {  	_ =	swait.ge [sflag:s31], $0x800  }
0xc3: {  	[sflag:s31] =	ssyncset.done $0x0  }
0xc4: {  	s19 =	simm.s32 $0x2980;
	[sflag:s31] =	ssyncadd.s32 $0xFFFFF800  }
0xc5: {  	[spmem:s1] =	stream.indirect.scatter.add.f32 [tilespmem:s12], [sflag:$0x1], $0x10, s19, s5, $0xb8;
	[tilespmem:$0x1AA00] =	vst v63  }
0xc6: {  	_ =	swait.ge [sflag:s31], $0x800  }
0xc7: {  	[sflag:s31] =	ssyncset.done $0x0  }
0xc8: {  	s20 =	simm.s32 $0x2A00;
	[sflag:s31] =	ssyncadd.s32 $0xFFFFF800  }
0xc9: {  	[spmem:s1] =	stream.indirect.scatter.add.f32 [tilespmem:s13], [sflag:$0x1], $0x10, s20, s5, $0xb8;
	[tilespmem:$0x1AA00] =	vst v63  }
0xca: {  	_ =	swait.ge [sflag:s31], $0x800  }
0xcb: {  	[sflag:s31] =	ssyncset.done $0x0  }
0xcc: {  	s21 =	simm.s32 $0x2A80;
	[sflag:s31] =	ssyncadd.s32 $0xFFFFF800  }
0xcd: {  	[spmem:s1] =	stream.indirect.scatter.add.f32 [tilespmem:s14], [sflag:$0x1], $0x10, s21, s5, $0xb8;
	[tilespmem:$0x1AA00] =	vst v63  }
0xce: {  	s23 =	simm.s32 $0x680;
	_ =	swait.ge [sflag:s31], $0x800  }
0xcf: {  	v8 =	vmov s23;
	[sflag:s31] =	ssyncset.done $0x0  }
0xd0: {  	v8 =	vmul.u32 $0x3, v8;
	s19 =	simm.s32 $0x2B00;
	[sflag:s31] =	ssyncadd.s32 $0xFFFFF800  }
0xd1: {  	[spmem:s1] =	stream.indirect.scatter.add.f32 [tilespmem:s15], [sflag:$0x1], $0x10, s19, s5, $0xb8;
	[tilespmem:$0x1AA00] =	vst v63  }
0xd2: {  	v8 =	vbroadcast v8, $0x0;
	_ =	swait.ge [sflag:s31], $0x800  }
0xd3: {  	s18 =	simm.s32 $0x0;
	[sflag:s31] =	ssyncset.done $0x0  }
0xd4: {  	v9 =	vadd.s32 v1, v8;
	s20 =	simm.s32 $0x2B80;
	s21 =	simm.s32 $0x9200;
	[sflag:s31] =	ssyncadd.s32 $0xFFFFF800  }
0xd5: {  	v10 =	vadd.s32 v5, v8;
	[spmem:s1] =	stream.indirect.scatter.add.f32 [tilespmem:s21], [sflag:$0x1], $0x10, s20, s5, $0xb8;
	[tilespmem:$0x1AA00] =	vst v63  }
0xd6: {  	v11 =	vmov s18;
	v8 =	vadd.s32 v6, v8;
	_ =	swait.ge [sflag:s31], $0x800  }
0xd7: {  	v11 =	vshll.u32 v11, $0x4;
	[sflag:s31] =	ssyncset.done $0x0  }
0xd8: {  	v14 =	vor.u32 v7, v11;
	s23 =	simm.s32 $0x0;
	[sflag:s31] =	ssyncadd.s32 $0xFFFFF800  }
0xd9: {  	v16 =	vor.u32 $0x1, v14;
	v20 =	vor.u32 $0x2, v14;
	v12 =	vmov s23;
	s23 =	simm.s32 $0x0;
	s20 =	sadd.s32 $0x0, s29;
	s21 =	simm.s32 $0x690;
	v13 =	vld.idx.msk [tilespmem:v9+s2+$0x0], $0xffff  }
0xda: {  	v11 =	vadd.s32 $0xD, v12;
	p5 =	slt.u32 s20, $0xC350;
	v9 =	vmov s23;
	v19 =	vld.idx.msk [tilespmem:v10+s2+$0x0], $0xffff;
	v10 =	vmov s21  }
0xdb: {  	v11 =	vshll.u32 v11, $0x7;
	s20 =	sand.u32 $0x70, s18;
	s18 =	simm.s32 $0x10;
	p0 =	por p5, p5;
	v8 =	vld.idx.msk [tilespmem:v8+s2+$0x0], $0xffff;
	v9 =	vadd.s32 $0xD, v9;
	v10 =	vmul.u32 $0x3, v10  }
0xdc: {  	v11 =	vor.u32 s20, v11;
	v15 =	vpsel !p0, $0x0, v3;
	s21 =	sand.u32 $0x70, s18;
	v12 =	vshll.u32 v9, $0x7  }
0xdd: {  	[tilespmem:v14+s30+$0x0] =	vst.idx.msk $0xffff, v15;
	v9 =	vbroadcast v11, $0x0;
	v11 =	vor.u32 s21, v12;
	v10 =	vbroadcast v10, $0x0  }
0xde: {  	s23 =	sadd.s32 $0x10, s29;
	v12 =	vbroadcast v11, $0x0;
	v15 =	vmul.f32 v13, v4;
	[tilespmem:v16+s30+$0x0] =	vst.idx.msk $0xffff, v13  }
0xdf: {  	p6 =	slt.u32 s23, $0xC350;
	v13 =	vadd.s32 v1, v10;
	v11 =	vadd.s32 v5, v10;
	v16 =	vmul.f32 v19, v4  }
0xe0: {  	s19 =	simm.s32 $0x2;
	p0 =	por p6, p6;
	v10 =	vadd.s32 v6, v10;
	v17 =	vmul.f32 v8, v4;
	[tilespmem:v20+s30+$0x0] =	vst.idx.msk $0xffff, v19;
	v18 =	vtrunc.f32 v15  }
.LBB2_5:
0xe1: {  	p1 =	sne.s32 s19, $0x5F;
	v19 =	vcvt.f32.s32 v18;
	v14 =	vor.u32 $0x3, v14;
	v20 =	vor.u32 v0, v9;
	v9 =	vmovc v12;
	s20 =	smov.u32 s19;
	s19 =	sadd.s32 $0x1, s19  }
0xe2: {  	vm0 =	vlt.f32 v15, v18;
	v12 =	vtrunc.f32 v16;
	v15 =	vtrunc.f32 v17  }
0xe3: {  	v18 =	vcvt.f32.s32 v12;
	vm1 =	vlt.f32 v16, v12;
	v12 =	vcvt.f32.s32 v15  }
0xe4: {  	v16 =	vsel vm0, $0xFFFFFFFF, v2;
	v21 =	vsel vm1, $0xFFFFFFFF, v2;
	vm0 =	vlt.f32 v17, v15  }
0xe5: {  	v15 =	vadd.s32 v19, v16;
	v16 =	vadd.s32 v18, v21;
	v17 =	vsel vm0, $0xFFFFFFFF, v2  }
0xe6: {  	v15 =	vmul.u32 $0xF45D, v15;
	v12 =	vadd.s32 v12, v17;
	v16 =	vmul.u32 $0x409F, v16  }
0xe7: {  	v12 =	vmul.u32 $0xFFB7, v12  }
0xe8: {  	v15 =	vxor.u32 v15, v16  }
0xe9: {  	v12 =	vxor.u32 v12, v15  }
0xea: {  	s20 =	sshrl.u32 s20, $0x3;
	v15 =	vmov s18;
	v12 =	vand.u32 $0xFFFF, v12;
	[tilespmem:v14+s30+$0x0] =	vst.idx.msk $0xffff, v8  }
0xeb: {  	v8 =	vmov s20;
	v14 =	vshll.u32 v15, $0x4;
	[tilespmem:v20+s25+$0x0] =	vst.idx.msk $0xffff, v12  }
0xec: {  	s18 =	sadd.s32 $0x10, s18;
	v8 =	vadd.s32 $0xD, v8;
	v14 =	vor.u32 v7, v14;
	v13 =	vld.idx.msk [tilespmem:v13+s2+$0x0], $0xffff  }
0xed: {  	s21 =	sadd.s32 s18, s29;
	s23 =	sand.u32 $0x70, s18;
	s20 =	sadd.s32 $0x680, s18;
	v8 =	vshll.u32 v8, $0x7;
	v19 =	vld.idx.msk [tilespmem:v11+s2+$0x0], $0xffff;
	v11 =	vor.u32 $0x1, v14  }
0xee: {  	p2 =	slt.u32 s21, $0xC350;
	v12 =	vmov s20;
	v15 =	vor.u32 s23, v8;
	v8 =	vld.idx.msk [tilespmem:v10+s2+$0x0], $0xffff  }
0xef: {  	v20 =	vor.u32 $0x2, v14;
	v10 =	vmul.u32 $0x3, v12;
	v12 =	vbroadcast v15, $0x0  }
.Ltmp1:
0xf0: {  	v15 =	vpsel !p0, $0x0, v3;
	p0 =	por p2, p2;
	(pc) =	sbr.rel @p1 .LBB2_5-.Ltmp1, $4  }
0xf1: {  	v10 =	vbroadcast v10, $0x0;
	[tilespmem:v14+s30+$0x0] =	vst.idx.msk $0xffff, v15  }
0xf2: {  	v15 =	vmul.f32 v13, v4;
	[tilespmem:v11+s30+$0x0] =	vst.idx.msk $0xffff, v13  }
0xf3: {  	v13 =	vadd.s32 v1, v10;
	v11 =	vadd.s32 v5, v10;
	v16 =	vmul.f32 v19, v4  }
0xf4: {  	v10 =	vadd.s32 v6, v10;
	v18 =	vtrunc.f32 v15;
	v17 =	vmul.f32 v8, v4;
	[tilespmem:v20+s30+$0x0] =	vst.idx.msk $0xffff, v19  }
0xf5: {  	v19 =	vcvt.f32.s32 v18;
	v14 =	vor.u32 $0x3, v14;
	v9 =	vor.u32 v0, v9  }
0xf6: {  	vm0 =	vlt.f32 v15, v18;
	v42 =	vtrunc.f32 v16;
	v43 =	vtrunc.f32 v17  }
0xf7: {  	v20 =	vcvt.f32.s32 v42;
	vm1 =	vlt.f32 v16, v42;
	v45 =	vsel vm0, $0xFFFFFFFF, v2  }
0xf8: {  	v44 =	vcvt.f32.s32 v43;
	v21 =	vsel vm1, $0xFFFFFFFF, v2;
	vm12 =	vlt.f32 v17, v43  }
0xf9: {  	v16 =	vadd.s32 v19, v45;
	v46 =	vadd.s32 v20, v21;
	v18 =	vsel vm12, $0xFFFFFFFF, v2  }
0xfa: {  	v16 =	vmul.u32 $0xF45D, v16;
	v15 =	vadd.s32 v44, v18;
	v17 =	vmul.u32 $0x409F, v46  }
0xfb: {  	v15 =	vmul.u32 $0xFFB7, v15  }
0xfc: {  	v16 =	vxor.u32 v16, v17  }
0xfd: {  	v15 =	vxor.u32 v15, v16  }
0xfe: {  	[tilespmem:v14+s30+$0x0] =	vst.idx.msk $0xffff, v8;
	v15 =	vand.u32 $0xFFFF, v15  }
0xff: {  	[tilespmem:v9+s25+$0x0] =	vst.idx.msk $0xffff, v15  }
0x100: {  	v8 =	vld.idx.msk [tilespmem:v13+s2+$0x0], $0xffff  }
0x101: {  	v9 =	vld.idx.msk [tilespmem:v11+s2+$0x0], $0xffff  }
0x102: {  	v10 =	vld.idx.msk [tilespmem:v10+s2+$0x0], $0xffff;
	_ =	sdelay $0x1  }
0x103: {  	v47 =	vmov s18  }
0x104: {  	v53 =	vpsel !p0, $0x0, v3;
	v12 =	vor.u32 v0, v12;
	v11 =	vshll.u32 v47, $0x4  }
0x105: {  	v11 =	vor.u32 v7, v11;
	v13 =	vmul.f32 v8, v4;
	v51 =	vmul.f32 v9, v4  }
0x106: {  	v48 =	vor.u32 $0x1, v11;
	v49 =	vor.u32 $0x2, v11;
	v54 =	vmul.f32 v10, v4  }
0x107: {  	v56 =	vor.u32 $0x3, v11;
	v50 =	vtrunc.f32 v13;
	v57 =	vtrunc.f32 v51  }
0x108: {  	v58 =	vtrunc.f32 v54;
	v52 =	vcvt.f32.s32 v50;
	vm13 =	vlt.f32 v13, v50  }
0x109: {  	vm14 =	vlt.f32 v51, v57;
	v59 =	vcvt.f32.s32 v57;
	vm15 =	vlt.f32 v54, v58  }
0x10a: {  	v60 =	vcvt.f32.s32 v58;
	v55 =	vsel vm13, $0xFFFFFFFF, v2;
	v61 =	vsel vm14, $0xFFFFFFFF, v2  }
0x10b: {  	v62 =	vsel vm15, $0xFFFFFFFF, v2;
	v18 =	vadd.s32 v52, v55;
	v17 =	vadd.s32 v59, v61  }
0x10c: {  	v16 =	vadd.s32 v60, v62;
	v18 =	vmul.u32 $0xF45D, v18;
	v17 =	vmul.u32 $0x409F, v17  }
0x10d: {  	[tilespmem:v11+s30+$0x0] =	vst.idx.msk $0xffff, v53;
	v63 =	vmul.u32 $0xFFB7, v16  }
0x10e: {  	[tilespmem:v48+s30+$0x0] =	vst.idx.msk $0xffff, v8;
	v8 =	vxor.u32 v18, v17  }
0x10f: {  	[tilespmem:v49+s30+$0x0] =	vst.idx.msk $0xffff, v9;
	v8 =	vxor.u32 v63, v8  }
0x110: {  	[tilespmem:v56+s30+$0x0] =	vst.idx.msk $0xffff, v10;
	v8 =	vand.u32 $0xFFFF, v8  }
0x111: {  	s20 =	simm.s32 $0x2C00;
	[tilespmem:v12+s25+$0x0] =	vst.idx.msk $0xffff, v8  }
0x112: {  	[spmem:s1] =	stream.indirect.scatter.add.f32 [tilespmem:s30], [sflag:$0x1], $0x10, s20, s5, $0xb8;
	[tilespmem:$0x1AA00] =	vst v63  }
0x113: {  	_ =	swait.ge [sflag:s31], $0x800  }
0x114: {  	[sflag:s31] =	ssyncset.done $0x0  }
0x115: {  	s21 =	simm.s32 $0x2C80;
	[sflag:s31] =	ssyncadd.s32 $0xFFFFF800  }
0x116: {  	[spmem:s1] =	stream.indirect.scatter.add.f32 [tilespmem:s3], [sflag:$0x1], $0x10, s21, s5, $0xb8;
	[tilespmem:$0x1AA00] =	vst v63  }
0x117: {  	_ =	swait.ge [sflag:s31], $0x800  }
0x118: {  	[sflag:s31] =	ssyncset.done $0x0  }
0x119: {  	s23 =	simm.s32 $0x2D00;
	[sflag:s31] =	ssyncadd.s32 $0xFFFFF800  }
0x11a: {  	[spmem:s1] =	stream.indirect.scatter.add.f32 [tilespmem:s4], [sflag:$0x1], $0x10, s23, s5, $0xb8;
	[tilespmem:$0x1AA00] =	vst v63  }
0x11b: {  	_ =	swait.ge [sflag:s31], $0x800  }
0x11c: {  	[sflag:s31] =	ssyncset.done $0x0  }
0x11d: {  	s19 =	simm.s32 $0x2D80;
	[sflag:s31] =	ssyncadd.s32 $0xFFFFF800  }
0x11e: {  	[spmem:s1] =	stream.indirect.scatter.add.f32 [tilespmem:s6], [sflag:$0x1], $0x10, s19, s5, $0xb8;
	[tilespmem:$0x1AA00] =	vst v63  }
0x11f: {  	_ =	swait.ge [sflag:s31], $0x800  }
0x120: {  	[sflag:s31] =	ssyncset.done $0x0  }
0x121: {  	s20 =	simm.s32 $0x2E00;
	[sflag:s31] =	ssyncadd.s32 $0xFFFFF800  }
0x122: {  	[spmem:s1] =	stream.indirect.scatter.add.f32 [tilespmem:s7], [sflag:$0x1], $0x10, s20, s5, $0xb8;
	[tilespmem:$0x1AA00] =	vst v63  }
0x123: {  	_ =	swait.ge [sflag:s31], $0x800  }
0x124: {  	[sflag:s31] =	ssyncset.done $0x0  }
0x125: {  	s21 =	simm.s32 $0x2E80;
	[sflag:s31] =	ssyncadd.s32 $0xFFFFF800  }
0x126: {  	[spmem:s1] =	stream.indirect.scatter.add.f32 [tilespmem:s9], [sflag:$0x1], $0x10, s21, s5, $0xb8;
	[tilespmem:$0x1AA00] =	vst v63  }
0x127: {  	_ =	swait.ge [sflag:s31], $0x800  }
0x128: {  	[sflag:s31] =	ssyncset.done $0x0  }
0x129: {  	s23 =	simm.s32 $0x2F00;
	[sflag:s31] =	ssyncadd.s32 $0xFFFFF800  }
0x12a: {  	[spmem:s1] =	stream.indirect.scatter.add.f32 [tilespmem:s10], [sflag:$0x1], $0x10, s23, s5, $0xb8;
	[tilespmem:$0x1AA00] =	vst v63  }
0x12b: {  	_ =	swait.ge [sflag:s31], $0x800  }
0x12c: {  	[sflag:s31] =	ssyncset.done $0x0  }
0x12d: {  	s19 =	simm.s32 $0x2F80;
	[sflag:s31] =	ssyncadd.s32 $0xFFFFF800  }
0x12e: {  	[spmem:s1] =	stream.indirect.scatter.add.f32 [tilespmem:s11], [sflag:$0x1], $0x10, s19, s5, $0xb8;
	[tilespmem:$0x1AA00] =	vst v63  }
0x12f: {  	_ =	swait.ge [sflag:s31], $0x800  }
0x130: {  	[sflag:s31] =	ssyncset.done $0x0  }
0x131: {  	s20 =	simm.s32 $0x3000;
	[sflag:s31] =	ssyncadd.s32 $0xFFFFF800  }
0x132: {  	[spmem:s1] =	stream.indirect.scatter.add.f32 [tilespmem:s12], [sflag:$0x1], $0x10, s20, s5, $0xb8;
	[tilespmem:$0x1AA00] =	vst v63  }
0x133: {  	_ =	swait.ge [sflag:s31], $0x800  }
0x134: {  	[sflag:s31] =	ssyncset.done $0x0  }
0x135: {  	s21 =	simm.s32 $0x3080;
	[sflag:s31] =	ssyncadd.s32 $0xFFFFF800  }
0x136: {  	[spmem:s1] =	stream.indirect.scatter.add.f32 [tilespmem:s13], [sflag:$0x1], $0x10, s21, s5, $0xb8;
	[tilespmem:$0x1AA00] =	vst v63  }
0x137: {  	_ =	swait.ge [sflag:s31], $0x800  }
0x138: {  	[sflag:s31] =	ssyncset.done $0x0  }
0x139: {  	s23 =	simm.s32 $0x3100;
	[sflag:s31] =	ssyncadd.s32 $0xFFFFF800  }
0x13a: {  	[spmem:s1] =	stream.indirect.scatter.add.f32 [tilespmem:s14], [sflag:$0x1], $0x10, s23, s5, $0xb8;
	[tilespmem:$0x1AA00] =	vst v63  }
0x13b: {  	_ =	swait.ge [sflag:s31], $0x800  }
0x13c: {  	[sflag:s31] =	ssyncset.done $0x0  }
0x13d: {  	s19 =	simm.s32 $0x3180;
	[sflag:s31] =	ssyncadd.s32 $0xFFFFF800  }
0x13e: {  	[spmem:s1] =	stream.indirect.scatter.add.f32 [tilespmem:s15], [sflag:$0x1], $0x10, s19, s5, $0xb8;
	[tilespmem:$0x1AA00] =	vst v63  }
0x13f: {  	_ =	swait.ge [sflag:s31], $0x800  }
0x140: {  	s17 =	sshll.u32 s17, $0x14;
	s16 =	sadd.s32 $0x1, s16;
	[sflag:s31] =	ssyncset.done $0x0  }
0x141: {  	p0 =	sne.s32 s16, $0x4;
	s20 =	rddreg [dreg:$0x5];
	[sflag:s31] =	ssyncadd.s32 $0xFFFFF800  }
0x142: {  	s21 =	stileid.u32;
	s17 =	sor.u32 s20, s17;
	[bflag:$0x0] =	sbarrier.arrive $0xFFFF  }
0x143: {  	s18 =	sshll.u32 s21, $0x6;
	s17 =	sshrl.u32 s17, $0x3;
	s19 =	rddreg [dreg:$0x6]  }
0x144: {  	s18 =	sor.u32 $0x1C01, s18;
	s23 =	sshrl.u32 s8, $0x3;
	s17 =	sadd.s32 s19, s17  }
0x145: {  	[hbm:s17], [sflag:s18] =	dma.local [spmem:s23], $0x2000  }
.Ltmp2:
0x146: {  	_ =	swait.ge [sflag:s31], $0x2000;
	(pc) =	sbr.rel @p0 .LBB2_2-.Ltmp2, $3  }
0x147: {  	[sflag:s31] =	ssyncset.done $0x0  }
0x148: {  	[sflag:s31] =	ssyncadd.s32 $0xFFFFE000  }
0x149: {  	[bflag:$0x0] =	sbarrier.arrive $0xFFFF;
	_ =	sdelay $0x1  }
0x14a: {  	s17 =	rddreg [dreg:$0x16]  }
0x14b: {  	s16 =	rddreg [dreg:$0x15];
	s17 =	sadd.s32 $0x1, s17  }
0x14c: {  	p0 =	sne.s32 s17, s16  }
.Ltmp3:
0x14d: {  	_ = 	snop;
	(pc) =	sbr.rel @p0 .LBB2_1-.Ltmp3, $1  }
0x14e: {  	_ =	sdelay $0x3  }
0x14f: {  	_ =	sfence.sel $0x180000  }
0x150: {  	[bflag:$0x0] =	sbarrier.arrive $0xFFFF  }
0x151: {  	_ =	strace $0x9000004A  }
0x152: {  	s0 =	stileid.u32;
	[bflag:$0x2] =	sbarrier.arrive $0xFFFF  }
0x153: {  	p0 =	sne.s32 s0, $0x0;
	s0 =	rddreg [dreg:$0x2]  }
0x154: {  	s0 =	sadd.s32 @!p0 $0x100000, s0  }
0x155: {  	[sflag:s0] =	ssyncadd.tile.s32 @!p0 $0x1;
	_ =	shalt  }
.Lfunc_end2:
_tile_overlayer_lowered:
.L_overlay_start_2:
0x156: {  	(tag) =	ssettag $0x2  }
0x157: {  	s0 =	rddreg [dreg:$0x0];
	s2 =	stileid.u32  }
0x158: {  	s1 =	rddreg [dreg:$0x1];
	p0 =	sne.s32 s2, $0x0  }
0x159: {  	s3 =	rddreg [dreg:$0x2];
	[bflag:$0x3] =	sbarrier.arrive $0xFFFF;
	s2 =	simm.s32 @!p0 $0x1C01  }
0x15a: {  	[timem:s3], [sflag:s2] =	dma.local @!p0 [hbm:s0], s1  }
0x15b: {  	s0 =	simm.s32 @!p0 $0x1  }
0x15c: {  	_ =	swait.ge @!p0 [sflag:s0], s1  }
0x15d: {  	s1 =	ssub.s32 @!p0 $0x0, s1;
	[sflag:s0] =	ssyncset.done @!p0 $0x0  }
0x15e: {  	[sflag:s0] =	ssyncadd.s32 @!p0 s1  }
0x15f: {  	[bflag:$0x3] =	sbarrier.arrive $0xFFFF  }
0x160: {  	_ =	shalt  }

// kernel: kernel.7.cloned.1.call-start
scs
__scs_entry_jumppad:
0x0: {  	(pc) =	sbr.rel $0x88, $3  }
0x1: {  	(tag) =	ssettag $0x0;
	lr =	simm.s32 $0x1  }
0x2: {  	[smem:$0x3F98] =	sst lr;
	_ =	strace $0xD0000000  }
0x3: {  	_ = 	snop  }
0x4: {  	_ = 	snop  }
0x5: {  	_ = 	snop  }
0x6: {  	_ = 	snop  }
0x7: {  	_ = 	snop  }
__scs_overlays_trampoline_lowered:
0x8: {  	[smem:$0x3FA7] =	sst s0  }
0x9: {  	[smem:$0x3FA8] =	sst s1  }
0xa: {  	[smem:$0x3FA9] =	sst s2  }
0xb: {  	[smem:$0x3FAA] =	sst s3  }
0xc: {  	[smem:$0x3FAB] =	sst s4  }
0xd: {  	[smem:$0x3FAC] =	sst s5  }
0xe: {  	[smem:$0x3FAD] =	sst s6  }
0xf: {  	[smem:$0x3FAE] =	sst s7  }
0x10: {  	[smem:$0x3FAF] =	sst s8  }
0x11: {  	[smem:$0x3FB0] =	sst s9;
	s0 =	simm.s32 @!p0 $0x0  }
0x12: {  	s1 =	sld [smem:$0x3F96];
	s0 =	simm.s32 @p0 $0x1  }
0x13: {  	[smem:$0x3FB1] =	sst s0;
	s0 =	simm.s32 @!p1 $0x0  }
0x14: {  	s2 =	sld [smem:$0x3F95];
	s0 =	simm.s32 @p1 $0x1  }
0x15: {  	[smem:$0x3FB2] =	sst s0;
	s0 =	simm.s32 @!p2 $0x0  }
0x16: {  	s3 =	sld [smem:$0x3FDB];
	s0 =	simm.s32 @p2 $0x1  }
0x17: {  	s4 =	simm.s32 $0x1BF5;
	[smem:$0x3FB4] =	sst s0  }
0x18: {  	s0 =	sld [smem:$0x3F97];
	_ =	swait.ge [sflag:s4], $0x0  }
0x19: {  	s7 =	sld [smem:$0x3F98]  }
0x1a: {  	s8 =	sadd.s32 $0xFFFFE003, lr  }
0x1b: {  	s9 =	sadd.s32 $0xFFFFFEF7, lr;
	s5 =	simm.s32 $0xFFFFFFFF;
	p2 =	slt.u32 s8, $0xFFFFF086  }
0x1c: {  	p1 =	slt.u32 s9, $0xF7A;
	s5 =	simm.s32 @!p2 $0x0  }
0x1d: {  	s5 =	simm.s32 @p1 $0x1;
	p0 =	seq.s32 s7, s2  }
0x1e: {  	s7 =	smul.u32 @!p0 $0xF7A, s2;
	p2 =	seq.s32 @!p0 s5, $0x0  }
0x1f: {  	s9 =	smul.u32 $0xF7A, s1;
	s8 =	simm.s32 @!p0 $0x1BF5;
	p2 =	por !p2, p0  }
0x20: {  	[sflag:s8] =	ssyncset.s32 @!p0 $0xFFFFF086;
	s6 =	sadd.s32 @!p0 s3, s7;
	s7 =	simm.s32 @!p0 $0x108  }
0x21: {  	s3 =	sadd.s32 s3, s9;
	s6 =	sadd.s32 @!p0 $0x88, s6;
	s7 =	simm.s32 @p2 $0x1082  }
0x22: {  	[simem:s7], [sflag:s8] =	dma.local @!p0 [hbm:s6], $0xF7A  }
0x23: {  	s9 =	sor.u32 $0xD0000000, s2;
	s6 =	simm.s32 $0x108;
	_ =	swait.ge @!p0 [sflag:s8], $0x0  }
0x24: {  	s3 =	sadd.s32 $0x88, s3;
	s6 =	simm.s32 @!p1 $0x1082;
	[sflag:s4] =	ssyncset.s32 $0xFFFFF086  }
0x25: {  	[simem:s6], [sflag:s4] =	dma.local [hbm:s3], $0xF7A  }
0x26: {  	[smem:$0x3F98] =	sst s1;
	(tag) =	ssettag s2;
	_ =	strace s9  }
0x27: {  	s1 =	sld [smem:$0x3FA8]  }
0x28: {  	s2 =	sld [smem:$0x3FA9]  }
0x29: {  	s4 =	sld [smem:$0x3FAB]  }
0x2a: {  	p0 =	seq.s32 s5, $0x0;
	s5 =	sld [smem:$0x3FAC]  }
0x2b: {  	s6 =	sld [smem:$0x3FAD]  }
0x2c: {  	s7 =	sld [smem:$0x3FAE]  }
0x2d: {  	s3 =	simm.s32 $0x108;
	s8 =	sld [smem:$0x3FAF]  }
0x2e: {  	s3 =	simm.s32 @!p0 $0x1082;
	s9 =	sld [smem:$0x3FB0]  }
0x2f: {  	lr =	sadd.s32 s0, s3;
	s0 =	sld [smem:$0x3FA7]  }
0x30: {  	s3 =	sld [smem:$0x3FAA]  }
0x31: {  	[smem:$0x3FB3] =	sst s10  }
0x32: {  	s10 =	sld [smem:$0x3FB1];
	_ =	sdelay $0x3  }
0x33: {  	p0 =	seq.s32 s10, $0x1;
	s10 =	sld [smem:$0x3FB3];
	_ =	sdelay $0x3  }
0x34: {  	[smem:$0x3FB3] =	sst s10  }
0x35: {  	s10 =	sld [smem:$0x3FB2];
	_ =	sdelay $0x3  }
0x36: {  	p1 =	seq.s32 s10, $0x1;
	s10 =	sld [smem:$0x3FB3];
	_ =	sdelay $0x3  }
0x37: {  	[smem:$0x3FB3] =	sst s10  }
0x38: {  	s10 =	sld [smem:$0x3FB4]  }
0x39: {  	_ = 	snop;
	(pc) =	sbr.ind lr, $3  }
0x3a: {  	_ = 	snop  }
0x3b: {  	_ = 	snop  }
0x3c: {  	p2 =	seq.s32 s10, $0x1;
	s10 =	sld [smem:$0x3FB3]  }
0x3d: {  	_ =	shalt  }
0x3e: {  	_ =	shalt  }
0x3f: {  	_ =	shalt  }
0x40: {  	_ =	shalt  }
0x41: {  	_ =	shalt  }
0x42: {  	_ =	shalt  }
0x43: {  	_ =	shalt  }
0x44: {  	_ =	shalt  }
0x45: {  	_ =	shalt  }
0x46: {  	_ =	shalt  }
0x47: {  	_ =	shalt  }
0x48: {  	_ =	shalt  }
0x49: {  	_ =	shalt  }
0x4a: {  	_ =	shalt  }
0x4b: {  	_ =	shalt  }
0x4c: {  	_ =	shalt  }
0x4d: {  	_ =	shalt  }
0x4e: {  	_ =	shalt  }
0x4f: {  	_ =	shalt  }
0x50: {  	_ =	shalt  }
0x51: {  	_ =	shalt  }
0x52: {  	_ =	shalt  }
0x53: {  	_ =	shalt  }
0x54: {  	_ =	shalt  }
0x55: {  	_ =	shalt  }
0x56: {  	_ =	shalt  }
0x57: {  	_ =	shalt  }
0x58: {  	_ =	shalt  }
0x59: {  	_ =	shalt  }
0x5a: {  	_ =	shalt  }
0x5b: {  	_ =	shalt  }
0x5c: {  	_ =	shalt  }
0x5d: {  	_ =	shalt  }
0x5e: {  	_ =	shalt  }
0x5f: {  	_ =	shalt  }
0x60: {  	_ =	shalt  }
0x61: {  	_ =	shalt  }
0x62: {  	_ =	shalt  }
0x63: {  	_ =	shalt  }
0x64: {  	_ =	shalt  }
0x65: {  	_ =	shalt  }
0x66: {  	_ =	shalt  }
0x67: {  	_ =	shalt  }
0x68: {  	_ =	shalt  }
0x69: {  	_ =	shalt  }
0x6a: {  	_ =	shalt  }
0x6b: {  	_ =	shalt  }
0x6c: {  	_ =	shalt  }
0x6d: {  	_ =	shalt  }
0x6e: {  	_ =	shalt  }
0x6f: {  	_ =	shalt  }
0x70: {  	_ =	shalt  }
0x71: {  	_ =	shalt  }
0x72: {  	_ =	shalt  }
0x73: {  	_ =	shalt  }
0x74: {  	_ =	shalt  }
0x75: {  	_ =	shalt  }
0x76: {  	_ =	shalt  }
0x77: {  	_ =	shalt  }
0x78: {  	_ =	shalt  }
0x79: {  	_ =	shalt  }
0x7a: {  	_ =	shalt  }
0x7b: {  	_ =	shalt  }
0x7c: {  	_ =	shalt  }
0x7d: {  	_ =	shalt  }
0x7e: {  	_ =	shalt  }
0x7f: {  	_ =	shalt  }
0x80: {  	_ =	shalt  }
0x81: {  	_ =	shalt  }
0x82: {  	_ =	shalt  }
0x83: {  	_ =	shalt  }
0x84: {  	_ =	shalt  }
0x85: {  	_ =	shalt  }
0x86: {  	_ =	shalt  }
0x87: {  	_ =	shalt  }
.Lfunc_end0:
.L_simem_size_0:
called_computation_lowered:
.L_overlay_start_0:
0x88: {  	s2 =	sld [smem:$0x3FD9]  }
0x89: {  	s3 =	sld [smem:$0x3FFE];
	_ =	sdelay $0x1  }
0x8a: {  	s1 =	srdreg.scid  }
0x8b: {  	s0 =	sand.u32 $0x1, s1  }
0x8c: {  	s16 =	sshll.u32 s0, $0xA;
	s2 =	sadd.s32 s3, s2  }
0x8d: {  	s2 =	sadd.s32 s2, s16  }
0x8e: {  	[smem:$0x3FBF] =	sst s2  }
0x8f: {  	_ = 	snop  }
0x90: {  	(tm) =	ssettm $0x1  }
0x91: {  	s17 =	sld [smem:$0x3FFB];
	_ =	sdelay $0x3  }
0x92: {  	_ =	strace s17  }
0x93: {  	s2 =	sld [smem:$0x3FFC];
	_ =	sdelay $0x3  }
0x94: {  	_ =	strace s2  }
0x95: {  	s2 =	sld [smem:$0x3FFD];
	_ =	sdelay $0x3  }
0x96: {  	_ =	strace s2  }
0x97: {  	_ =	strace $0x8FFFFFFF  }
0x98: {  	s18 =	sld [smem:$0x3FDB];
	_ =	sdelay $0x1  }
0x99: {  	s19 =	simm.s32 $_scs_section_size  }
0x9a: {  	s4 =	simm.s32 $_size__tile_overlayer_lowered;
	s5 =	simm.s32 $_tile_overlayer_lowered  }
0x9b: {  	s22 =	simm.s32 $0x1BFF;
	s21 =	sshll.u32 s5, $0x1;
	s2 =	sadd.s32 s19, s18  }
0x9c: {  	s6 =	simm.s32 $0x0;
	s20 =	sshll.u32 s4, $0x1;
	s4 =	sadd.s32 s21, s2  }
0x9d: {  	[timem:s6], [sflag:s22] =	dma.local [hbm:s4], s20  }
0x9e: {  	_ =	swait.ge [sflag:s22], s20  }
0x9f: {  	s3 =	ssub.s32 $0x0, s20;
	[sflag:s22] =	ssyncset.done $0x0  }
0xa0: {  	[sflag:s22] =	ssyncadd.s32 s3;
	_ =	sdelay $0x1  }
0xa1: {  	s23 =	simm.s32 $0x1B8B  }
0xa2: {  	_ =	swait.ge [sflag:s23], $0x1  }
0xa3: {  	[sflag:s23] =	ssyncset.done $0x0  }
0xa4: {  	s25 =	simm.s32 $0x1B8E;
	s24 =	sld [smem:$0x3FFE];
	[sflag:s23] =	ssyncadd.s32 $0xFFFFFFFF  }
0xa5: {  	s26 =	simm.s32 $execute0_lowered;
	[smem:$0x3FD2] =	sst s25  }
0xa6: {  	s4 =	sshll.u32 s26, $0x1;
	_ =	strace $0x80000046;
	[dreg:$0x1] =	wrdreg $0xFFFFFFFF  }
0xa7: {  	s28 =	simm.s32 $_size_execute0_lowered;
	s2 =	sadd.s32 s2, s4;
	[dreg:$0x0] =	wrdreg $0x0  }
0xa8: {  	s4 =	sshll.u32 s28, $0x1;
	[dreg:$0x2] =	wrdreg s2  }
0xa9: {  	[dreg:$0x3] =	wrdreg s4  }
0xaa: {  	[dreg:$0x4] =	wrdreg $0xC0  }
0xab: {  	_ =	task [dreg:s6], $0x5FFFF  }
0xac: {  	[dreg:$0x1] =	wrdreg $0xFFFFFFFF  }
0xad: {  	[dreg:$0x0] =	wrdreg $0x60  }
0xae: {  	[dreg:$0x2] =	wrdreg s24  }
0xaf: {  	[dreg:$0x3] =	wrdreg $0xAA000  }
0xb0: {  	[dreg:$0x4] =	wrdreg $0x9  }
0xb1: {  	_ =	task.clear_ibuf [dreg:s6], $0x5FFFF;
	_ =	strace $0x90000046  }
0xb2: {  	s29 =	simm.s32 $0x9;
	_ =	strace $0x80000048  }
0xb3: {  	_ =	swait.ge [sflag:s29], $0x1  }
0xb4: {  	[sflag:s29] =	ssyncadd.s32 $0xFFFFFFFF  }
0xb5: {  	_ =	strace $0x90000048  }
0xb6: {  	_ =	sfence  }
0xb7: {  	s30 =	sld [smem:$0x0];
	_ =	sdelay $0x2  }
0xb8: {  	s31 =	sshll.u32 s1, $0xD;
	s1 =	sshrl.u32 s1, $0x2  }
0xb9: {  	s3 =	sand.u32 $0x4000, s31;
	s1 =	sadd.s32 s1, s30  }
0xba: {  	s0 =	sor.u32 s3, s0;
	s1 =	sshll.u32 s1, $0x11  }
0xbb: {  	s0 =	sor.u32 s1, s0  }
0xbc: {  	s0 =	sadd.s32 $0x8F2B, s0  }
0xbd: {  	[sflag:s0] =	ssyncadd.remote.s32 $0x1  }
0xbe: {  	_ =	sfence.sel $0xFFFF  }
0xbf: {  	[dreg:$0x0] =	wrdreg $0xFFFFFFFF;
	(pc) =	sbr.abs _section_cstart, $3  }
0xc0: {  	[dreg:$0x1] =	wrdreg $0xFFFFFFFF  }
0xc1: {  	_ =	task.clear_ibuf [dreg:s6], $0x2FFFF;
	_ =	strace $0x9FFFFFFF  }
0xc2: {  	(tm) =	ssettm $0x7FFFFFFF  }
0xc3: {  	_ =	shalt  }
tec
execute0_lowered:
.L_overlay_start_1:
0x0: {  	(tag) =	ssettag $0x1  }
0x1: {  	s0 =	rddreg [dreg:$0x0]  }
0x2: {  	s1 =	rddreg [dreg:$0x1];
	s2 =	simm.s32 $0x0;
	s3 =	srdreg.scid  }
0x3: {  	s5 =	stileid.u32;
	[smem:$0x7FF] =	sst s2;
	s4 =	sadd.s32 $0x1A00, s0  }
0x4: {  	s11 =	sadd.s32 $0x4CA00, s0;
	_ =	strace $0x80000047;
	[dreg:$0x3] =	wrdreg s4  }
0x5: {  	s3 =	sand.u32 $0x1, s3;
	s0 =	sadd.s32 $0x4D800, s0;
	[dreg:$0x4] =	wrdreg s11  }
0x6: {  	s6 =	sshll.u32 s5, $0x10;
	s12 =	ssub.s32 $0x2, s3;
	[dreg:$0x6] =	wrdreg s0  }
0x7: {  	[dreg:$0x5] =	wrdreg s6;
	s8 =	sadd.s32 s6, s1;
	s3 =	sshll.u32 s3, $0x2  }
0x8: {  	[dreg:$0x7] =	wrdreg s3;
	s14 =	sadd.s32 $0x1000, s8  }
0x9: {  	s30 =	simm.s32 $0x3200;
	s15 =	sadd.s32 $0x2000, s8;
	[dreg:$0x8] =	wrdreg s14  }
0xa: {  	s31 =	simm.s32 $0x1;
	s16 =	sadd.s32 $0x3000, s8;
	[dreg:$0x9] =	wrdreg s15  }
0xb: {  	s7 =	simm.s32 $0x5200;
	s17 =	sadd.s32 $0x4000, s8;
	[dreg:$0xa] =	wrdreg s16  }
0xc: {  	s9 =	simm.s32 $0x5A00;
	s18 =	sadd.s32 $0x5000, s8;
	[dreg:$0xb] =	wrdreg s17  }
0xd: {  	s10 =	simm.s32 $0x6200;
	s19 =	sadd.s32 $0x6000, s8;
	[dreg:$0xc] =	wrdreg s18  }
0xe: {  	s28 =	smul.u32 $0x2580, s5;
	s20 =	sadd.s32 $0x7000, s8;
	[dreg:$0xd] =	wrdreg s19  }
0xf: {  	v0 =	vimm.f32 $9.999999770e-03;
	s4 =	simm.s32 $0x4200;
	s21 =	sadd.s32 $0x8000, s8;
	[dreg:$0xe] =	wrdreg s20  }
0x10: {  	s6 =	simm.s32 $0x4A00;
	s22 =	sadd.s32 $0x9000, s8;
	(erf) = vrcp.f32 v0;
	[dreg:$0xf] =	wrdreg s21  }
0x11: {  	s11 =	simm.s32 $0x6A00;
	s23 =	sadd.s32 $0xA000, s8;
	[dreg:$0x10] =	wrdreg s22  }
0x12: {  	s13 =	sshrl.u32 s12, $0x1;
	s24 =	sadd.s32 $0xB000, s8;
	[dreg:$0x11] =	wrdreg s23  }
0x13: {  	s25 =	sadd.s32 $0xC000, s8;
	s26 =	sadd.s32 $0xD000, s8;
	[dreg:$0x12] =	wrdreg s24  }
0x14: {  	s3 =	simm.s32 $0x3A00;
	s0 =	ssub.s32 s12, s13;
	[dreg:$0x13] =	wrdreg s25  }
0x15: {  	s22 =	smul.u32 $0xC80, s5;
	[dreg:$0x14] =	wrdreg s26;
	s24 =	sadd.s32 $0xE000, s8  }
0x16: {  	v0 =	vlaneseq.u32;
	s26 =	sadd.s32 $0xF000, s8;
	s25 =	simm.s32 $0x2580;
	s5 =	simm.s32 $0x80  }
0x17: {  	s12 =	simm.s32 $0x7200;
	s13 =	simm.s32 $0x7A00;
	s14 =	simm.s32 $0x8200;
	v1 =	vmul.u32 $0x3, v0  }
0x18: {  	v2 =	vimm.s32 $0x0;
	v3 =	vimm.f32 $1.000000000e+00;
	s15 =	simm.s32 $0x8A00;
	s17 =	simm.s32 $0x0;
	s0 =	smax.u32 s0, $0x1  }
0x19: {  	v7 =	vmul.u32 $0x10, v0;
	[dreg:$0x15] =	wrdreg s0;
	s29 =	sadd.s32 $0x680, s22;
	s0 =	simm.s32 $0x9A00;
	v5 =	vadd.s32 $0x1, v1;
	v6 =	vadd.s32 $0x2, v1;
	v4 =	vpop (erf)  }
.LBB2_1:
0x1a: {  	[dreg:$0x16] =	wrdreg s17  }
0x1b: {  	s16 =	rddreg [dreg:$0x4]  }
0x1c: {  	[tilespmem:s30], [sflag:$0x1] =	stream.linear.gather [hbm4b:s16+s2], $0x6800, $0x38;
	[tilespmem:$0x1AA00] =	vst v63  }
0x1d: {  	_ =	swait.ge [sflag:s31], $0x6800  }
0x1e: {  	[sflag:s31] =	ssyncset.done $0x0  }
0x1f: {  	[sflag:s31] =	ssyncadd.s32 $0xFFFF9800  }
0x20: {  	[tilespmem:s0], [sflag:$0x1] =	stream.linear.gather [hbm4b:s16+s2], $0x1000, $0x38;
	[tilespmem:$0x1AA00] =	vst v63  }
0x21: {  	_ =	swait.ge [sflag:s31], $0x1000  }
0x22: {  	[sflag:s31] =	ssyncset.done $0x0  }
0x23: {  	s16 =	simm.s32 $0x0;
	[sflag:s31] =	ssyncadd.s32 $0xFFFFF000  }
.LBB2_2:
0x24: {  	[spmem:s8] =	stream.linear.scatter [tilespmem:s0], [sflag:$0x1], $0x1000, $0x38;
	[tilespmem:$0x1AA00] =	vst v63  }
0x25: {  	_ =	swait.ge [sflag:s31], $0x1000  }
0x26: {  	[sflag:s31] =	ssyncset.done $0x0  }
0x27: {  	s17 =	rddreg [dreg:$0x8];
	[sflag:s31] =	ssyncadd.s32 $0xFFFFF000  }
0x28: {  	[spmem:s17] =	stream.linear.scatter [tilespmem:s0], [sflag:$0x1], $0x1000, $0x38;
	[tilespmem:$0x1AA00] =	vst v63  }
0x29: {  	_ =	swait.ge [sflag:s31], $0x1000  }
0x2a: {  	[sflag:s31] =	ssyncset.done $0x0  }
0x2b: {  	s19 =	rddreg [dreg:$0x9];
	[sflag:s31] =	ssyncadd.s32 $0xFFFFF000  }
0x2c: {  	[spmem:s19] =	stream.linear.scatter [tilespmem:s0], [sflag:$0x1], $0x1000, $0x38;
	[tilespmem:$0x1AA00] =	vst v63  }
0x2d: {  	_ =	swait.ge [sflag:s31], $0x1000  }
0x2e: {  	[sflag:s31] =	ssyncset.done $0x0  }
0x2f: {  	s20 =	rddreg [dreg:$0xa];
	[sflag:s31] =	ssyncadd.s32 $0xFFFFF000  }
0x30: {  	[spmem:s20] =	stream.linear.scatter [tilespmem:s0], [sflag:$0x1], $0x1000, $0x38;
	[tilespmem:$0x1AA00] =	vst v63  }
0x31: {  	_ =	swait.ge [sflag:s31], $0x1000  }
0x32: {  	[sflag:s31] =	ssyncset.done $0x0  }
0x33: {  	s21 =	rddreg [dreg:$0xb];
	[sflag:s31] =	ssyncadd.s32 $0xFFFFF000  }
0x34: {  	[spmem:s21] =	stream.linear.scatter [tilespmem:s0], [sflag:$0x1], $0x1000, $0x38;
	[tilespmem:$0x1AA00] =	vst v63  }
0x35: {  	_ =	swait.ge [sflag:s31], $0x1000  }
0x36: {  	[sflag:s31] =	ssyncset.done $0x0  }
0x37: {  	s23 =	rddreg [dreg:$0xc];
	[sflag:s31] =	ssyncadd.s32 $0xFFFFF000  }
0x38: {  	[spmem:s23] =	stream.linear.scatter [tilespmem:s0], [sflag:$0x1], $0x1000, $0x38;
	[tilespmem:$0x1AA00] =	vst v63  }
0x39: {  	_ =	swait.ge [sflag:s31], $0x1000  }
0x3a: {  	[sflag:s31] =	ssyncset.done $0x0  }
0x3b: {  	s18 =	rddreg [dreg:$0xd];
	[sflag:s31] =	ssyncadd.s32 $0xFFFFF000  }
0x3c: {  	[spmem:s18] =	stream.linear.scatter [tilespmem:s0], [sflag:$0x1], $0x1000, $0x38;
	[tilespmem:$0x1AA00] =	vst v63  }
0x3d: {  	_ =	swait.ge [sflag:s31], $0x1000  }
0x3e: {  	[sflag:s31] =	ssyncset.done $0x0  }
0x3f: {  	s19 =	rddreg [dreg:$0xe];
	[sflag:s31] =	ssyncadd.s32 $0xFFFFF000  }
0x40: {  	[spmem:s19] =	stream.linear.scatter [tilespmem:s0], [sflag:$0x1], $0x1000, $0x38;
	[tilespmem:$0x1AA00] =	vst v63  }
0x41: {  	_ =	swait.ge [sflag:s31], $0x1000  }
0x42: {  	[sflag:s31] =	ssyncset.done $0x0  }
0x43: {  	s20 =	rddreg [dreg:$0xf];
	[sflag:s31] =	ssyncadd.s32 $0xFFFFF000  }
0x44: {  	[spmem:s20] =	stream.linear.scatter [tilespmem:s0], [sflag:$0x1], $0x1000, $0x38;
	[tilespmem:$0x1AA00] =	vst v63  }
0x45: {  	_ =	swait.ge [sflag:s31], $0x1000  }
0x46: {  	[sflag:s31] =	ssyncset.done $0x0  }
0x47: {  	s21 =	rddreg [dreg:$0x10];
	[sflag:s31] =	ssyncadd.s32 $0xFFFFF000  }
0x48: {  	[spmem:s21] =	stream.linear.scatter [tilespmem:s0], [sflag:$0x1], $0x1000, $0x38;
	[tilespmem:$0x1AA00] =	vst v63  }
0x49: {  	_ =	swait.ge [sflag:s31], $0x1000  }
0x4a: {  	[sflag:s31] =	ssyncset.done $0x0  }
0x4b: {  	s23 =	rddreg [dreg:$0x11];
	[sflag:s31] =	ssyncadd.s32 $0xFFFFF000  }
0x4c: {  	[spmem:s23] =	stream.linear.scatter [tilespmem:s0], [sflag:$0x1], $0x1000, $0x38;
	[tilespmem:$0x1AA00] =	vst v63  }
0x4d: {  	_ =	swait.ge [sflag:s31], $0x1000  }
0x4e: {  	[sflag:s31] =	ssyncset.done $0x0  }
0x4f: {  	s18 =	rddreg [dreg:$0x12];
	[sflag:s31] =	ssyncadd.s32 $0xFFFFF000  }
0x50: {  	[spmem:s18] =	stream.linear.scatter [tilespmem:s0], [sflag:$0x1], $0x1000, $0x38;
	[tilespmem:$0x1AA00] =	vst v63  }
0x51: {  	_ =	swait.ge [sflag:s31], $0x1000  }
0x52: {  	[sflag:s31] =	ssyncset.done $0x0  }
0x53: {  	s19 =	rddreg [dreg:$0x13];
	[sflag:s31] =	ssyncadd.s32 $0xFFFFF000  }
0x54: {  	[spmem:s19] =	stream.linear.scatter [tilespmem:s0], [sflag:$0x1], $0x1000, $0x38;
	[tilespmem:$0x1AA00] =	vst v63  }
0x55: {  	_ =	swait.ge [sflag:s31], $0x1000  }
0x56: {  	[sflag:s31] =	ssyncset.done $0x0  }
0x57: {  	s20 =	rddreg [dreg:$0x14];
	[sflag:s31] =	ssyncadd.s32 $0xFFFFF000  }
0x58: {  	[spmem:s20] =	stream.linear.scatter [tilespmem:s0], [sflag:$0x1], $0x1000, $0x38;
	[tilespmem:$0x1AA00] =	vst v63  }
0x59: {  	_ =	swait.ge [sflag:s31], $0x1000  }
0x5a: {  	[sflag:s31] =	ssyncset.done $0x0  }
0x5b: {  	[sflag:s31] =	ssyncadd.s32 $0xFFFFF000  }
0x5c: {  	[spmem:s24] =	stream.linear.scatter [tilespmem:s0], [sflag:$0x1], $0x1000, $0x38;
	[tilespmem:$0x1AA00] =	vst v63  }
0x5d: {  	_ =	swait.ge [sflag:s31], $0x1000  }
0x5e: {  	[sflag:s31] =	ssyncset.done $0x0  }
0x5f: {  	s21 =	rddreg [dreg:$0x7];
	[sflag:s31] =	ssyncadd.s32 $0xFFFFF000  }
0x60: {  	[spmem:s26] =	stream.linear.scatter [tilespmem:s0], [sflag:$0x1], $0x1000, $0x38;
	[tilespmem:$0x1AA00] =	vst v63  }
0x61: {  	s17 =	sadd.s32 s21, s16;
	_ =	swait.ge [sflag:s31], $0x1000  }
0x62: {  	s18 =	smul.u32 $0x25800, s17;
	[sflag:s31] =	ssyncset.done $0x0  }
0x63: {  	s19 =	simm.s32 $0x0;
	[sflag:s31] =	ssyncadd.s32 $0xFFFFF000  }
0x64: {  	v8 =	vor.u32 s19, v0;
	s18 =	sadd.s32 s28, s18;
	[bflag:$0x0] =	sbarrier.arrive $0xFFFF  }
0x65: {  	v12 =	vmul.u32 $0x3, v8;
	s18 =	sshrl.u32 s18, $0x3;
	s20 =	rddreg [dreg:$0x3]  }
0x66: {  	s18 =	sadd.s32 s20, s18  }
0x67: {  	v14 =	vadd.s32 $0x2, v12;
	[tilespmem:s19], [sflag:$0x1] =	stream.linear.gather [hbm4b:s18+s19], $0x2580, $0x38;
	[tilespmem:$0x1AA00] =	vst v63  }
0x68: {  	s23 =	simm.s32 $0x0;
	v20 =	vadd.s32 $0x1, v12;
	_ =	swait.ge [sflag:s31], $0x2580  }
0x69: {  	s21 =	sadd.s32 $0x0, s22;
	s18 =	simm.s32 $0x10;
	[sflag:s31] =	ssyncset.done $0x0  }
0x6a: {  	v8 =	vshll.u32 v8, $0x4;
	s20 =	sand.u32 $0xFFFFFF80, s23;
	s19 =	sand.u32 $0x70, s19;
	v15 =	vor.u32 s18, v0;
	[sflag:s31] =	ssyncadd.s32 $0xFFFFDA80  }
0x6b: {  	v11 =	vor.u32 $0x1, v8;
	v9 =	vor.u32 $0x2, v8;
	p0 =	slt.u32 s21, $0xC350;
	s19 =	sor.u32 s19, s20;
	v10 =	vmul.u32 $0x3, v15;
	v19 =	vld.idx.msk [tilespmem:v12+s2+$0x0], $0xffff  }
0x6c: {  	v16 =	vpsel !p0, $0x0, v3;
	v13 =	vor.u32 s19, v0;
	v17 =	vshll.u32 v15, $0x4;
	v18 =	vld.idx.msk [tilespmem:v14+s2+$0x0], $0xffff  }
0x6d: {  	s20 =	simm.s32 $0x2;
	s19 =	simm.s32 $0x1;
	v12 =	vor.u32 $0x3, v8;
	v14 =	vadd.s32 $0x1, v10;
	v15 =	vadd.s32 $0x2, v10;
	v20 =	vld.idx.msk [tilespmem:v20+s2+$0x0], $0xffff  }
.LBB2_3:
0x6e: {  	p0 =	sne.s32 s20, $0x67;
	s21 =	smov.u32 s20;
	s20 =	sadd.s32 $0x1, s20  }
0x6f: {  	_ = 	snop  }
0x70: {  	[tilespmem:v8+s30+$0x0] =	vst.idx.msk $0xffff, v16;
	v8 =	vmov v17  }
0x71: {  	v17 =	vmul.f32 v19, v4;
	[tilespmem:v11+s30+$0x0] =	vst.idx.msk $0xffff, v19;
	v11 =	vor.u32 $0x1, v8  }
0x72: {  	s23 =	sadd.s32 s18, s22;
	v16 =	vor.u32 $0x2, v8;
	v19 =	vmul.f32 v18, v4  }
0x73: {  	p1 =	slt.u32 s23, $0xC350;
	v21 =	vor.u32 $0x3, v8;
	v22 =	vtrunc.f32 v17;
	v23 =	vmul.f32 v20, v4;
	[tilespmem:v9+s30+$0x0] =	vst.idx.msk $0xffff, v20;
	v9 =	vmovc v16  }
0x74: {  	v16 =	vpsel !p1, $0x0, v3;
	v20 =	vcvt.f32.s32 v22;
	vm0 =	vlt.f32 v17, v22;
	[tilespmem:v12+s30+$0x0] =	vst.idx.msk $0xffff, v18;
	v12 =	vmovc v21  }
0x75: {  	v17 =	vsel vm0, $0xFFFFFFFF, v2;
	v18 =	vtrunc.f32 v23;
	v21 =	vtrunc.f32 v19  }
0x76: {  	v22 =	vcvt.f32.s32 v18;
	vm0 =	vlt.f32 v23, v18;
	v18 =	vcvt.f32.s32 v21  }
0x77: {  	v17 =	vadd.s32 v20, v17;
	v20 =	vsel vm0, $0xFFFFFFFF, v2;
	vm0 =	vlt.f32 v19, v21  }
0x78: {  	v19 =	vadd.s32 v22, v20;
	v20 =	vsel vm0, $0xFFFFFFFF, v2  }
0x79: {  	v17 =	vmul.u32 $0xF45D, v17;
	v18 =	vadd.s32 v18, v20;
	v19 =	vmul.u32 $0x409F, v19  }
0x7a: {  	s23 =	sshll.u32 s19, $0x4;
	s19 =	smov.u32 s21;
	v18 =	vmul.u32 $0xFFB7, v18  }
0x7b: {  	s21 =	sand.u32 $0x70, s18;
	s23 =	sand.u32 $0xFFFFFF80, s23;
	v17 =	vxor.u32 v17, v19  }
0x7c: {  	s18 =	sadd.s32 $0x10, s18;
	s21 =	sor.u32 s21, s23;
	v17 =	vxor.u32 v18, v17  }
.Ltmp0:
0x7d: {  	v19 =	vor.u32 s21, v0;
	v18 =	vor.u32 s18, v0;
	v17 =	vand.u32 $0xFFFF, v17;
	(pc) =	sbr.rel @p0 .LBB2_3-.Ltmp0, $4  }
0x7e: {  	v20 =	vmul.u32 $0x3, v18;
	[tilespmem:v13+s25+$0x0] =	vst.idx.msk $0xffff, v17;
	v13 =	vmov v19  }
0x7f: {  	v17 =	vshll.u32 v18, $0x4;
	v19 =	vld.idx.msk [tilespmem:v10+s2+$0x0], $0xffff  }
0x80: {  	v21 =	vadd.s32 $0x1, v20;
	v10 =	vmov v20;
	v18 =	vld.idx.msk [tilespmem:v15+s2+$0x0], $0xffff;
	v15 =	vadd.s32 $0x2, v20  }
0x81: {  	v20 =	vld.idx.msk [tilespmem:v14+s2+$0x0], $0xffff;
	v14 =	vmov v21  }
0x82: {  	_ =	sdelay $0x1  }
0x83: {  	v21 =	vmul.f32 v19, v4  }
0x84: {  	v24 =	vmul.f32 v18, v4  }
0x85: {  	v22 =	vtrunc.f32 v21;
	v23 =	vmul.f32 v20, v4  }
0x86: {  	v54 =	vcvt.f32.s32 v22  }
0x87: {  	vm0 =	vlt.f32 v21, v22;
	v26 =	vtrunc.f32 v24;
	v25 =	vtrunc.f32 v23  }
0x88: {  	v55 =	vsel vm0, $0xFFFFFFFF, v2;
	vm11 =	vlt.f32 v23, v25;
	v56 =	vcvt.f32.s32 v25  }
0x89: {  	vm12 =	vlt.f32 v24, v26;
	v58 =	vcvt.f32.s32 v26;
	v57 =	vsel vm11, $0xFFFFFFFF, v2  }
0x8a: {  	v21 =	vadd.s32 v54, v55;
	v60 =	vsel vm12, $0xFFFFFFFF, v2;
	v59 =	vadd.s32 v56, v57  }
0x8b: {  	v23 =	vadd.s32 v58, v60;
	v21 =	vmul.u32 $0xF45D, v21;
	v22 =	vmul.u32 $0x409F, v59  }
0x8c: {  	[tilespmem:v8+s30+$0x0] =	vst.idx.msk $0xffff, v16;
	v8 =	vmul.u32 $0xFFB7, v23  }
0x8d: {  	[tilespmem:v11+s30+$0x0] =	vst.idx.msk $0xffff, v19;
	v11 =	vxor.u32 v21, v22  }
0x8e: {  	[tilespmem:v9+s30+$0x0] =	vst.idx.msk $0xffff, v20;
	v8 =	vxor.u32 v8, v11  }
0x8f: {  	[tilespmem:v12+s30+$0x0] =	vst.idx.msk $0xffff, v18;
	v8 =	vand.u32 $0xFFFF, v8  }
0x90: {  	[tilespmem:v13+s25+$0x0] =	vst.idx.msk $0xffff, v8  }
0x91: {  	v8 =	vld.idx.msk [tilespmem:v10+s2+$0x0], $0xffff  }
0x92: {  	v9 =	vld.idx.msk [tilespmem:v14+s2+$0x0], $0xffff  }
0x93: {  	s19 =	sshll.u32 s19, $0x4;
	v10 =	vld.idx.msk [tilespmem:v15+s2+$0x0], $0xffff  }
0x94: {  	s23 =	sand.u32 $0x70, s18;
	s19 =	sand.u32 $0xFFFFFF80, s19  }
0x95: {  	s20 =	sadd.s32 s18, s22;
	s18 =	sor.u32 s23, s19  }
0x96: {  	v19 =	vor.u32 s18, v0  }
0x97: {  	v12 =	vor.u32 $0x1, v17;
	v11 =	vmul.f32 v8, v4;
	v18 =	vmul.f32 v9, v4  }
0x98: {  	p0 =	slt.u32 s20, $0xC350;
	v13 =	vor.u32 $0x2, v17;
	v14 =	vor.u32 $0x3, v17;
	v20 =	vmul.f32 v10, v4  }
0x99: {  	v15 =	vpsel !p0, $0x0, v3;
	v16 =	vtrunc.f32 v11;
	v61 =	vtrunc.f32 v18  }
0x9a: {  	v62 =	vtrunc.f32 v20;
	vm13 =	vlt.f32 v11, v16;
	v11 =	vcvt.f32.s32 v16  }
0x9b: {  	v63 =	vcvt.f32.s32 v61;
	vm14 =	vlt.f32 v18, v61;
	v18 =	vcvt.f32.s32 v62  }
0x9c: {  	vm15 =	vlt.f32 v20, v62;
	v16 =	vsel vm13, $0xFFFFFFFF, v2;
	v21 =	vsel vm14, $0xFFFFFFFF, v2  }
0x9d: {  	v20 =	vsel vm15, $0xFFFFFFFF, v2;
	v11 =	vadd.s32 v11, v16;
	v16 =	vadd.s32 v63, v21  }
0x9e: {  	v18 =	vadd.s32 v18, v20;
	v11 =	vmul.u32 $0xF45D, v11;
	v16 =	vmul.u32 $0x409F, v16  }
0x9f: {  	[tilespmem:v17+s30+$0x0] =	vst.idx.msk $0xffff, v15;
	v15 =	vmul.u32 $0xFFB7, v18  }
0xa0: {  	[tilespmem:v12+s30+$0x0] =	vst.idx.msk $0xffff, v8;
	v8 =	vxor.u32 v11, v16  }
0xa1: {  	[tilespmem:v13+s30+$0x0] =	vst.idx.msk $0xffff, v9;
	v8 =	vxor.u32 v15, v8  }
0xa2: {  	[tilespmem:v14+s30+$0x0] =	vst.idx.msk $0xffff, v10;
	v8 =	vand.u32 $0xFFFF, v8  }
0xa3: {  	[tilespmem:v19+s25+$0x0] =	vst.idx.msk $0xffff, v8  }
0xa4: {  	[spmem:s1] =	stream.indirect.scatter.add.f32 [tilespmem:s30], [sflag:$0x1], $0x10, s25, s5, $0xb8;
	[tilespmem:$0x1AA00] =	vst v63  }
0xa5: {  	_ =	swait.ge [sflag:s31], $0x800  }
0xa6: {  	[sflag:s31] =	ssyncset.done $0x0  }
0xa7: {  	s20 =	simm.s32 $0x2600;
	[sflag:s31] =	ssyncadd.s32 $0xFFFFF800  }
0xa8: {  	[spmem:s1] =	stream.indirect.scatter.add.f32 [tilespmem:s3], [sflag:$0x1], $0x10, s20, s5, $0xb8;
	[tilespmem:$0x1AA00] =	vst v63  }
0xa9: {  	_ =	swait.ge [sflag:s31], $0x800  }
0xaa: {  	[sflag:s31] =	ssyncset.done $0x0  }
0xab: {  	s21 =	simm.s32 $0x2680;
	[sflag:s31] =	ssyncadd.s32 $0xFFFFF800  }
0xac: {  	[spmem:s1] =	stream.indirect.scatter.add.f32 [tilespmem:s4], [sflag:$0x1], $0x10, s21, s5, $0xb8;
	[tilespmem:$0x1AA00] =	vst v63  }
0xad: {  	_ =	swait.ge [sflag:s31], $0x800  }
0xae: {  	[sflag:s31] =	ssyncset.done $0x0  }
0xaf: {  	s23 =	simm.s32 $0x2700;
	[sflag:s31] =	ssyncadd.s32 $0xFFFFF800  }
0xb0: {  	[spmem:s1] =	stream.indirect.scatter.add.f32 [tilespmem:s6], [sflag:$0x1], $0x10, s23, s5, $0xb8;
	[tilespmem:$0x1AA00] =	vst v63  }
0xb1: {  	_ =	swait.ge [sflag:s31], $0x800  }
0xb2: {  	[sflag:s31] =	ssyncset.done $0x0  }
0xb3: {  	s19 =	simm.s32 $0x2780;
	[sflag:s31] =	ssyncadd.s32 $0xFFFFF800  }
0xb4: {  	[spmem:s1] =	stream.indirect.scatter.add.f32 [tilespmem:s7], [sflag:$0x1], $0x10, s19, s5, $0xb8;
	[tilespmem:$0x1AA00] =	vst v63  }
0xb5: {  	_ =	swait.ge [sflag:s31], $0x800  }
0xb6: {  	[sflag:s31] =	ssyncset.done $0x0  }
0xb7: {  	s20 =	simm.s32 $0x2800;
	[sflag:s31] =	ssyncadd.s32 $0xFFFFF800  }
0xb8: {  	[spmem:s1] =	stream.indirect.scatter.add.f32 [tilespmem:s9], [sflag:$0x1], $0x10, s20, s5, $0xb8;
	[tilespmem:$0x1AA00] =	vst v63  }
0xb9: {  	_ =	swait.ge [sflag:s31], $0x800  }
0xba: {  	[sflag:s31] =	ssyncset.done $0x0  }
0xbb: {  	s21 =	simm.s32 $0x2880;
	[sflag:s31] =	ssyncadd.s32 $0xFFFFF800  }
0xbc: {  	[spmem:s1] =	stream.indirect.scatter.add.f32 [tilespmem:s10], [sflag:$0x1], $0x10, s21, s5, $0xb8;
	[tilespmem:$0x1AA00] =	vst v63  }
0xbd: {  	_ =	swait.ge [sflag:s31], $0x800  }
0xbe: {  	[sflag:s31] =	ssyncset.done $0x0  }
0xbf: {  	s23 =	simm.s32 $0x2900;
	[sflag:s31] =	ssyncadd.s32 $0xFFFFF800  }
0xc0: {  	[spmem:s1] =	stream.indirect.scatter.add.f32 [tilespmem:s11], [sflag:$0x1], $0x10, s23, s5, $0xb8;
	[tilespmem:$0x1AA00] =	vst v63  }
0xc1: {  	_ =	swait.ge [sflag:s31], $0x800  }
0xc2: {  	[sflag:s31] =	ssyncset.done $0x0  }
0xc3: {  	s19 =	simm.s32 $0x2980;
	[sflag:s31] =	ssyncadd.s32 $0xFFFFF800  }
0xc4: {  	[spmem:s1] =	stream.indirect.scatter.add.f32 [tilespmem:s12], [sflag:$0x1], $0x10, s19, s5, $0xb8;
	[tilespmem:$0x1AA00] =	vst v63  }
0xc5: {  	_ =	swait.ge [sflag:s31], $0x800  }
0xc6: {  	[sflag:s31] =	ssyncset.done $0x0  }
0xc7: {  	s20 =	simm.s32 $0x2A00;
	[sflag:s31] =	ssyncadd.s32 $0xFFFFF800  }
0xc8: {  	[spmem:s1] =	stream.indirect.scatter.add.f32 [tilespmem:s13], [sflag:$0x1], $0x10, s20, s5, $0xb8;
	[tilespmem:$0x1AA00] =	vst v63  }
0xc9: {  	_ =	swait.ge [sflag:s31], $0x800  }
0xca: {  	[sflag:s31] =	ssyncset.done $0x0  }
0xcb: {  	s21 =	simm.s32 $0x2A80;
	[sflag:s31] =	ssyncadd.s32 $0xFFFFF800  }
0xcc: {  	[spmem:s1] =	stream.indirect.scatter.add.f32 [tilespmem:s14], [sflag:$0x1], $0x10, s21, s5, $0xb8;
	[tilespmem:$0x1AA00] =	vst v63  }
0xcd: {  	s23 =	simm.s32 $0x680;
	_ =	swait.ge [sflag:s31], $0x800  }
0xce: {  	v8 =	vmov s23;
	[sflag:s31] =	ssyncset.done $0x0  }
0xcf: {  	v8 =	vmul.u32 $0x3, v8;
	s19 =	simm.s32 $0x2B00;
	[sflag:s31] =	ssyncadd.s32 $0xFFFFF800  }
0xd0: {  	[spmem:s1] =	stream.indirect.scatter.add.f32 [tilespmem:s15], [sflag:$0x1], $0x10, s19, s5, $0xb8;
	[tilespmem:$0x1AA00] =	vst v63  }
0xd1: {  	v8 =	vbroadcast v8, $0x0;
	_ =	swait.ge [sflag:s31], $0x800  }
0xd2: {  	s18 =	simm.s32 $0x0;
	[sflag:s31] =	ssyncset.done $0x0  }
0xd3: {  	v9 =	vadd.s32 v1, v8;
	s20 =	simm.s32 $0x2B80;
	s21 =	simm.s32 $0x9200;
	[sflag:s31] =	ssyncadd.s32 $0xFFFFF800  }
0xd4: {  	v10 =	vadd.s32 v5, v8;
	[spmem:s1] =	stream.indirect.scatter.add.f32 [tilespmem:s21], [sflag:$0x1], $0x10, s20, s5, $0xb8;
	[tilespmem:$0x1AA00] =	vst v63  }
0xd5: {  	v11 =	vmov s18;
	v8 =	vadd.s32 v6, v8;
	_ =	swait.ge [sflag:s31], $0x800  }
0xd6: {  	v11 =	vshll.u32 v11, $0x4;
	[sflag:s31] =	ssyncset.done $0x0  }
0xd7: {  	v14 =	vor.u32 v7, v11;
	s23 =	simm.s32 $0x0;
	[sflag:s31] =	ssyncadd.s32 $0xFFFFF800  }
0xd8: {  	v16 =	vor.u32 $0x1, v14;
	v20 =	vor.u32 $0x2, v14;
	v12 =	vmov s23;
	s23 =	simm.s32 $0x0;
	s20 =	sadd.s32 $0x0, s29;
	s21 =	simm.s32 $0x690;
	v13 =	vld.idx.msk [tilespmem:v9+s2+$0x0], $0xffff  }
0xd9: {  	v11 =	vadd.s32 $0xD, v12;
	p5 =	slt.u32 s20, $0xC350;
	v9 =	vmov s23;
	v19 =	vld.idx.msk [tilespmem:v10+s2+$0x0], $0xffff;
	v10 =	vmov s21  }
0xda: {  	v11 =	vshll.u32 v11, $0x7;
	s20 =	sand.u32 $0x70, s18;
	s18 =	simm.s32 $0x10;
	p0 =	por p5, p5;
	v8 =	vld.idx.msk [tilespmem:v8+s2+$0x0], $0xffff;
	v9 =	vadd.s32 $0xD, v9;
	v10 =	vmul.u32 $0x3, v10  }
0xdb: {  	v11 =	vor.u32 s20, v11;
	v15 =	vpsel !p0, $0x0, v3;
	s21 =	sand.u32 $0x70, s18;
	v12 =	vshll.u32 v9, $0x7  }
0xdc: {  	[tilespmem:v14+s30+$0x0] =	vst.idx.msk $0xffff, v15;
	v9 =	vbroadcast v11, $0x0;
	v11 =	vor.u32 s21, v12;
	v10 =	vbroadcast v10, $0x0  }
0xdd: {  	s23 =	sadd.s32 $0x10, s29;
	v12 =	vbroadcast v11, $0x0;
	v15 =	vmul.f32 v13, v4;
	[tilespmem:v16+s30+$0x0] =	vst.idx.msk $0xffff, v13  }
0xde: {  	p6 =	slt.u32 s23, $0xC350;
	v13 =	vadd.s32 v1, v10;
	v11 =	vadd.s32 v5, v10;
	v16 =	vmul.f32 v19, v4  }
0xdf: {  	s19 =	simm.s32 $0x2;
	p0 =	por p6, p6;
	v10 =	vadd.s32 v6, v10;
	v17 =	vmul.f32 v8, v4;
	[tilespmem:v20+s30+$0x0] =	vst.idx.msk $0xffff, v19;
	v18 =	vtrunc.f32 v15  }
.LBB2_5:
0xe0: {  	p1 =	sne.s32 s19, $0x5F;
	v19 =	vcvt.f32.s32 v18;
	v14 =	vor.u32 $0x3, v14;
	v20 =	vor.u32 v0, v9;
	v9 =	vmovc v12;
	s20 =	smov.u32 s19;
	s19 =	sadd.s32 $0x1, s19  }
0xe1: {  	vm0 =	vlt.f32 v15, v18;
	v12 =	vtrunc.f32 v16;
	v15 =	vtrunc.f32 v17  }
0xe2: {  	v18 =	vcvt.f32.s32 v12;
	vm1 =	vlt.f32 v16, v12;
	v12 =	vcvt.f32.s32 v15  }
0xe3: {  	v16 =	vsel vm0, $0xFFFFFFFF, v2;
	v21 =	vsel vm1, $0xFFFFFFFF, v2;
	vm0 =	vlt.f32 v17, v15  }
0xe4: {  	v15 =	vadd.s32 v19, v16;
	v16 =	vadd.s32 v18, v21;
	v17 =	vsel vm0, $0xFFFFFFFF, v2  }
0xe5: {  	v15 =	vmul.u32 $0xF45D, v15;
	v12 =	vadd.s32 v12, v17;
	v16 =	vmul.u32 $0x409F, v16  }
0xe6: {  	v12 =	vmul.u32 $0xFFB7, v12  }
0xe7: {  	v15 =	vxor.u32 v15, v16  }
0xe8: {  	v12 =	vxor.u32 v12, v15  }
0xe9: {  	s20 =	sshrl.u32 s20, $0x3;
	v15 =	vmov s18;
	v12 =	vand.u32 $0xFFFF, v12;
	[tilespmem:v14+s30+$0x0] =	vst.idx.msk $0xffff, v8  }
0xea: {  	v8 =	vmov s20;
	v14 =	vshll.u32 v15, $0x4;
	[tilespmem:v20+s25+$0x0] =	vst.idx.msk $0xffff, v12  }
0xeb: {  	s18 =	sadd.s32 $0x10, s18;
	v8 =	vadd.s32 $0xD, v8;
	v14 =	vor.u32 v7, v14;
	v13 =	vld.idx.msk [tilespmem:v13+s2+$0x0], $0xffff  }
0xec: {  	s21 =	sadd.s32 s18, s29;
	s23 =	sand.u32 $0x70, s18;
	s20 =	sadd.s32 $0x680, s18;
	v8 =	vshll.u32 v8, $0x7;
	v19 =	vld.idx.msk [tilespmem:v11+s2+$0x0], $0xffff;
	v11 =	vor.u32 $0x1, v14  }
0xed: {  	p2 =	slt.u32 s21, $0xC350;
	v12 =	vmov s20;
	v15 =	vor.u32 s23, v8;
	v8 =	vld.idx.msk [tilespmem:v10+s2+$0x0], $0xffff  }
0xee: {  	v20 =	vor.u32 $0x2, v14;
	v10 =	vmul.u32 $0x3, v12;
	v12 =	vbroadcast v15, $0x0  }
.Ltmp1:
0xef: {  	v15 =	vpsel !p0, $0x0, v3;
	p0 =	por p2, p2;
	(pc) =	sbr.rel @p1 .LBB2_5-.Ltmp1, $4  }
0xf0: {  	v10 =	vbroadcast v10, $0x0;
	[tilespmem:v14+s30+$0x0] =	vst.idx.msk $0xffff, v15  }
0xf1: {  	v15 =	vmul.f32 v13, v4;
	[tilespmem:v11+s30+$0x0] =	vst.idx.msk $0xffff, v13  }
0xf2: {  	v13 =	vadd.s32 v1, v10;
	v11 =	vadd.s32 v5, v10;
	v16 =	vmul.f32 v19, v4  }
0xf3: {  	v10 =	vadd.s32 v6, v10;
	v18 =	vtrunc.f32 v15;
	v17 =	vmul.f32 v8, v4;
	[tilespmem:v20+s30+$0x0] =	vst.idx.msk $0xffff, v19  }
0xf4: {  	v19 =	vcvt.f32.s32 v18;
	v14 =	vor.u32 $0x3, v14;
	v9 =	vor.u32 v0, v9  }
0xf5: {  	vm0 =	vlt.f32 v15, v18;
	v42 =	vtrunc.f32 v16;
	v43 =	vtrunc.f32 v17  }
0xf6: {  	v20 =	vcvt.f32.s32 v42;
	vm1 =	vlt.f32 v16, v42;
	v45 =	vsel vm0, $0xFFFFFFFF, v2  }
0xf7: {  	v44 =	vcvt.f32.s32 v43;
	v21 =	vsel vm1, $0xFFFFFFFF, v2;
	vm12 =	vlt.f32 v17, v43  }
0xf8: {  	v16 =	vadd.s32 v19, v45;
	v46 =	vadd.s32 v20, v21;
	v18 =	vsel vm12, $0xFFFFFFFF, v2  }
0xf9: {  	v16 =	vmul.u32 $0xF45D, v16;
	v15 =	vadd.s32 v44, v18;
	v17 =	vmul.u32 $0x409F, v46  }
0xfa: {  	v15 =	vmul.u32 $0xFFB7, v15  }
0xfb: {  	v16 =	vxor.u32 v16, v17  }
0xfc: {  	v15 =	vxor.u32 v15, v16  }
0xfd: {  	[tilespmem:v14+s30+$0x0] =	vst.idx.msk $0xffff, v8;
	v15 =	vand.u32 $0xFFFF, v15  }
0xfe: {  	[tilespmem:v9+s25+$0x0] =	vst.idx.msk $0xffff, v15  }
0xff: {  	v8 =	vld.idx.msk [tilespmem:v13+s2+$0x0], $0xffff  }
0x100: {  	v9 =	vld.idx.msk [tilespmem:v11+s2+$0x0], $0xffff  }
0x101: {  	v10 =	vld.idx.msk [tilespmem:v10+s2+$0x0], $0xffff;
	_ =	sdelay $0x1  }
0x102: {  	v47 =	vmov s18  }
0x103: {  	v53 =	vpsel !p0, $0x0, v3;
	v12 =	vor.u32 v0, v12;
	v11 =	vshll.u32 v47, $0x4  }
0x104: {  	v11 =	vor.u32 v7, v11;
	v13 =	vmul.f32 v8, v4;
	v51 =	vmul.f32 v9, v4  }
0x105: {  	v48 =	vor.u32 $0x1, v11;
	v49 =	vor.u32 $0x2, v11;
	v54 =	vmul.f32 v10, v4  }
0x106: {  	v56 =	vor.u32 $0x3, v11;
	v50 =	vtrunc.f32 v13;
	v57 =	vtrunc.f32 v51  }
0x107: {  	v58 =	vtrunc.f32 v54;
	v52 =	vcvt.f32.s32 v50;
	vm13 =	vlt.f32 v13, v50  }
0x108: {  	vm14 =	vlt.f32 v51, v57;
	v59 =	vcvt.f32.s32 v57;
	vm15 =	vlt.f32 v54, v58  }
0x109: {  	v60 =	vcvt.f32.s32 v58;
	v55 =	vsel vm13, $0xFFFFFFFF, v2;
	v61 =	vsel vm14, $0xFFFFFFFF, v2  }
0x10a: {  	v62 =	vsel vm15, $0xFFFFFFFF, v2;
	v18 =	vadd.s32 v52, v55;
	v17 =	vadd.s32 v59, v61  }
0x10b: {  	v16 =	vadd.s32 v60, v62;
	v18 =	vmul.u32 $0xF45D, v18;
	v17 =	vmul.u32 $0x409F, v17  }
0x10c: {  	[tilespmem:v11+s30+$0x0] =	vst.idx.msk $0xffff, v53;
	v63 =	vmul.u32 $0xFFB7, v16  }
0x10d: {  	[tilespmem:v48+s30+$0x0] =	vst.idx.msk $0xffff, v8;
	v8 =	vxor.u32 v18, v17  }
0x10e: {  	[tilespmem:v49+s30+$0x0] =	vst.idx.msk $0xffff, v9;
	v8 =	vxor.u32 v63, v8  }
0x10f: {  	[tilespmem:v56+s30+$0x0] =	vst.idx.msk $0xffff, v10;
	v8 =	vand.u32 $0xFFFF, v8  }
0x110: {  	s20 =	simm.s32 $0x2C00;
	[tilespmem:v12+s25+$0x0] =	vst.idx.msk $0xffff, v8  }
0x111: {  	[spmem:s1] =	stream.indirect.scatter.add.f32 [tilespmem:s30], [sflag:$0x1], $0x10, s20, s5, $0xb8;
	[tilespmem:$0x1AA00] =	vst v63  }
0x112: {  	_ =	swait.ge [sflag:s31], $0x800  }
0x113: {  	[sflag:s31] =	ssyncset.done $0x0  }
0x114: {  	s21 =	simm.s32 $0x2C80;
	[sflag:s31] =	ssyncadd.s32 $0xFFFFF800  }
0x115: {  	[spmem:s1] =	stream.indirect.scatter.add.f32 [tilespmem:s3], [sflag:$0x1], $0x10, s21, s5, $0xb8;
	[tilespmem:$0x1AA00] =	vst v63  }
0x116: {  	_ =	swait.ge [sflag:s31], $0x800  }
0x117: {  	[sflag:s31] =	ssyncset.done $0x0  }
0x118: {  	s23 =	simm.s32 $0x2D00;
	[sflag:s31] =	ssyncadd.s32 $0xFFFFF800  }
0x119: {  	[spmem:s1] =	stream.indirect.scatter.add.f32 [tilespmem:s4], [sflag:$0x1], $0x10, s23, s5, $0xb8;
	[tilespmem:$0x1AA00] =	vst v63  }
0x11a: {  	_ =	swait.ge [sflag:s31], $0x800  }
0x11b: {  	[sflag:s31] =	ssyncset.done $0x0  }
0x11c: {  	s19 =	simm.s32 $0x2D80;
	[sflag:s31] =	ssyncadd.s32 $0xFFFFF800  }
0x11d: {  	[spmem:s1] =	stream.indirect.scatter.add.f32 [tilespmem:s6], [sflag:$0x1], $0x10, s19, s5, $0xb8;
	[tilespmem:$0x1AA00] =	vst v63  }
0x11e: {  	_ =	swait.ge [sflag:s31], $0x800  }
0x11f: {  	[sflag:s31] =	ssyncset.done $0x0  }
0x120: {  	s20 =	simm.s32 $0x2E00;
	[sflag:s31] =	ssyncadd.s32 $0xFFFFF800  }
0x121: {  	[spmem:s1] =	stream.indirect.scatter.add.f32 [tilespmem:s7], [sflag:$0x1], $0x10, s20, s5, $0xb8;
	[tilespmem:$0x1AA00] =	vst v63  }
0x122: {  	_ =	swait.ge [sflag:s31], $0x800  }
0x123: {  	[sflag:s31] =	ssyncset.done $0x0  }
0x124: {  	s21 =	simm.s32 $0x2E80;
	[sflag:s31] =	ssyncadd.s32 $0xFFFFF800  }
0x125: {  	[spmem:s1] =	stream.indirect.scatter.add.f32 [tilespmem:s9], [sflag:$0x1], $0x10, s21, s5, $0xb8;
	[tilespmem:$0x1AA00] =	vst v63  }
0x126: {  	_ =	swait.ge [sflag:s31], $0x800  }
0x127: {  	[sflag:s31] =	ssyncset.done $0x0  }
0x128: {  	s23 =	simm.s32 $0x2F00;
	[sflag:s31] =	ssyncadd.s32 $0xFFFFF800  }
0x129: {  	[spmem:s1] =	stream.indirect.scatter.add.f32 [tilespmem:s10], [sflag:$0x1], $0x10, s23, s5, $0xb8;
	[tilespmem:$0x1AA00] =	vst v63  }
0x12a: {  	_ =	swait.ge [sflag:s31], $0x800  }
0x12b: {  	[sflag:s31] =	ssyncset.done $0x0  }
0x12c: {  	s19 =	simm.s32 $0x2F80;
	[sflag:s31] =	ssyncadd.s32 $0xFFFFF800  }
0x12d: {  	[spmem:s1] =	stream.indirect.scatter.add.f32 [tilespmem:s11], [sflag:$0x1], $0x10, s19, s5, $0xb8;
	[tilespmem:$0x1AA00] =	vst v63  }
0x12e: {  	_ =	swait.ge [sflag:s31], $0x800  }
0x12f: {  	[sflag:s31] =	ssyncset.done $0x0  }
0x130: {  	s20 =	simm.s32 $0x3000;
	[sflag:s31] =	ssyncadd.s32 $0xFFFFF800  }
0x131: {  	[spmem:s1] =	stream.indirect.scatter.add.f32 [tilespmem:s12], [sflag:$0x1], $0x10, s20, s5, $0xb8;
	[tilespmem:$0x1AA00] =	vst v63  }
0x132: {  	_ =	swait.ge [sflag:s31], $0x800  }
0x133: {  	[sflag:s31] =	ssyncset.done $0x0  }
0x134: {  	s21 =	simm.s32 $0x3080;
	[sflag:s31] =	ssyncadd.s32 $0xFFFFF800  }
0x135: {  	[spmem:s1] =	stream.indirect.scatter.add.f32 [tilespmem:s13], [sflag:$0x1], $0x10, s21, s5, $0xb8;
	[tilespmem:$0x1AA00] =	vst v63  }
0x136: {  	_ =	swait.ge [sflag:s31], $0x800  }
0x137: {  	[sflag:s31] =	ssyncset.done $0x0  }
0x138: {  	s23 =	simm.s32 $0x3100;
	[sflag:s31] =	ssyncadd.s32 $0xFFFFF800  }
0x139: {  	[spmem:s1] =	stream.indirect.scatter.add.f32 [tilespmem:s14], [sflag:$0x1], $0x10, s23, s5, $0xb8;
	[tilespmem:$0x1AA00] =	vst v63  }
0x13a: {  	_ =	swait.ge [sflag:s31], $0x800  }
0x13b: {  	[sflag:s31] =	ssyncset.done $0x0  }
0x13c: {  	s19 =	simm.s32 $0x3180;
	[sflag:s31] =	ssyncadd.s32 $0xFFFFF800  }
0x13d: {  	[spmem:s1] =	stream.indirect.scatter.add.f32 [tilespmem:s15], [sflag:$0x1], $0x10, s19, s5, $0xb8;
	[tilespmem:$0x1AA00] =	vst v63  }
0x13e: {  	_ =	swait.ge [sflag:s31], $0x800  }
0x13f: {  	s17 =	sshll.u32 s17, $0x14;
	s16 =	sadd.s32 $0x1, s16;
	[sflag:s31] =	ssyncset.done $0x0  }
0x140: {  	p0 =	sne.s32 s16, $0x4;
	s20 =	rddreg [dreg:$0x5];
	[sflag:s31] =	ssyncadd.s32 $0xFFFFF800  }
0x141: {  	s21 =	stileid.u32;
	s17 =	sor.u32 s20, s17;
	[bflag:$0x0] =	sbarrier.arrive $0xFFFF  }
0x142: {  	s18 =	sshll.u32 s21, $0x6;
	s17 =	sshrl.u32 s17, $0x3;
	s19 =	rddreg [dreg:$0x6]  }
0x143: {  	s18 =	sor.u32 $0x1C01, s18;
	s23 =	sshrl.u32 s8, $0x3;
	s17 =	sadd.s32 s19, s17  }
0x144: {  	[hbm:s17], [sflag:s18] =	dma.local [spmem:s23], $0x2000  }
.Ltmp2:
0x145: {  	_ =	swait.ge [sflag:s31], $0x2000;
	(pc) =	sbr.rel @p0 .LBB2_2-.Ltmp2, $3  }
0x146: {  	[sflag:s31] =	ssyncset.done $0x0  }
0x147: {  	[sflag:s31] =	ssyncadd.s32 $0xFFFFE000  }
0x148: {  	[bflag:$0x0] =	sbarrier.arrive $0xFFFF;
	_ =	sdelay $0x1  }
0x149: {  	s17 =	rddreg [dreg:$0x16]  }
0x14a: {  	s16 =	rddreg [dreg:$0x15];
	s17 =	sadd.s32 $0x1, s17  }
0x14b: {  	p0 =	sne.s32 s17, s16  }
.Ltmp3:
0x14c: {  	_ = 	snop;
	(pc) =	sbr.rel @p0 .LBB2_1-.Ltmp3, $1  }
0x14d: {  	_ =	sdelay $0x3  }
0x14e: {  	_ =	sfence.sel $0x180000  }
0x14f: {  	[bflag:$0x0] =	sbarrier.arrive $0xFFFF  }
0x150: {  	_ =	strace $0x90000047  }
0x151: {  	s0 =	stileid.u32;
	[bflag:$0x2] =	sbarrier.arrive $0xFFFF  }
0x152: {  	p0 =	sne.s32 s0, $0x0;
	s0 =	rddreg [dreg:$0x2]  }
0x153: {  	s0 =	sadd.s32 @!p0 $0x100000, s0  }
0x154: {  	[sflag:s0] =	ssyncadd.tile.s32 @!p0 $0x1;
	_ =	shalt  }
.Lfunc_end2:
_tile_overlayer_lowered:
.L_overlay_start_2:
0x155: {  	(tag) =	ssettag $0x2  }
0x156: {  	s0 =	rddreg [dreg:$0x0];
	s2 =	stileid.u32  }
0x157: {  	s1 =	rddreg [dreg:$0x1];
	p0 =	sne.s32 s2, $0x0  }
0x158: {  	s3 =	rddreg [dreg:$0x2];
	[bflag:$0x3] =	sbarrier.arrive $0xFFFF;
	s2 =	simm.s32 @!p0 $0x1C01  }
0x159: {  	[timem:s3], [sflag:s2] =	dma.local @!p0 [hbm:s0], s1  }
0x15a: {  	s0 =	simm.s32 @!p0 $0x1  }
0x15b: {  	_ =	swait.ge @!p0 [sflag:s0], s1  }
0x15c: {  	s1 =	ssub.s32 @!p0 $0x0, s1;
	[sflag:s0] =	ssyncset.done @!p0 $0x0  }
0x15d: {  	[sflag:s0] =	ssyncadd.s32 @!p0 s1  }
0x15e: {  	[bflag:$0x3] =	sbarrier.arrive $0xFFFF  }
0x15f: {  	_ =	shalt  }

</sc_bundles>
